<compile_context>
chip_gen: v7x
topology: tpu7x:2x2x1
jax: 0.10.2.dev20260603
libtpu: 0.0.44.dev20260713+nightly
codegen_flags: <defaults>
</compile_context>

<pallas_src>
import functools

import jax
import jax.numpy as jnp
import numpy as np
from jax import lax
from jax.experimental import pallas as pl
from jax.experimental.pallas import tpu as pltpu
from jax.experimental.pallas import tpu_sc as plsc

N = 10000
E = 320000
D_EDGE = 16
H = 128
G = 64
OUT = 128
BN_EPS = 1e-5

NW = 32
CHUNK = 128
CHUNKS_PER_W = 79
E_PAD = NW * CHUNKS_PER_W * CHUNK
N_AGG = 10240
ROWS_PER_TILE = N_AGG // 16


def _sc_propagate(h, ee, src_p, dst_p):
    mesh = plsc.VectorSubcoreMesh(core_axis_name="c", subcore_axis_name="s")

    @functools.partial(
        pl.kernel,
        mesh=mesh,
        out_type=jax.ShapeDtypeStruct((2, N_AGG, H), jnp.float32),
        scratch_types=[
            pltpu.VMEM((CHUNK,), jnp.int32),
            pltpu.VMEM((CHUNK,), jnp.int32),
            pltpu.VMEM((CHUNK, H), jnp.float32),
            pltpu.VMEM((CHUNK, H), jnp.float32),
            pltpu.VMEM_SHARED((N_AGG, H), jnp.float32),
            pltpu.SemaphoreType.DMA,
        ],
    )
    def body(h_hbm, ee_hbm, src_hbm, dst_hbm, out_hbm,
             src_v, dst_v, rows_v, ee_v, agg_sh, sem):
        cid = lax.axis_index("c")
        sid = lax.axis_index("s")
        wid = cid * 16 + sid

        def zbody(i, carry):
            for j in range(8):
                ee_v[i, pl.ds(j * 16, 16)] = jnp.zeros((16,), jnp.float32)
            return carry
        lax.fori_loop(0, CHUNK, zbody, 0)
        for c in range(ROWS_PER_TILE // CHUNK):
            pltpu.sync_copy(
                ee_v, agg_sh.at[pl.ds(sid * ROWS_PER_TILE + c * CHUNK, CHUNK)])
        plsc.subcore_barrier()

        def chunk_body(g, carry):
            base = wid * (CHUNKS_PER_W * CHUNK) + g * CHUNK
            pltpu.sync_copy(src_hbm.at[pl.ds(base, CHUNK)], src_v)
            pltpu.sync_copy(dst_hbm.at[pl.ds(base, CHUNK)], dst_v)
            gat = pltpu.async_copy(h_hbm.at[src_v], rows_v, sem)
            pltpu.sync_copy(ee_hbm.at[pl.ds(base, CHUNK)], ee_v)
            gat.wait()

            def rbody(i, c2):
                for j in range(8):
                    s = pl.ds(j * 16, 16)
                    rows_v[i, s] = jnp.maximum(rows_v[i, s] + ee_v[i, s], 0.0)
                return c2
            lax.fori_loop(0, CHUNK, rbody, 0)
            pltpu.sync_copy(rows_v, agg_sh.at[dst_v], add=True)
            return carry
        lax.fori_loop(0, CHUNKS_PER_W, chunk_body, 0)
        plsc.subcore_barrier()

        for c in range(ROWS_PER_TILE // CHUNK):
            r0 = sid * ROWS_PER_TILE + c * CHUNK
            pltpu.sync_copy(agg_sh.at[pl.ds(r0, CHUNK)], ee_v)
            pltpu.sync_copy(ee_v, out_hbm.at[cid, pl.ds(r0, CHUNK)])

    return body(h, ee, src_p, dst_p)


def _edge_mlp(ea_p, wl):
    BE = 2048
    grid = E_PAD // BE

    def body(ea_ref, *refs):
        ea = ea_ref[...]
        for l in range(3):
            w1 = refs[4 * l][...]
            b1 = refs[4 * l + 1][...]
            w2 = refs[4 * l + 2][...]
            b2 = refs[4 * l + 3][...]
            t = jnp.maximum(
                jax.lax.dot_general(ea, w1, (((1,), (0,)), ((), ())),
                                    preferred_element_type=jnp.float32) + b1,
                0.0)
            refs[12 + l][...] = jax.lax.dot_general(
                t, w2, (((1,), (0,)), ((), ())),
                preferred_element_type=jnp.float32) + b2

    wspec = pl.BlockSpec((D_EDGE, H), lambda i: (0, 0))
    hspec = pl.BlockSpec((H, H), lambda i: (0, 0))
    bspec = pl.BlockSpec((1, H), lambda i: (0, 0))
    in_specs = [pl.BlockSpec((BE, D_EDGE), lambda i: (i, 0))]
    args = [ea_p]
    for p in wl:
        in_specs += [wspec, bspec, hspec, bspec]
        args += [p['be1_w'], p['be1_b'].reshape(1, H),
                 p['be2_w'], p['be2_b'].reshape(1, H)]

    return pl.pallas_call(
        body,
        grid=(grid,),
        in_specs=in_specs,
        out_specs=[pl.BlockSpec((BE, H), lambda i: (i, 0))] * 3,
        out_shape=[jax.ShapeDtypeStruct((E_PAD, H), jnp.float32)] * 3,
    )(*args)


_INV_BN = float(1.0 / np.sqrt(1.0 + BN_EPS))


def _node_mlp(h, a0, a1, p):
    BNR = 2000
    grid = N // BNR
    eps1 = (1.0 + p['eps']).reshape(1, 1) * jnp.ones((1, H), jnp.float32)

    def body(h_ref, a0_ref, a1_ref, e_ref, w1_ref, b1_ref, w2_ref, b2_ref,
             g_ref, bb_ref, o_ref):
        z = h_ref[...] * e_ref[...] + a0_ref[...] + a1_ref[...]
        t = jnp.maximum(
            jax.lax.dot_general(z, w1_ref[...], (((1,), (0,)), ((), ())),
                                preferred_element_type=jnp.float32)
            + b1_ref[...], 0.0)
        y = jax.lax.dot_general(t, w2_ref[...], (((1,), (0,)), ((), ())),
                                preferred_element_type=jnp.float32) + b2_ref[...]
        y = jnp.maximum(y, 0.0)
        o_ref[...] = y * (g_ref[...] * _INV_BN) + bb_ref[...]

    rows = pl.BlockSpec((BNR, H), lambda i: (i, 0))
    full = pl.BlockSpec((H, H), lambda i: (0, 0))
    vec = pl.BlockSpec((1, H), lambda i: (0, 0))
    return pl.pallas_call(
        body,
        grid=(grid,),
        in_specs=[rows, rows, rows, vec, full, vec, full, vec, vec, vec],
        out_specs=rows,
        out_shape=jax.ShapeDtypeStruct((N, H), jnp.float32),
    )(h, a0, a1, eps1, p['m1_w'], p['m1_b'].reshape(1, H),
      p['m2_w'], p['m2_b'].reshape(1, H),
      p['bn_g'].reshape(1, H), p['bn_b'].reshape(1, H))


def _pool_fc(h1, h2, h3, batch3, f1a, f1b, f1c, fc1_b, fc4_w, fc4_b):
    BR = 1000
    grid = N // BR

    def body(b_ref, h1_ref, h2_ref, h3_ref, f1a_ref, f1b_ref, f1c_ref,
             fb1_ref, f4_ref, fb4_ref, o_ref, s1, s2, s3, cnt):
        i = pl.program_id(0)

        @pl.when(i == 0)
        def _():
            s1[...] = jnp.zeros((G, H), jnp.float32)
            s2[...] = jnp.zeros((G, H), jnp.float32)
            s3[...] = jnp.zeros((G, H), jnp.float32)
            cnt[...] = jnp.zeros((G, H), jnp.float32)

        b = b_ref[0]
        iota = lax.broadcasted_iota(jnp.int32, (G, BR), 0)
        oh = (iota == b).astype(jnp.float32)

        def mm(a, c):
            return jax.lax.dot_general(a, c, (((1,), (0,)), ((), ())),
                                       preferred_element_type=jnp.float32)

        s1[...] += mm(oh, h1_ref[...])
        s2[...] += mm(oh, h2_ref[...])
        s3[...] += mm(oh, h3_ref[...])
        cnt[...] += mm(oh, jnp.ones((BR, H), jnp.float32))

        @pl.when(i == grid - 1)
        def _():
            inv = 1.0 / jnp.maximum(cnt[:, 0:1], 1.0)
            m1 = s1[...] * inv
            m2 = s2[...] * inv
            m3 = s3[...] * inv
            hf = jnp.maximum(
                mm(m1, f1a_ref[...]) + mm(m2, f1b_ref[...])
                + mm(m3, f1c_ref[...]) + fb1_ref[...], 0.0)
            o_ref[...] = mm(hf, f4_ref[...]) + fb4_ref[...]

    rows = pl.BlockSpec((BR, H), lambda i: (i, 0))
    full = pl.BlockSpec((H, H), lambda i: (0, 0))
    vec = pl.BlockSpec((1, H), lambda i: (0, 0))
    bspec = pl.BlockSpec((1, 1, BR), lambda i: (i, 0, 0))
    return pl.pallas_call(
        body,
        grid=(grid,),
        in_specs=[bspec, rows, rows, rows, full, full, full, vec, full, vec],
        out_specs=pl.BlockSpec((G, OUT), lambda i: (0, 0)),
        out_shape=jax.ShapeDtypeStruct((G, OUT), jnp.float32),
        scratch_shapes=[pltpu.VMEM((G, H), jnp.float32)] * 4,
    )(batch3, h1, h2, h3, f1a, f1b, f1c, fc1_b.reshape(1, H),
      fc4_w, fc4_b.reshape(1, OUT))


def kernel(x, edge_index, edge_attr, batch, params):
    src = edge_index[0]
    dst = edge_index[1]
    pad = E_PAD - E
    src_p = jnp.concatenate([src, jnp.zeros((pad,), jnp.int32)])
    dst_p = jnp.concatenate([dst, jnp.full((pad,), N, jnp.int32)])
    ea_p = jnp.concatenate([edge_attr, jnp.zeros((pad, D_EDGE), jnp.float32)])

    ee = _edge_mlp(ea_p, params['layers'])

    hs = []
    h = x
    for l, p in enumerate(params['layers']):
        aggs = _sc_propagate(h, ee[l], src_p, dst_p)
        h = _node_mlp(h, aggs[0, :N], aggs[1, :N], p)
        hs.append(h)

    batch3 = batch.reshape(N // 1000, 1, 1000)
    f1 = params['fc1_w']
    return _pool_fc(hs[0], hs[1], hs[2], batch3,
                    f1[0:H], f1[H:2 * H], f1[2 * H:3 * H],
                    params['fc1_b'], params['fc4_w'], params['fc4_b'])

# --- scband reference (transcript-rebuilt; emitter-appended) ---
"""Pipeline reference for scband-net-gine-68006512165297 (READ-ONLY COPY).

The authoritative reference and input builder live on the scoring server;
editing this copy changes nothing except your own understanding.
"""

import jax, jax.numpy as jnp
import numpy as np

N = 10000
E = 320000
D_NODE = 128
D_EDGE = 16
H = 128
L = 3
G = 64
OUT = 128
BN_EPS = 1e-5


def _init_linear(key, fan_in, fan_out):
    k1, k2 = jax.random.split(key)
    bound = 1.0 / np.sqrt(fan_in)
    w = jax.random.uniform(k1, (fan_in, fan_out), minval=-bound, maxval=bound, dtype=jnp.float32)
    b = jax.random.uniform(k2, (fan_out,), minval=-bound, maxval=bound, dtype=jnp.float32)
    return w, b


def setup_inputs(seed: int = 0) -> dict:
    key = jax.random.key(seed)
    ks = jax.random.split(key, 40)
    x = jax.random.normal(ks[0], (N, D_NODE), dtype=jnp.float32)
    edge_index = jax.random.randint(ks[1], (2, E), 0, N, dtype=jnp.int32)
    edge_attr = jax.random.normal(ks[2], (E, D_EDGE), dtype=jnp.float32)
    batch = jnp.sort(jax.random.randint(ks[3], (N,), 0, G, dtype=jnp.int32))

    layers = []
    ki = 4
    for l in range(L):
        dim1 = D_NODE if l == 0 else H
        dim2 = H
        be1_w, be1_b = _init_linear(ks[ki + 0], D_EDGE, dim1)
        be2_w, be2_b = _init_linear(ks[ki + 1], dim1, dim1)
        m1_w, m1_b = _init_linear(ks[ki + 2], dim1, dim1)
        m2_w, m2_b = _init_linear(ks[ki + 3], dim1, dim2)
        layers.append({
            'be1_w': be1_w, 'be1_b': be1_b,
            'be2_w': be2_w, 'be2_b': be2_b,
            'm1_w': m1_w, 'm1_b': m1_b,
            'm2_w': m2_w, 'm2_b': m2_b,
            'eps': jnp.zeros((), dtype=jnp.float32),
            'bn_g': jnp.ones((H,), dtype=jnp.float32),
            'bn_b': jnp.zeros((H,), dtype=jnp.float32),
        })
        ki += 4
    fc1_w, fc1_b = _init_linear(ks[ki + 0], L * H, H)
    fc4_w, fc4_b = _init_linear(ks[ki + 1], H, OUT)
    params = {'layers': layers, 'fc1_w': fc1_w, 'fc1_b': fc1_b, 'fc4_w': fc4_w, 'fc4_b': fc4_b}
    return {'x': x, 'edge_index': edge_index, 'edge_attr': edge_attr, 'batch': batch, 'params': params}


def reference(x, edge_index, edge_attr, batch, params):
    src = edge_index[0]
    dst = edge_index[1]
    x_lst = []
    h = x
    for p in params['layers']:
        # bond encoder
        ee = jnp.maximum(edge_attr @ p['be1_w'] + p['be1_b'], 0.0) @ p['be2_w'] + p['be2_b']
        # message: relu(x_j + edge_emb), aggr='add' at dst
        msg = jnp.maximum(h[src] + ee, 0.0)
        agg = jax.ops.segment_sum(msg, dst, num_segments=N)
        z = (1.0 + p['eps']) * h + agg
        z = jnp.maximum(z @ p['m1_w'] + p['m1_b'], 0.0) @ p['m2_w'] + p['m2_b']
        # F.relu(conv(...))
        z = jnp.maximum(z, 0.0)
        # BatchNorm in eval mode: running_mean=0, running_var=1
        z = (z - 0.0) / jnp.sqrt(1.0 + BN_EPS) * p['bn_g'] + p['bn_b']
        h = z
        x_lst.append(h)
    xc = jnp.concatenate(x_lst, axis=-1)
    # global mean pool per graph
    sums = jax.ops.segment_sum(xc, batch, num_segments=G)
    counts = jax.ops.segment_sum(jnp.ones((N,), dtype=jnp.float32), batch, num_segments=G)
    mean = sums / jnp.maximum(counts, 1.0)[:, None]
    hfc = jnp.maximum(mean @ params['fc1_w'] + params['fc1_b'], 0.0)
    # dropout is identity in eval mode
    out = hfc @ params['fc4_w'] + params['fc4_b']
    return out

if __name__ == "__main__":
    import jax
    _d = setup_inputs()
    print(jax.jit(kernel)(*tuple(_d.values())))

</pallas_src>

<mosaic_0001>
#map = affine_map<(d0, d1) -> (0, 0)>
#map1 = affine_map<(d0, d1) -> (0)>
#map2 = affine_map<(d0, d1) -> (0, 0, 0)>
module attributes {stable_mosaic.version = 14 : i64} {
  func.func @body(%arg0: i32, %arg1: i32, %arg2: memref<10000x128xf32, #tpu.memory_space<hbm>>, %arg3: memref<323584x128xf32, #tpu.memory_space<hbm>>, %arg4: memref<323584xi32, #tpu.memory_space<hbm>>, %arg5: memref<323584xi32, #tpu.memory_space<hbm>>, %arg6: memref<2x10240x128xf32, #tpu.memory_space<hbm>>, %arg7: memref<128xi32, #tpu.memory_space<vmem>>, %arg8: memref<128xi32, #tpu.memory_space<vmem>>, %arg9: memref<128x128xf32, #tpu.memory_space<vmem>>, %arg10: memref<128x128xf32, #tpu.memory_space<vmem>>, %arg11: memref<10240x128xf32, #tpu.memory_space<vmem_shared>>, %arg12: memref<!tpu.dma_semaphore, #tpu.memory_space<semaphore_mem>>) attributes {dimension_semantics = [#tpu.dimension_semantics<core_parallel>, #tpu.dimension_semantics<subcore_parallel>], iteration_bounds = array<i64: 2, 16>, scalar_prefetch = 0 : i64, scratch_operands = 6 : i64, tpu.core_type = #tpu.core_type<sc_vector_subcore>, window_params = [{transform_indices = #map}, {transform_indices = #map}, {transform_indices = #map1}, {transform_indices = #map1}, {transform_indices = #map2}]} {
    %mul3A = arith.constant 16 : i32
    %mul3A_0 = arith.muli %arg0, %mul3A : i32
    %add3A = arith.addi %mul3A_0, %arg1 : i32
    %scan3A = arith.constant 0 : i32
    %scan3A_1 = arith.constant 0 : i32
    %scan3A_2 = arith.constant 128 : i32
    %scan3A_3 = arith.addi %scan3A_1, %scan3A_2 : i32
    %scan3A_4 = arith.constant 1 : i32
    scf.for %scan3A_53 = %scan3A_1 to %scan3A_3 step %scan3A_4  : i32 {
      %broadcast_in_dim3A = arith.constant 0.000000e+00 : f32
      %broadcast_in_dim3A_54 = vector.broadcast %broadcast_in_dim3A : f32 to vector<16xf32>
      %swap3A = arith.index_cast %scan3A_53 : i32 to index
      %swap3A_55 = arith.constant 0 : index
      %swap3A_56 = tpu.vector_load %arg10[%swap3A, %swap3A_55] {strides = array<i32>} : memref<128x128xf32, #tpu.memory_space<vmem>>, vector<1x16xf32>,
      %swap3A_57 = vector.shape_cast %swap3A_56 : vector<1x16xf32> to vector<16xf32>
      %swap3A_58 = vector.shape_cast %broadcast_in_dim3A_54 : vector<16xf32> to vector<1x16xf32>
      tpu.vector_store %arg10[%swap3A, %swap3A_55], %swap3A_58 {strides = array<i32>} : memref<128x128xf32, #tpu.memory_space<vmem>>, vector<1x16xf32>,
      %broadcast_in_dim3A_59 = arith.constant 0.000000e+00 : f32
      %broadcast_in_dim3A_60 = vector.broadcast %broadcast_in_dim3A_59 : f32 to vector<16xf32>
      %swap3A_61 = arith.index_cast %scan3A_53 : i32 to index
      %swap3A_62 = arith.constant 16 : index
      %swap3A_63 = tpu.vector_load %arg10[%swap3A_61, %swap3A_62] {strides = array<i32>} : memref<128x128xf32, #tpu.memory_space<vmem>>, vector<1x16xf32>,
      %swap3A_64 = vector.shape_cast %swap3A_63 : vector<1x16xf32> to vector<16xf32>
      %swap3A_65 = vector.shape_cast %broadcast_in_dim3A_60 : vector<16xf32> to vector<1x16xf32>
      tpu.vector_store %arg10[%swap3A_61, %swap3A_62], %swap3A_65 {strides = array<i32>} : memref<128x128xf32, #tpu.memory_space<vmem>>, vector<1x16xf32>,
      %broadcast_in_dim3A_66 = arith.constant 0.000000e+00 : f32
      %broadcast_in_dim3A_67 = vector.broadcast %broadcast_in_dim3A_66 : f32 to vector<16xf32>
      %swap3A_68 = arith.index_cast %scan3A_53 : i32 to index
      %swap3A_69 = arith.constant 32 : index
      %swap3A_70 = tpu.vector_load %arg10[%swap3A_68, %swap3A_69] {strides = array<i32>} : memref<128x128xf32, #tpu.memory_space<vmem>>, vector<1x16xf32>,
      %swap3A_71 = vector.shape_cast %swap3A_70 : vector<1x16xf32> to vector<16xf32>
      %swap3A_72 = vector.shape_cast %broadcast_in_dim3A_67 : vector<16xf32> to vector<1x16xf32>
      tpu.vector_store %arg10[%swap3A_68, %swap3A_69], %swap3A_72 {strides = array<i32>} : memref<128x128xf32, #tpu.memory_space<vmem>>, vector<1x16xf32>,
      %broadcast_in_dim3A_73 = arith.constant 0.000000e+00 : f32
      %broadcast_in_dim3A_74 = vector.broadcast %broadcast_in_dim3A_73 : f32 to vector<16xf32>
      %swap3A_75 = arith.index_cast %scan3A_53 : i32 to index
      %swap3A_76 = arith.constant 48 : index
      %swap3A_77 = tpu.vector_load %arg10[%swap3A_75, %swap3A_76] {strides = array<i32>} : memref<128x128xf32, #tpu.memory_space<vmem>>, vector<1x16xf32>,
      %swap3A_78 = vector.shape_cast %swap3A_77 : vector<1x16xf32> to vector<16xf32>
      %swap3A_79 = vector.shape_cast %broadcast_in_dim3A_74 : vector<16xf32> to vector<1x16xf32>
      tpu.vector_store %arg10[%swap3A_75, %swap3A_76], %swap3A_79 {strides = array<i32>} : memref<128x128xf32, #tpu.memory_space<vmem>>, vector<1x16xf32>,
      %broadcast_in_dim3A_80 = arith.constant 0.000000e+00 : f32
      %broadcast_in_dim3A_81 = vector.broadcast %broadcast_in_dim3A_80 : f32 to vector<16xf32>
      %swap3A_82 = arith.index_cast %scan3A_53 : i32 to index
      %swap3A_83 = arith.constant 64 : index
      %swap3A_84 = tpu.vector_load %arg10[%swap3A_82, %swap3A_83] {strides = array<i32>} : memref<128x128xf32, #tpu.memory_space<vmem>>, vector<1x16xf32>,
      %swap3A_85 = vector.shape_cast %swap3A_84 : vector<1x16xf32> to vector<16xf32>
      %swap3A_86 = vector.shape_cast %broadcast_in_dim3A_81 : vector<16xf32> to vector<1x16xf32>
      tpu.vector_store %arg10[%swap3A_82, %swap3A_83], %swap3A_86 {strides = array<i32>} : memref<128x128xf32, #tpu.memory_space<vmem>>, vector<1x16xf32>,
      %broadcast_in_dim3A_87 = arith.constant 0.000000e+00 : f32
      %broadcast_in_dim3A_88 = vector.broadcast %broadcast_in_dim3A_87 : f32 to vector<16xf32>
      %swap3A_89 = arith.index_cast %scan3A_53 : i32 to index
      %swap3A_90 = arith.constant 80 : index
      %swap3A_91 = tpu.vector_load %arg10[%swap3A_89, %swap3A_90] {strides = array<i32>} : memref<128x128xf32, #tpu.memory_space<vmem>>, vector<1x16xf32>,
      %swap3A_92 = vector.shape_cast %swap3A_91 : vector<1x16xf32> to vector<16xf32>
      %swap3A_93 = vector.shape_cast %broadcast_in_dim3A_88 : vector<16xf32> to vector<1x16xf32>
      tpu.vector_store %arg10[%swap3A_89, %swap3A_90], %swap3A_93 {strides = array<i32>} : memref<128x128xf32, #tpu.memory_space<vmem>>, vector<1x16xf32>,
      %broadcast_in_dim3A_94 = arith.constant 0.000000e+00 : f32
      %broadcast_in_dim3A_95 = vector.broadcast %broadcast_in_dim3A_94 : f32 to vector<16xf32>
      %swap3A_96 = arith.index_cast %scan3A_53 : i32 to index
      %swap3A_97 = arith.constant 96 : index
      %swap3A_98 = tpu.vector_load %arg10[%swap3A_96, %swap3A_97] {strides = array<i32>} : memref<128x128xf32, #tpu.memory_space<vmem>>, vector<1x16xf32>,
      %swap3A_99 = vector.shape_cast %swap3A_98 : vector<1x16xf32> to vector<16xf32>
      %swap3A_100 = vector.shape_cast %broadcast_in_dim3A_95 : vector<16xf32> to vector<1x16xf32>
      tpu.vector_store %arg10[%swap3A_96, %swap3A_97], %swap3A_100 {strides = array<i32>} : memref<128x128xf32, #tpu.memory_space<vmem>>, vector<1x16xf32>,
      %broadcast_in_dim3A_101 = arith.constant 0.000000e+00 : f32
      %broadcast_in_dim3A_102 = vector.broadcast %broadcast_in_dim3A_101 : f32 to vector<16xf32>
      %swap3A_103 = arith.index_cast %scan3A_53 : i32 to index
      %swap3A_104 = arith.constant 112 : index
      %swap3A_105 = tpu.vector_load %arg10[%swap3A_103, %swap3A_104] {strides = array<i32>} : memref<128x128xf32, #tpu.memory_space<vmem>>, vector<1x16xf32>,
      %swap3A_106 = vector.shape_cast %swap3A_105 : vector<1x16xf32> to vector<16xf32>
      %swap3A_107 = vector.shape_cast %broadcast_in_dim3A_102 : vector<16xf32> to vector<1x16xf32>
      tpu.vector_store %arg10[%swap3A_103, %swap3A_104], %swap3A_107 {strides = array<i32>} : memref<128x128xf32, #tpu.memory_space<vmem>>, vector<1x16xf32>,
    }
    %scan3A_5 = arith.constant 128 : i32
    %mul3A_6 = arith.constant 640 : i32
    %mul3A_7 = arith.muli %arg1, %mul3A_6 : i32
    %add3A_8 = arith.constant 0 : i32
    %add3A_9 = arith.addi %mul3A_7, %add3A_8 : i32
    "tpu.region"() ({
      %run_scoped3A = tpu.sem_alloc : memref<!tpu.dma_semaphore, #tpu.memory_space<semaphore_mem>>
      %dma_start3A = arith.constant 0 : i32
      %dma_start3A_53 = tpu.memref_slice %arg11[%add3A_9, %dma_start3A] : memref<10240x128xf32, #tpu.memory_space<vmem_shared>> -> memref<128x128xf32, #tpu.memory_space<vmem_shared>>
      %dma_start3A_54 = arith.constant 0 : i32
      %dma_start3A_55 = tpu.memref_slice %arg11[%add3A_9, %dma_start3A_54] : memref<10240x128xf32, #tpu.memory_space<vmem_shared>> -> memref<128x128xf32, #tpu.memory_space<vmem_shared>>
      tpu.enqueue_dma source(%arg10 : memref<128x128xf32, #tpu.memory_space<vmem>>) target(%dma_start3A_55 : memref<128x128xf32, #tpu.memory_space<vmem_shared>>) target_semaphore(%run_scoped3A : memref<!tpu.dma_semaphore, #tpu.memory_space<semaphore_mem>>)
      %dma_wait3A = arith.constant 0 : i32
      %dma_wait3A_56 = tpu.memref_slice %arg11[%add3A_9, %dma_wait3A] : memref<10240x128xf32, #tpu.memory_space<vmem_shared>> -> memref<128x128xf32, #tpu.memory_space<vmem_shared>>
      %dma_wait3A_57 = arith.constant 0 : i32
      %dma_wait3A_58 = tpu.memref_slice %arg11[%add3A_9, %dma_wait3A_57] : memref<10240x128xf32, #tpu.memory_space<vmem_shared>> -> memref<128x128xf32, #tpu.memory_space<vmem_shared>>
      tpu.wait_dma2 semaphore(%run_scoped3A : memref<!tpu.dma_semaphore, #tpu.memory_space<semaphore_mem>>) src(%arg10 : memref<128x128xf32, #tpu.memory_space<vmem>>) dst(%dma_wait3A_58 : memref<128x128xf32, #tpu.memory_space<vmem_shared>>)
      tpu.yield
    }) : () -> ()
    %mul3A_10 = arith.constant 640 : i32
    %mul3A_11 = arith.muli %arg1, %mul3A_10 : i32
    %add3A_12 = arith.constant 128 : i32
    %add3A_13 = arith.addi %mul3A_11, %add3A_12 : i32
    "tpu.region"() ({
      %run_scoped3A = tpu.sem_alloc : memref<!tpu.dma_semaphore, #tpu.memory_space<semaphore_mem>>
      %dma_start3A = arith.constant 0 : i32
      %dma_start3A_53 = tpu.memref_slice %arg11[%add3A_13, %dma_start3A] : memref<10240x128xf32, #tpu.memory_space<vmem_shared>> -> memref<128x128xf32, #tpu.memory_space<vmem_shared>>
      %dma_start3A_54 = arith.constant 0 : i32
      %dma_start3A_55 = tpu.memref_slice %arg11[%add3A_13, %dma_start3A_54] : memref<10240x128xf32, #tpu.memory_space<vmem_shared>> -> memref<128x128xf32, #tpu.memory_space<vmem_shared>>
      tpu.enqueue_dma source(%arg10 : memref<128x128xf32, #tpu.memory_space<vmem>>) target(%dma_start3A_55 : memref<128x128xf32, #tpu.memory_space<vmem_shared>>) target_semaphore(%run_scoped3A : memref<!tpu.dma_semaphore, #tpu.memory_space<semaphore_mem>>)
      %dma_wait3A = arith.constant 0 : i32
      %dma_wait3A_56 = tpu.memref_slice %arg11[%add3A_13, %dma_wait3A] : memref<10240x128xf32, #tpu.memory_space<vmem_shared>> -> memref<128x128xf32, #tpu.memory_space<vmem_shared>>
      %dma_wait3A_57 = arith.constant 0 : i32
      %dma_wait3A_58 = tpu.memref_slice %arg11[%add3A_13, %dma_wait3A_57] : memref<10240x128xf32, #tpu.memory_space<vmem_shared>> -> memref<128x128xf32, #tpu.memory_space<vmem_shared>>
      tpu.wait_dma2 semaphore(%run_scoped3A : memref<!tpu.dma_semaphore, #tpu.memory_space<semaphore_mem>>) src(%arg10 : memref<128x128xf32, #tpu.memory_space<vmem>>) dst(%dma_wait3A_58 : memref<128x128xf32, #tpu.memory_space<vmem_shared>>)
      tpu.yield
    }) : () -> ()
    %mul3A_14 = arith.constant 640 : i32
    %mul3A_15 = arith.muli %arg1, %mul3A_14 : i32
    %add3A_16 = arith.constant 256 : i32
    %add3A_17 = arith.addi %mul3A_15, %add3A_16 : i32
    "tpu.region"() ({
      %run_scoped3A = tpu.sem_alloc : memref<!tpu.dma_semaphore, #tpu.memory_space<semaphore_mem>>
      %dma_start3A = arith.constant 0 : i32
      %dma_start3A_53 = tpu.memref_slice %arg11[%add3A_17, %dma_start3A] : memref<10240x128xf32, #tpu.memory_space<vmem_shared>> -> memref<128x128xf32, #tpu.memory_space<vmem_shared>>
      %dma_start3A_54 = arith.constant 0 : i32
      %dma_start3A_55 = tpu.memref_slice %arg11[%add3A_17, %dma_start3A_54] : memref<10240x128xf32, #tpu.memory_space<vmem_shared>> -> memref<128x128xf32, #tpu.memory_space<vmem_shared>>
      tpu.enqueue_dma source(%arg10 : memref<128x128xf32, #tpu.memory_space<vmem>>) target(%dma_start3A_55 : memref<128x128xf32, #tpu.memory_space<vmem_shared>>) target_semaphore(%run_scoped3A : memref<!tpu.dma_semaphore, #tpu.memory_space<semaphore_mem>>)
      %dma_wait3A = arith.constant 0 : i32
      %dma_wait3A_56 = tpu.memref_slice %arg11[%add3A_17, %dma_wait3A] : memref<10240x128xf32, #tpu.memory_space<vmem_shared>> -> memref<128x128xf32, #tpu.memory_space<vmem_shared>>
      %dma_wait3A_57 = arith.constant 0 : i32
      %dma_wait3A_58 = tpu.memref_slice %arg11[%add3A_17, %dma_wait3A_57] : memref<10240x128xf32, #tpu.memory_space<vmem_shared>> -> memref<128x128xf32, #tpu.memory_space<vmem_shared>>
      tpu.wait_dma2 semaphore(%run_scoped3A : memref<!tpu.dma_semaphore, #tpu.memory_space<semaphore_mem>>) src(%arg10 : memref<128x128xf32, #tpu.memory_space<vmem>>) dst(%dma_wait3A_58 : memref<128x128xf32, #tpu.memory_space<vmem_shared>>)
      tpu.yield
    }) : () -> ()
    %mul3A_18 = arith.constant 640 : i32
    %mul3A_19 = arith.muli %arg1, %mul3A_18 : i32
    %add3A_20 = arith.constant 384 : i32
    %add3A_21 = arith.addi %mul3A_19, %add3A_20 : i32
    "tpu.region"() ({
      %run_scoped3A = tpu.sem_alloc : memref<!tpu.dma_semaphore, #tpu.memory_space<semaphore_mem>>
      %dma_start3A = arith.constant 0 : i32
      %dma_start3A_53 = tpu.memref_slice %arg11[%add3A_21, %dma_start3A] : memref<10240x128xf32, #tpu.memory_space<vmem_shared>> -> memref<128x128xf32, #tpu.memory_space<vmem_shared>>
      %dma_start3A_54 = arith.constant 0 : i32
      %dma_start3A_55 = tpu.memref_slice %arg11[%add3A_21, %dma_start3A_54] : memref<10240x128xf32, #tpu.memory_space<vmem_shared>> -> memref<128x128xf32, #tpu.memory_space<vmem_shared>>
      tpu.enqueue_dma source(%arg10 : memref<128x128xf32, #tpu.memory_space<vmem>>) target(%dma_start3A_55 : memref<128x128xf32, #tpu.memory_space<vmem_shared>>) target_semaphore(%run_scoped3A : memref<!tpu.dma_semaphore, #tpu.memory_space<semaphore_mem>>)
      %dma_wait3A = arith.constant 0 : i32
      %dma_wait3A_56 = tpu.memref_slice %arg11[%add3A_21, %dma_wait3A] : memref<10240x128xf32, #tpu.memory_space<vmem_shared>> -> memref<128x128xf32, #tpu.memory_space<vmem_shared>>
      %dma_wait3A_57 = arith.constant 0 : i32
      %dma_wait3A_58 = tpu.memref_slice %arg11[%add3A_21, %dma_wait3A_57] : memref<10240x128xf32, #tpu.memory_space<vmem_shared>> -> memref<128x128xf32, #tpu.memory_space<vmem_shared>>
      tpu.wait_dma2 semaphore(%run_scoped3A : memref<!tpu.dma_semaphore, #tpu.memory_space<semaphore_mem>>) src(%arg10 : memref<128x128xf32, #tpu.memory_space<vmem>>) dst(%dma_wait3A_58 : memref<128x128xf32, #tpu.memory_space<vmem_shared>>)
      tpu.yield
    }) : () -> ()
    %mul3A_22 = arith.constant 640 : i32
    %mul3A_23 = arith.muli %arg1, %mul3A_22 : i32
    %add3A_24 = arith.constant 512 : i32
    %add3A_25 = arith.addi %mul3A_23, %add3A_24 : i32
    "tpu.region"() ({
      %run_scoped3A = tpu.sem_alloc : memref<!tpu.dma_semaphore, #tpu.memory_space<semaphore_mem>>
      %dma_start3A = arith.constant 0 : i32
      %dma_start3A_53 = tpu.memref_slice %arg11[%add3A_25, %dma_start3A] : memref<10240x128xf32, #tpu.memory_space<vmem_shared>> -> memref<128x128xf32, #tpu.memory_space<vmem_shared>>
      %dma_start3A_54 = arith.constant 0 : i32
      %dma_start3A_55 = tpu.memref_slice %arg11[%add3A_25, %dma_start3A_54] : memref<10240x128xf32, #tpu.memory_space<vmem_shared>> -> memref<128x128xf32, #tpu.memory_space<vmem_shared>>
      tpu.enqueue_dma source(%arg10 : memref<128x128xf32, #tpu.memory_space<vmem>>) target(%dma_start3A_55 : memref<128x128xf32, #tpu.memory_space<vmem_shared>>) target_semaphore(%run_scoped3A : memref<!tpu.dma_semaphore, #tpu.memory_space<semaphore_mem>>)
      %dma_wait3A = arith.constant 0 : i32
      %dma_wait3A_56 = tpu.memref_slice %arg11[%add3A_25, %dma_wait3A] : memref<10240x128xf32, #tpu.memory_space<vmem_shared>> -> memref<128x128xf32, #tpu.memory_space<vmem_shared>>
      %dma_wait3A_57 = arith.constant 0 : i32
      %dma_wait3A_58 = tpu.memref_slice %arg11[%add3A_25, %dma_wait3A_57] : memref<10240x128xf32, #tpu.memory_space<vmem_shared>> -> memref<128x128xf32, #tpu.memory_space<vmem_shared>>
      tpu.wait_dma2 semaphore(%run_scoped3A : memref<!tpu.dma_semaphore, #tpu.memory_space<semaphore_mem>>) src(%arg10 : memref<128x128xf32, #tpu.memory_space<vmem>>) dst(%dma_wait3A_58 : memref<128x128xf32, #tpu.memory_space<vmem_shared>>)
      tpu.yield
    }) : () -> ()
    %barrier3A = arith.constant 0 : index
    tpu.barrier barrier_id(%barrier3A)
    %scan3A_26 = arith.constant 0 : i32
    %scan3A_27 = arith.constant 0 : i32
    %scan3A_28 = arith.constant 79 : i32
    %scan3A_29 = arith.addi %scan3A_27, %scan3A_28 : i32
    %scan3A_30 = arith.constant 1 : i32
    scf.for %scan3A_53 = %scan3A_27 to %scan3A_29 step %scan3A_30  : i32 {
      %mul3A_54 = arith.constant 10112 : i32
      %mul3A_55 = arith.muli %add3A, %mul3A_54 : i32
      %mul3A_56 = arith.constant 128 : i32
      %mul3A_57 = arith.muli %scan3A_53, %mul3A_56 : i32
      %add3A_58 = arith.addi %mul3A_55, %mul3A_57 : i32
      "tpu.region"() ({
        %run_scoped3A = tpu.sem_alloc : memref<!tpu.dma_semaphore, #tpu.memory_space<semaphore_mem>>
        %dma_start3A_69 = tpu.memref_slice %arg4[%add3A_58] : memref<323584xi32, #tpu.memory_space<hbm>> -> memref<128xi32, #tpu.memory_space<hbm>>
        %dma_start3A_70 = tpu.memref_slice %arg4[%add3A_58] : memref<323584xi32, #tpu.memory_space<hbm>> -> memref<128xi32, #tpu.memory_space<hbm>>
        tpu.enqueue_dma source(%dma_start3A_70 : memref<128xi32, #tpu.memory_space<hbm>>) target(%arg7 : memref<128xi32, #tpu.memory_space<vmem>>) target_semaphore(%run_scoped3A : memref<!tpu.dma_semaphore, #tpu.memory_space<semaphore_mem>>)
        %dma_wait3A_71 = tpu.memref_slice %arg4[%add3A_58] : memref<323584xi32, #tpu.memory_space<hbm>> -> memref<128xi32, #tpu.memory_space<hbm>>
        %dma_wait3A_72 = tpu.memref_slice %arg4[%add3A_58] : memref<323584xi32, #tpu.memory_space<hbm>> -> memref<128xi32, #tpu.memory_space<hbm>>
        tpu.wait_dma2 semaphore(%run_scoped3A : memref<!tpu.dma_semaphore, #tpu.memory_space<semaphore_mem>>) src(%dma_wait3A_72 : memref<128xi32, #tpu.memory_space<hbm>>) dst(%arg7 : memref<128xi32, #tpu.memory_space<vmem>>)
        tpu.yield
      }) : () -> ()
      "tpu.region"() ({
        %run_scoped3A = tpu.sem_alloc : memref<!tpu.dma_semaphore, #tpu.memory_space<semaphore_mem>>
        %dma_start3A_69 = tpu.memref_slice %arg5[%add3A_58] : memref<323584xi32, #tpu.memory_space<hbm>> -> memref<128xi32, #tpu.memory_space<hbm>>
        %dma_start3A_70 = tpu.memref_slice %arg5[%add3A_58] : memref<323584xi32, #tpu.memory_space<hbm>> -> memref<128xi32, #tpu.memory_space<hbm>>
        tpu.enqueue_dma source(%dma_start3A_70 : memref<128xi32, #tpu.memory_space<hbm>>) target(%arg8 : memref<128xi32, #tpu.memory_space<vmem>>) target_semaphore(%run_scoped3A : memref<!tpu.dma_semaphore, #tpu.memory_space<semaphore_mem>>)
        %dma_wait3A_71 = tpu.memref_slice %arg5[%add3A_58] : memref<323584xi32, #tpu.memory_space<hbm>> -> memref<128xi32, #tpu.memory_space<hbm>>
        %dma_wait3A_72 = tpu.memref_slice %arg5[%add3A_58] : memref<323584xi32, #tpu.memory_space<hbm>> -> memref<128xi32, #tpu.memory_space<hbm>>
        tpu.wait_dma2 semaphore(%run_scoped3A : memref<!tpu.dma_semaphore, #tpu.memory_space<semaphore_mem>>) src(%dma_wait3A_72 : memref<128xi32, #tpu.memory_space<hbm>>) dst(%arg8 : memref<128xi32, #tpu.memory_space<vmem>>)
        tpu.yield
      }) : () -> ()
      %dma_start3A = arith.constant 0 : i32
      %dma_start3A_59 = arith.constant 0 : i32
      %dma_start3A_60 = tpu.memref_slice %arg2[%dma_start3A, %dma_start3A_59] : memref<10000x128xf32, #tpu.memory_space<hbm>> -> memref<10000x128xf32, #tpu.memory_space<hbm>>
      tpu.enqueue_indirect_dma source(%dma_start3A_60 : memref<10000x128xf32, #tpu.memory_space<hbm>>) target(%arg9 : memref<128x128xf32, #tpu.memory_space<vmem>>) offsets(%arg7 : memref<128xi32, #tpu.memory_space<vmem>>) semaphore(%arg12 : memref<!tpu.dma_semaphore, #tpu.memory_space<semaphore_mem>>)
      "tpu.region"() ({
        %run_scoped3A = tpu.sem_alloc : memref<!tpu.dma_semaphore, #tpu.memory_space<semaphore_mem>>
        %dma_start3A_69 = arith.constant 0 : i32
        %dma_start3A_70 = tpu.memref_slice %arg3[%add3A_58, %dma_start3A_69] : memref<323584x128xf32, #tpu.memory_space<hbm>> -> memref<128x128xf32, #tpu.memory_space<hbm>>
        %dma_start3A_71 = arith.constant 0 : i32
        %dma_start3A_72 = tpu.memref_slice %arg3[%add3A_58, %dma_start3A_71] : memref<323584x128xf32, #tpu.memory_space<hbm>> -> memref<128x128xf32, #tpu.memory_space<hbm>>
        tpu.enqueue_dma source(%dma_start3A_72 : memref<128x128xf32, #tpu.memory_space<hbm>>) target(%arg10 : memref<128x128xf32, #tpu.memory_space<vmem>>) target_semaphore(%run_scoped3A : memref<!tpu.dma_semaphore, #tpu.memory_space<semaphore_mem>>)
        %dma_wait3A_73 = arith.constant 0 : i32
        %dma_wait3A_74 = tpu.memref_slice %arg3[%add3A_58, %dma_wait3A_73] : memref<323584x128xf32, #tpu.memory_space<hbm>> -> memref<128x128xf32, #tpu.memory_space<hbm>>
        %dma_wait3A_75 = arith.constant 0 : i32
        %dma_wait3A_76 = tpu.memref_slice %arg3[%add3A_58, %dma_wait3A_75] : memref<323584x128xf32, #tpu.memory_space<hbm>> -> memref<128x128xf32, #tpu.memory_space<hbm>>
        tpu.wait_dma2 semaphore(%run_scoped3A : memref<!tpu.dma_semaphore, #tpu.memory_space<semaphore_mem>>) src(%dma_wait3A_76 : memref<128x128xf32, #tpu.memory_space<hbm>>) dst(%arg10 : memref<128x128xf32, #tpu.memory_space<vmem>>)
        tpu.yield
      }) : () -> ()
      %dma_wait3A = arith.constant 0 : i32
      %dma_wait3A_61 = arith.constant 0 : i32
      %dma_wait3A_62 = tpu.memref_slice %arg2[%dma_wait3A, %dma_wait3A_61] : memref<10000x128xf32, #tpu.memory_space<hbm>> -> memref<10000x128xf32, #tpu.memory_space<hbm>>
      tpu.wait_indirect_dma semaphore(%arg12 : memref<!tpu.dma_semaphore, #tpu.memory_space<semaphore_mem>>) src(%dma_wait3A_62 : memref<10000x128xf32, #tpu.memory_space<hbm>>) dst(%arg9 : memref<128x128xf32, #tpu.memory_space<vmem>>)
      %scan3A_63 = arith.constant 0 : i32
      %scan3A_64 = arith.constant 0 : i32
      %scan3A_65 = arith.constant 128 : i32
      %scan3A_66 = arith.addi %scan3A_64, %scan3A_65 : i32
      %scan3A_67 = arith.constant 1 : i32
      scf.for %scan3A_69 = %scan3A_64 to %scan3A_66 step %scan3A_67  : i32 {
        %get3A = arith.index_cast %scan3A_69 : i32 to index
        %get3A_70 = arith.constant 0 : index
        %get3A_71 = tpu.vector_load %arg9[%get3A, %get3A_70] {strides = array<i32>} : memref<128x128xf32, #tpu.memory_space<vmem>>, vector<1x16xf32>,
        %get3A_72 = vector.shape_cast %get3A_71 : vector<1x16xf32> to vector<16xf32>
        %get3A_73 = arith.index_cast %scan3A_69 : i32 to index
        %get3A_74 = arith.constant 0 : index
        %get3A_75 = tpu.vector_load %arg10[%get3A_73, %get3A_74] {strides = array<i32>} : memref<128x128xf32, #tpu.memory_space<vmem>>, vector<1x16xf32>,
        %get3A_76 = vector.shape_cast %get3A_75 : vector<1x16xf32> to vector<16xf32>
        %add3A_77 = arith.addf %get3A_72, %get3A_76 : vector<16xf32>
        %max3A = arith.constant 0.000000e+00 : f32
        %max3A_78 = vector.broadcast %max3A : f32 to vector<16xf32>
        %max3A_79 = arith.maximumf %add3A_77, %max3A_78 : vector<16xf32>
        %swap3A = arith.index_cast %scan3A_69 : i32 to index
        %swap3A_80 = arith.constant 0 : index
        %swap3A_81 = tpu.vector_load %arg9[%swap3A, %swap3A_80] {strides = array<i32>} : memref<128x128xf32, #tpu.memory_space<vmem>>, vector<1x16xf32>,
        %swap3A_82 = vector.shape_cast %swap3A_81 : vector<1x16xf32> to vector<16xf32>
        %swap3A_83 = vector.shape_cast %max3A_79 : vector<16xf32> to vector<1x16xf32>
        tpu.vector_store %arg9[%swap3A, %swap3A_80], %swap3A_83 {strides = array<i32>} : memref<128x128xf32, #tpu.memory_space<vmem>>, vector<1x16xf32>,
        %get3A_84 = arith.index_cast %scan3A_69 : i32 to index
        %get3A_85 = arith.constant 16 : index
        %get3A_86 = tpu.vector_load %arg9[%get3A_84, %get3A_85] {strides = array<i32>} : memref<128x128xf32, #tpu.memory_space<vmem>>, vector<1x16xf32>,
        %get3A_87 = vector.shape_cast %get3A_86 : vector<1x16xf32> to vector<16xf32>
        %get3A_88 = arith.index_cast %scan3A_69 : i32 to index
        %get3A_89 = arith.constant 16 : index
        %get3A_90 = tpu.vector_load %arg10[%get3A_88, %get3A_89] {strides = array<i32>} : memref<128x128xf32, #tpu.memory_space<vmem>>, vector<1x16xf32>,
        %get3A_91 = vector.shape_cast %get3A_90 : vector<1x16xf32> to vector<16xf32>
        %add3A_92 = arith.addf %get3A_87, %get3A_91 : vector<16xf32>
        %max3A_93 = arith.constant 0.000000e+00 : f32
        %max3A_94 = vector.broadcast %max3A_93 : f32 to vector<16xf32>
        %max3A_95 = arith.maximumf %add3A_92, %max3A_94 : vector<16xf32>
        %swap3A_96 = arith.index_cast %scan3A_69 : i32 to index
        %swap3A_97 = arith.constant 16 : index
        %swap3A_98 = tpu.vector_load %arg9[%swap3A_96, %swap3A_97] {strides = array<i32>} : memref<128x128xf32, #tpu.memory_space<vmem>>, vector<1x16xf32>,
        %swap3A_99 = vector.shape_cast %swap3A_98 : vector<1x16xf32> to vector<16xf32>
        %swap3A_100 = vector.shape_cast %max3A_95 : vector<16xf32> to vector<1x16xf32>
        tpu.vector_store %arg9[%swap3A_96, %swap3A_97], %swap3A_100 {strides = array<i32>} : memref<128x128xf32, #tpu.memory_space<vmem>>, vector<1x16xf32>,
        %get3A_101 = arith.index_cast %scan3A_69 : i32 to index
        %get3A_102 = arith.constant 32 : index
        %get3A_103 = tpu.vector_load %arg9[%get3A_101, %get3A_102] {strides = array<i32>} : memref<128x128xf32, #tpu.memory_space<vmem>>, vector<1x16xf32>,
        %get3A_104 = vector.shape_cast %get3A_103 : vector<1x16xf32> to vector<16xf32>
        %get3A_105 = arith.index_cast %scan3A_69 : i32 to index
        %get3A_106 = arith.constant 32 : index
        %get3A_107 = tpu.vector_load %arg10[%get3A_105, %get3A_106] {strides = array<i32>} : memref<128x128xf32, #tpu.memory_space<vmem>>, vector<1x16xf32>,
        %get3A_108 = vector.shape_cast %get3A_107 : vector<1x16xf32> to vector<16xf32>
        %add3A_109 = arith.addf %get3A_104, %get3A_108 : vector<16xf32>
        %max3A_110 = arith.constant 0.000000e+00 : f32
        %max3A_111 = vector.broadcast %max3A_110 : f32 to vector<16xf32>
        %max3A_112 = arith.maximumf %add3A_109, %max3A_111 : vector<16xf32>
        %swap3A_113 = arith.index_cast %scan3A_69 : i32 to index
        %swap3A_114 = arith.constant 32 : index
        %swap3A_115 = tpu.vector_load %arg9[%swap3A_113, %swap3A_114] {strides = array<i32>} : memref<128x128xf32, #tpu.memory_space<vmem>>, vector<1x16xf32>,
        %swap3A_116 = vector.shape_cast %swap3A_115 : vector<1x16xf32> to vector<16xf32>
        %swap3A_117 = vector.shape_cast %max3A_112 : vector<16xf32> to vector<1x16xf32>
        tpu.vector_store %arg9[%swap3A_113, %swap3A_114], %swap3A_117 {strides = array<i32>} : memref<128x128xf32, #tpu.memory_space<vmem>>, vector<1x16xf32>,
        %get3A_118 = arith.index_cast %scan3A_69 : i32 to index
        %get3A_119 = arith.constant 48 : index
        %get3A_120 = tpu.vector_load %arg9[%get3A_118, %get3A_119] {strides = array<i32>} : memref<128x128xf32, #tpu.memory_space<vmem>>, vector<1x16xf32>,
        %get3A_121 = vector.shape_cast %get3A_120 : vector<1x16xf32> to vector<16xf32>
        %get3A_122 = arith.index_cast %scan3A_69 : i32 to index
        %get3A_123 = arith.constant 48 : index
        %get3A_124 = tpu.vector_load %arg10[%get3A_122, %get3A_123] {strides = array<i32>} : memref<128x128xf32, #tpu.memory_space<vmem>>, vector<1x16xf32>,
        %get3A_125 = vector.shape_cast %get3A_124 : vector<1x16xf32> to vector<16xf32>
        %add3A_126 = arith.addf %get3A_121, %get3A_125 : vector<16xf32>
        %max3A_127 = arith.constant 0.000000e+00 : f32
        %max3A_128 = vector.broadcast %max3A_127 : f32 to vector<16xf32>
        %max3A_129 = arith.maximumf %add3A_126, %max3A_128 : vector<16xf32>
        %swap3A_130 = arith.index_cast %scan3A_69 : i32 to index
        %swap3A_131 = arith.constant 48 : index
        %swap3A_132 = tpu.vector_load %arg9[%swap3A_130, %swap3A_131] {strides = array<i32>} : memref<128x128xf32, #tpu.memory_space<vmem>>, vector<1x16xf32>,
        %swap3A_133 = vector.shape_cast %swap3A_132 : vector<1x16xf32> to vector<16xf32>
        %swap3A_134 = vector.shape_cast %max3A_129 : vector<16xf32> to vector<1x16xf32>
        tpu.vector_store %arg9[%swap3A_130, %swap3A_131], %swap3A_134 {strides = array<i32>} : memref<128x128xf32, #tpu.memory_space<vmem>>, vector<1x16xf32>,
        %get3A_135 = arith.index_cast %scan3A_69 : i32 to index
        %get3A_136 = arith.constant 64 : index
        %get3A_137 = tpu.vector_load %arg9[%get3A_135, %get3A_136] {strides = array<i32>} : memref<128x128xf32, #tpu.memory_space<vmem>>, vector<1x16xf32>,
        %get3A_138 = vector.shape_cast %get3A_137 : vector<1x16xf32> to vector<16xf32>
        %get3A_139 = arith.index_cast %scan3A_69 : i32 to index
        %get3A_140 = arith.constant 64 : index
        %get3A_141 = tpu.vector_load %arg10[%get3A_139, %get3A_140] {strides = array<i32>} : memref<128x128xf32, #tpu.memory_space<vmem>>, vector<1x16xf32>,
        %get3A_142 = vector.shape_cast %get3A_141 : vector<1x16xf32> to vector<16xf32>
        %add3A_143 = arith.addf %get3A_138, %get3A_142 : vector<16xf32>
        %max3A_144 = arith.constant 0.000000e+00 : f32
        %max3A_145 = vector.broadcast %max3A_144 : f32 to vector<16xf32>
        %max3A_146 = arith.maximumf %add3A_143, %max3A_145 : vector<16xf32>
        %swap3A_147 = arith.index_cast %scan3A_69 : i32 to index
        %swap3A_148 = arith.constant 64 : index
        %swap3A_149 = tpu.vector_load %arg9[%swap3A_147, %swap3A_148] {strides = array<i32>} : memref<128x128xf32, #tpu.memory_space<vmem>>, vector<1x16xf32>,
        %swap3A_150 = vector.shape_cast %swap3A_149 : vector<1x16xf32> to vector<16xf32>
        %swap3A_151 = vector.shape_cast %max3A_146 : vector<16xf32> to vector<1x16xf32>
        tpu.vector_store %arg9[%swap3A_147, %swap3A_148], %swap3A_151 {strides = array<i32>} : memref<128x128xf32, #tpu.memory_space<vmem>>, vector<1x16xf32>,
        %get3A_152 = arith.index_cast %scan3A_69 : i32 to index
        %get3A_153 = arith.constant 80 : index
        %get3A_154 = tpu.vector_load %arg9[%get3A_152, %get3A_153] {strides = array<i32>} : memref<128x128xf32, #tpu.memory_space<vmem>>, vector<1x16xf32>,
        %get3A_155 = vector.shape_cast %get3A_154 : vector<1x16xf32> to vector<16xf32>
        %get3A_156 = arith.index_cast %scan3A_69 : i32 to index
        %get3A_157 = arith.constant 80 : index
        %get3A_158 = tpu.vector_load %arg10[%get3A_156, %get3A_157] {strides = array<i32>} : memref<128x128xf32, #tpu.memory_space<vmem>>, vector<1x16xf32>,
        %get3A_159 = vector.shape_cast %get3A_158 : vector<1x16xf32> to vector<16xf32>
        %add3A_160 = arith.addf %get3A_155, %get3A_159 : vector<16xf32>
        %max3A_161 = arith.constant 0.000000e+00 : f32
        %max3A_162 = vector.broadcast %max3A_161 : f32 to vector<16xf32>
        %max3A_163 = arith.maximumf %add3A_160, %max3A_162 : vector<16xf32>
        %swap3A_164 = arith.index_cast %scan3A_69 : i32 to index
        %swap3A_165 = arith.constant 80 : index
        %swap3A_166 = tpu.vector_load %arg9[%swap3A_164, %swap3A_165] {strides = array<i32>} : memref<128x128xf32, #tpu.memory_space<vmem>>, vector<1x16xf32>,
        %swap3A_167 = vector.shape_cast %swap3A_166 : vector<1x16xf32> to vector<16xf32>
        %swap3A_168 = vector.shape_cast %max3A_163 : vector<16xf32> to vector<1x16xf32>
        tpu.vector_store %arg9[%swap3A_164, %swap3A_165], %swap3A_168 {strides = array<i32>} : memref<128x128xf32, #tpu.memory_space<vmem>>, vector<1x16xf32>,
        %get3A_169 = arith.index_cast %scan3A_69 : i32 to index
        %get3A_170 = arith.constant 96 : index
        %get3A_171 = tpu.vector_load %arg9[%get3A_169, %get3A_170] {strides = array<i32>} : memref<128x128xf32, #tpu.memory_space<vmem>>, vector<1x16xf32>,
        %get3A_172 = vector.shape_cast %get3A_171 : vector<1x16xf32> to vector<16xf32>
        %get3A_173 = arith.index_cast %scan3A_69 : i32 to index
        %get3A_174 = arith.constant 96 : index
        %get3A_175 = tpu.vector_load %arg10[%get3A_173, %get3A_174] {strides = array<i32>} : memref<128x128xf32, #tpu.memory_space<vmem>>, vector<1x16xf32>,
        %get3A_176 = vector.shape_cast %get3A_175 : vector<1x16xf32> to vector<16xf32>
        %add3A_177 = arith.addf %get3A_172, %get3A_176 : vector<16xf32>
        %max3A_178 = arith.constant 0.000000e+00 : f32
        %max3A_179 = vector.broadcast %max3A_178 : f32 to vector<16xf32>
        %max3A_180 = arith.maximumf %add3A_177, %max3A_179 : vector<16xf32>
        %swap3A_181 = arith.index_cast %scan3A_69 : i32 to index
        %swap3A_182 = arith.constant 96 : index
        %swap3A_183 = tpu.vector_load %arg9[%swap3A_181, %swap3A_182] {strides = array<i32>} : memref<128x128xf32, #tpu.memory_space<vmem>>, vector<1x16xf32>,
        %swap3A_184 = vector.shape_cast %swap3A_183 : vector<1x16xf32> to vector<16xf32>
        %swap3A_185 = vector.shape_cast %max3A_180 : vector<16xf32> to vector<1x16xf32>
        tpu.vector_store %arg9[%swap3A_181, %swap3A_182], %swap3A_185 {strides = array<i32>} : memref<128x128xf32, #tpu.memory_space<vmem>>, vector<1x16xf32>,
        %get3A_186 = arith.index_cast %scan3A_69 : i32 to index
        %get3A_187 = arith.constant 112 : index
        %get3A_188 = tpu.vector_load %arg9[%get3A_186, %get3A_187] {strides = array<i32>} : memref<128x128xf32, #tpu.memory_space<vmem>>, vector<1x16xf32>,
        %get3A_189 = vector.shape_cast %get3A_188 : vector<1x16xf32> to vector<16xf32>
        %get3A_190 = arith.index_cast %scan3A_69 : i32 to index
        %get3A_191 = arith.constant 112 : index
        %get3A_192 = tpu.vector_load %arg10[%get3A_190, %get3A_191] {strides = array<i32>} : memref<128x128xf32, #tpu.memory_space<vmem>>, vector<1x16xf32>,
        %get3A_193 = vector.shape_cast %get3A_192 : vector<1x16xf32> to vector<16xf32>
        %add3A_194 = arith.addf %get3A_189, %get3A_193 : vector<16xf32>
        %max3A_195 = arith.constant 0.000000e+00 : f32
        %max3A_196 = vector.broadcast %max3A_195 : f32 to vector<16xf32>
        %max3A_197 = arith.maximumf %add3A_194, %max3A_196 : vector<16xf32>
        %swap3A_198 = arith.index_cast %scan3A_69 : i32 to index
        %swap3A_199 = arith.constant 112 : index
        %swap3A_200 = tpu.vector_load %arg9[%swap3A_198, %swap3A_199] {strides = array<i32>} : memref<128x128xf32, #tpu.memory_space<vmem>>, vector<1x16xf32>,
        %swap3A_201 = vector.shape_cast %swap3A_200 : vector<1x16xf32> to vector<16xf32>
        %swap3A_202 = vector.shape_cast %max3A_197 : vector<16xf32> to vector<1x16xf32>
        tpu.vector_store %arg9[%swap3A_198, %swap3A_199], %swap3A_202 {strides = array<i32>} : memref<128x128xf32, #tpu.memory_space<vmem>>, vector<1x16xf32>,
      }
      %scan3A_68 = arith.constant 128 : i32
      "tpu.region"() ({
        %run_scoped3A = tpu.sem_alloc : memref<!tpu.dma_semaphore, #tpu.memory_space<semaphore_mem>>
        %dma_start3A_69 = arith.constant 0 : i32
        %dma_start3A_70 = arith.constant 0 : i32
        %dma_start3A_71 = tpu.memref_slice %arg11[%dma_start3A_69, %dma_start3A_70] : memref<10240x128xf32, #tpu.memory_space<vmem_shared>> -> memref<10240x128xf32, #tpu.memory_space<vmem_shared>>
        tpu.enqueue_indirect_dma source(%arg9 : memref<128x128xf32, #tpu.memory_space<vmem>>) target(%dma_start3A_71 : memref<10240x128xf32, #tpu.memory_space<vmem_shared>>) offsets(%arg8 : memref<128xi32, #tpu.memory_space<vmem>>) semaphore(%run_scoped3A : memref<!tpu.dma_semaphore, #tpu.memory_space<semaphore_mem>>) {add = true}
        %dma_wait3A_72 = arith.constant 0 : i32
        %dma_wait3A_73 = arith.constant 0 : i32
        %dma_wait3A_74 = tpu.memref_slice %arg11[%dma_wait3A_72, %dma_wait3A_73] : memref<10240x128xf32, #tpu.memory_space<vmem_shared>> -> memref<10240x128xf32, #tpu.memory_space<vmem_shared>>
        tpu.wait_indirect_dma semaphore(%run_scoped3A : memref<!tpu.dma_semaphore, #tpu.memory_space<semaphore_mem>>) src(%arg9 : memref<128x128xf32, #tpu.memory_space<vmem>>) dst(%dma_wait3A_74 : memref<10240x128xf32, #tpu.memory_space<vmem_shared>>)
        tpu.yield
      }) : () -> ()
    }
    %scan3A_31 = arith.constant 79 : i32
    %barrier3A_32 = arith.constant 0 : index
    tpu.barrier barrier_id(%barrier3A_32)
    %mul3A_33 = arith.constant 640 : i32
    %mul3A_34 = arith.muli %arg1, %mul3A_33 : i32
    %add3A_35 = arith.constant 0 : i32
    %add3A_36 = arith.addi %mul3A_34, %add3A_35 : i32
    "tpu.region"() ({
      %run_scoped3A = tpu.sem_alloc : memref<!tpu.dma_semaphore, #tpu.memory_space<semaphore_mem>>
      %dma_start3A = arith.constant 0 : i32
      %dma_start3A_53 = tpu.memref_slice %arg11[%add3A_36, %dma_start3A] : memref<10240x128xf32, #tpu.memory_space<vmem_shared>> -> memref<128x128xf32, #tpu.memory_space<vmem_shared>>
      %dma_start3A_54 = arith.constant 0 : i32
      %dma_start3A_55 = tpu.memref_slice %arg11[%add3A_36, %dma_start3A_54] : memref<10240x128xf32, #tpu.memory_space<vmem_shared>> -> memref<128x128xf32, #tpu.memory_space<vmem_shared>>
      tpu.enqueue_dma source(%dma_start3A_55 : memref<128x128xf32, #tpu.memory_space<vmem_shared>>) target(%arg10 : memref<128x128xf32, #tpu.memory_space<vmem>>) target_semaphore(%run_scoped3A : memref<!tpu.dma_semaphore, #tpu.memory_space<semaphore_mem>>)
      %dma_wait3A = arith.constant 0 : i32
      %dma_wait3A_56 = tpu.memref_slice %arg11[%add3A_36, %dma_wait3A] : memref<10240x128xf32, #tpu.memory_space<vmem_shared>> -> memref<128x128xf32, #tpu.memory_space<vmem_shared>>
      %dma_wait3A_57 = arith.constant 0 : i32
      %dma_wait3A_58 = tpu.memref_slice %arg11[%add3A_36, %dma_wait3A_57] : memref<10240x128xf32, #tpu.memory_space<vmem_shared>> -> memref<128x128xf32, #tpu.memory_space<vmem_shared>>
      tpu.wait_dma2 semaphore(%run_scoped3A : memref<!tpu.dma_semaphore, #tpu.memory_space<semaphore_mem>>) src(%dma_wait3A_58 : memref<128x128xf32, #tpu.memory_space<vmem_shared>>) dst(%arg10 : memref<128x128xf32, #tpu.memory_space<vmem>>)
      tpu.yield
    }) : () -> ()
    "tpu.region"() ({
      %run_scoped3A = tpu.sem_alloc : memref<!tpu.dma_semaphore, #tpu.memory_space<semaphore_mem>>
      %dma_start3A = arith.constant 0 : i32
      %dma_start3A_53 = tpu.memref_slice %arg6[%arg0, %add3A_36, %dma_start3A] : memref<2x10240x128xf32, #tpu.memory_space<hbm>> -> memref<1x128x128xf32, #tpu.memory_space<hbm>>
      %dma_start3A_54 = tpu.memref_squeeze %dma_start3A_53 : memref<1x128x128xf32, #tpu.memory_space<hbm>> -> memref<128x128xf32, #tpu.memory_space<hbm>>
      %dma_start3A_55 = arith.constant 0 : i32
      %dma_start3A_56 = tpu.memref_slice %arg6[%arg0, %add3A_36, %dma_start3A_55] : memref<2x10240x128xf32, #tpu.memory_space<hbm>> -> memref<1x128x128xf32, #tpu.memory_space<hbm>>
      %dma_start3A_57 = tpu.memref_squeeze %dma_start3A_56 : memref<1x128x128xf32, #tpu.memory_space<hbm>> -> memref<128x128xf32, #tpu.memory_space<hbm>>
      tpu.enqueue_dma source(%arg10 : memref<128x128xf32, #tpu.memory_space<vmem>>) target(%dma_start3A_57 : memref<128x128xf32, #tpu.memory_space<hbm>>) target_semaphore(%run_scoped3A : memref<!tpu.dma_semaphore, #tpu.memory_space<semaphore_mem>>)
      %dma_wait3A = arith.constant 0 : i32
      %dma_wait3A_58 = tpu.memref_slice %arg6[%arg0, %add3A_36, %dma_wait3A] : memref<2x10240x128xf32, #tpu.memory_space<hbm>> -> memref<1x128x128xf32, #tpu.memory_space<hbm>>
      %dma_wait3A_59 = tpu.memref_squeeze %dma_wait3A_58 : memref<1x128x128xf32, #tpu.memory_space<hbm>> -> memref<128x128xf32, #tpu.memory_space<hbm>>
      %dma_wait3A_60 = arith.constant 0 : i32
      %dma_wait3A_61 = tpu.memref_slice %arg6[%arg0, %add3A_36, %dma_wait3A_60] : memref<2x10240x128xf32, #tpu.memory_space<hbm>> -> memref<1x128x128xf32, #tpu.memory_space<hbm>>
      %dma_wait3A_62 = tpu.memref_squeeze %dma_wait3A_61 : memref<1x128x128xf32, #tpu.memory_space<hbm>> -> memref<128x128xf32, #tpu.memory_space<hbm>>
      tpu.wait_dma2 semaphore(%run_scoped3A : memref<!tpu.dma_semaphore, #tpu.memory_space<semaphore_mem>>) src(%arg10 : memref<128x128xf32, #tpu.memory_space<vmem>>) dst(%dma_wait3A_62 : memref<128x128xf32, #tpu.memory_space<hbm>>)
      tpu.yield
    }) : () -> ()
    %mul3A_37 = arith.constant 640 : i32
    %mul3A_38 = arith.muli %arg1, %mul3A_37 : i32
    %add3A_39 = arith.constant 128 : i32
    %add3A_40 = arith.addi %mul3A_38, %add3A_39 : i32
    "tpu.region"() ({
      %run_scoped3A = tpu.sem_alloc : memref<!tpu.dma_semaphore, #tpu.memory_space<semaphore_mem>>
      %dma_start3A = arith.constant 0 : i32
      %dma_start3A_53 = tpu.memref_slice %arg11[%add3A_40, %dma_start3A] : memref<10240x128xf32, #tpu.memory_space<vmem_shared>> -> memref<128x128xf32, #tpu.memory_space<vmem_shared>>
      %dma_start3A_54 = arith.constant 0 : i32
      %dma_start3A_55 = tpu.memref_slice %arg11[%add3A_40, %dma_start3A_54] : memref<10240x128xf32, #tpu.memory_space<vmem_shared>> -> memref<128x128xf32, #tpu.memory_space<vmem_shared>>
      tpu.enqueue_dma source(%dma_start3A_55 : memref<128x128xf32, #tpu.memory_space<vmem_shared>>) target(%arg10 : memref<128x128xf32, #tpu.memory_space<vmem>>) target_semaphore(%run_scoped3A : memref<!tpu.dma_semaphore, #tpu.memory_space<semaphore_mem>>)
      %dma_wait3A = arith.constant 0 : i32
      %dma_wait3A_56 = tpu.memref_slice %arg11[%add3A_40, %dma_wait3A] : memref<10240x128xf32, #tpu.memory_space<vmem_shared>> -> memref<128x128xf32, #tpu.memory_space<vmem_shared>>
      %dma_wait3A_57 = arith.constant 0 : i32
      %dma_wait3A_58 = tpu.memref_slice %arg11[%add3A_40, %dma_wait3A_57] : memref<10240x128xf32, #tpu.memory_space<vmem_shared>> -> memref<128x128xf32, #tpu.memory_space<vmem_shared>>
      tpu.wait_dma2 semaphore(%run_scoped3A : memref<!tpu.dma_semaphore, #tpu.memory_space<semaphore_mem>>) src(%dma_wait3A_58 : memref<128x128xf32, #tpu.memory_space<vmem_shared>>) dst(%arg10 : memref<128x128xf32, #tpu.memory_space<vmem>>)
      tpu.yield
    }) : () -> ()
    "tpu.region"() ({
      %run_scoped3A = tpu.sem_alloc : memref<!tpu.dma_semaphore, #tpu.memory_space<semaphore_mem>>
      %dma_start3A = arith.constant 0 : i32
      %dma_start3A_53 = tpu.memref_slice %arg6[%arg0, %add3A_40, %dma_start3A] : memref<2x10240x128xf32, #tpu.memory_space<hbm>> -> memref<1x128x128xf32, #tpu.memory_space<hbm>>
      %dma_start3A_54 = tpu.memref_squeeze %dma_start3A_53 : memref<1x128x128xf32, #tpu.memory_space<hbm>> -> memref<128x128xf32, #tpu.memory_space<hbm>>
      %dma_start3A_55 = arith.constant 0 : i32
      %dma_start3A_56 = tpu.memref_slice %arg6[%arg0, %add3A_40, %dma_start3A_55] : memref<2x10240x128xf32, #tpu.memory_space<hbm>> -> memref<1x128x128xf32, #tpu.memory_space<hbm>>
      %dma_start3A_57 = tpu.memref_squeeze %dma_start3A_56 : memref<1x128x128xf32, #tpu.memory_space<hbm>> -> memref<128x128xf32, #tpu.memory_space<hbm>>
      tpu.enqueue_dma source(%arg10 : memref<128x128xf32, #tpu.memory_space<vmem>>) target(%dma_start3A_57 : memref<128x128xf32, #tpu.memory_space<hbm>>) target_semaphore(%run_scoped3A : memref<!tpu.dma_semaphore, #tpu.memory_space<semaphore_mem>>)
      %dma_wait3A = arith.constant 0 : i32
      %dma_wait3A_58 = tpu.memref_slice %arg6[%arg0, %add3A_40, %dma_wait3A] : memref<2x10240x128xf32, #tpu.memory_space<hbm>> -> memref<1x128x128xf32, #tpu.memory_space<hbm>>
      %dma_wait3A_59 = tpu.memref_squeeze %dma_wait3A_58 : memref<1x128x128xf32, #tpu.memory_space<hbm>> -> memref<128x128xf32, #tpu.memory_space<hbm>>
      %dma_wait3A_60 = arith.constant 0 : i32
      %dma_wait3A_61 = tpu.memref_slice %arg6[%arg0, %add3A_40, %dma_wait3A_60] : memref<2x10240x128xf32, #tpu.memory_space<hbm>> -> memref<1x128x128xf32, #tpu.memory_space<hbm>>
      %dma_wait3A_62 = tpu.memref_squeeze %dma_wait3A_61 : memref<1x128x128xf32, #tpu.memory_space<hbm>> -> memref<128x128xf32, #tpu.memory_space<hbm>>
      tpu.wait_dma2 semaphore(%run_scoped3A : memref<!tpu.dma_semaphore, #tpu.memory_space<semaphore_mem>>) src(%arg10 : memref<128x128xf32, #tpu.memory_space<vmem>>) dst(%dma_wait3A_62 : memref<128x128xf32, #tpu.memory_space<hbm>>)
      tpu.yield
    }) : () -> ()
    %mul3A_41 = arith.constant 640 : i32
    %mul3A_42 = arith.muli %arg1, %mul3A_41 : i32
    %add3A_43 = arith.constant 256 : i32
    %add3A_44 = arith.addi %mul3A_42, %add3A_43 : i32
    "tpu.region"() ({
      %run_scoped3A = tpu.sem_alloc : memref<!tpu.dma_semaphore, #tpu.memory_space<semaphore_mem>>
      %dma_start3A = arith.constant 0 : i32
      %dma_start3A_53 = tpu.memref_slice %arg11[%add3A_44, %dma_start3A] : memref<10240x128xf32, #tpu.memory_space<vmem_shared>> -> memref<128x128xf32, #tpu.memory_space<vmem_shared>>
      %dma_start3A_54 = arith.constant 0 : i32
      %dma_start3A_55 = tpu.memref_slice %arg11[%add3A_44, %dma_start3A_54] : memref<10240x128xf32, #tpu.memory_space<vmem_shared>> -> memref<128x128xf32, #tpu.memory_space<vmem_shared>>
      tpu.enqueue_dma source(%dma_start3A_55 : memref<128x128xf32, #tpu.memory_space<vmem_shared>>) target(%arg10 : memref<128x128xf32, #tpu.memory_space<vmem>>) target_semaphore(%run_scoped3A : memref<!tpu.dma_semaphore, #tpu.memory_space<semaphore_mem>>)
      %dma_wait3A = arith.constant 0 : i32
      %dma_wait3A_56 = tpu.memref_slice %arg11[%add3A_44, %dma_wait3A] : memref<10240x128xf32, #tpu.memory_space<vmem_shared>> -> memref<128x128xf32, #tpu.memory_space<vmem_shared>>
      %dma_wait3A_57 = arith.constant 0 : i32
      %dma_wait3A_58 = tpu.memref_slice %arg11[%add3A_44, %dma_wait3A_57] : memref<10240x128xf32, #tpu.memory_space<vmem_shared>> -> memref<128x128xf32, #tpu.memory_space<vmem_shared>>
      tpu.wait_dma2 semaphore(%run_scoped3A : memref<!tpu.dma_semaphore, #tpu.memory_space<semaphore_mem>>) src(%dma_wait3A_58 : memref<128x128xf32, #tpu.memory_space<vmem_shared>>) dst(%arg10 : memref<128x128xf32, #tpu.memory_space<vmem>>)
      tpu.yield
    }) : () -> ()
    "tpu.region"() ({
      %run_scoped3A = tpu.sem_alloc : memref<!tpu.dma_semaphore, #tpu.memory_space<semaphore_mem>>
      %dma_start3A = arith.constant 0 : i32
      %dma_start3A_53 = tpu.memref_slice %arg6[%arg0, %add3A_44, %dma_start3A] : memref<2x10240x128xf32, #tpu.memory_space<hbm>> -> memref<1x128x128xf32, #tpu.memory_space<hbm>>
      %dma_start3A_54 = tpu.memref_squeeze %dma_start3A_53 : memref<1x128x128xf32, #tpu.memory_space<hbm>> -> memref<128x128xf32, #tpu.memory_space<hbm>>
      %dma_start3A_55 = arith.constant 0 : i32
      %dma_start3A_56 = tpu.memref_slice %arg6[%arg0, %add3A_44, %dma_start3A_55] : memref<2x10240x128xf32, #tpu.memory_space<hbm>> -> memref<1x128x128xf32, #tpu.memory_space<hbm>>
      %dma_start3A_57 = tpu.memref_squeeze %dma_start3A_56 : memref<1x128x128xf32, #tpu.memory_space<hbm>> -> memref<128x128xf32, #tpu.memory_space<hbm>>
      tpu.enqueue_dma source(%arg10 : memref<128x128xf32, #tpu.memory_space<vmem>>) target(%dma_start3A_57 : memref<128x128xf32, #tpu.memory_space<hbm>>) target_semaphore(%run_scoped3A : memref<!tpu.dma_semaphore, #tpu.memory_space<semaphore_mem>>)
      %dma_wait3A = arith.constant 0 : i32
      %dma_wait3A_58 = tpu.memref_slice %arg6[%arg0, %add3A_44, %dma_wait3A] : memref<2x10240x128xf32, #tpu.memory_space<hbm>> -> memref<1x128x128xf32, #tpu.memory_space<hbm>>
      %dma_wait3A_59 = tpu.memref_squeeze %dma_wait3A_58 : memref<1x128x128xf32, #tpu.memory_space<hbm>> -> memref<128x128xf32, #tpu.memory_space<hbm>>
      %dma_wait3A_60 = arith.constant 0 : i32
      %dma_wait3A_61 = tpu.memref_slice %arg6[%arg0, %add3A_44, %dma_wait3A_60] : memref<2x10240x128xf32, #tpu.memory_space<hbm>> -> memref<1x128x128xf32, #tpu.memory_space<hbm>>
      %dma_wait3A_62 = tpu.memref_squeeze %dma_wait3A_61 : memref<1x128x128xf32, #tpu.memory_space<hbm>> -> memref<128x128xf32, #tpu.memory_space<hbm>>
      tpu.wait_dma2 semaphore(%run_scoped3A : memref<!tpu.dma_semaphore, #tpu.memory_space<semaphore_mem>>) src(%arg10 : memref<128x128xf32, #tpu.memory_space<vmem>>) dst(%dma_wait3A_62 : memref<128x128xf32, #tpu.memory_space<hbm>>)
      tpu.yield
    }) : () -> ()
    %mul3A_45 = arith.constant 640 : i32
    %mul3A_46 = arith.muli %arg1, %mul3A_45 : i32
    %add3A_47 = arith.constant 384 : i32
    %add3A_48 = arith.addi %mul3A_46, %add3A_47 : i32
    "tpu.region"() ({
      %run_scoped3A = tpu.sem_alloc : memref<!tpu.dma_semaphore, #tpu.memory_space<semaphore_mem>>
      %dma_start3A = arith.constant 0 : i32
      %dma_start3A_53 = tpu.memref_slice %arg11[%add3A_48, %dma_start3A] : memref<10240x128xf32, #tpu.memory_space<vmem_shared>> -> memref<128x128xf32, #tpu.memory_space<vmem_shared>>
      %dma_start3A_54 = arith.constant 0 : i32
      %dma_start3A_55 = tpu.memref_slice %arg11[%add3A_48, %dma_start3A_54] : memref<10240x128xf32, #tpu.memory_space<vmem_shared>> -> memref<128x128xf32, #tpu.memory_space<vmem_shared>>
      tpu.enqueue_dma source(%dma_start3A_55 : memref<128x128xf32, #tpu.memory_space<vmem_shared>>) target(%arg10 : memref<128x128xf32, #tpu.memory_space<vmem>>) target_semaphore(%run_scoped3A : memref<!tpu.dma_semaphore, #tpu.memory_space<semaphore_mem>>)
      %dma_wait3A = arith.constant 0 : i32
      %dma_wait3A_56 = tpu.memref_slice %arg11[%add3A_48, %dma_wait3A] : memref<10240x128xf32, #tpu.memory_space<vmem_shared>> -> memref<128x128xf32, #tpu.memory_space<vmem_shared>>
      %dma_wait3A_57 = arith.constant 0 : i32
      %dma_wait3A_58 = tpu.memref_slice %arg11[%add3A_48, %dma_wait3A_57] : memref<10240x128xf32, #tpu.memory_space<vmem_shared>> -> memref<128x128xf32, #tpu.memory_space<vmem_shared>>
      tpu.wait_dma2 semaphore(%run_scoped3A : memref<!tpu.dma_semaphore, #tpu.memory_space<semaphore_mem>>) src(%dma_wait3A_58 : memref<128x128xf32, #tpu.memory_space<vmem_shared>>) dst(%arg10 : memref<128x128xf32, #tpu.memory_space<vmem>>)
      tpu.yield
    }) : () -> ()
    "tpu.region"() ({
      %run_scoped3A = tpu.sem_alloc : memref<!tpu.dma_semaphore, #tpu.memory_space<semaphore_mem>>
      %dma_start3A = arith.constant 0 : i32
      %dma_start3A_53 = tpu.memref_slice %arg6[%arg0, %add3A_48, %dma_start3A] : memref<2x10240x128xf32, #tpu.memory_space<hbm>> -> memref<1x128x128xf32, #tpu.memory_space<hbm>>
      %dma_start3A_54 = tpu.memref_squeeze %dma_start3A_53 : memref<1x128x128xf32, #tpu.memory_space<hbm>> -> memref<128x128xf32, #tpu.memory_space<hbm>>
      %dma_start3A_55 = arith.constant 0 : i32
      %dma_start3A_56 = tpu.memref_slice %arg6[%arg0, %add3A_48, %dma_start3A_55] : memref<2x10240x128xf32, #tpu.memory_space<hbm>> -> memref<1x128x128xf32, #tpu.memory_space<hbm>>
      %dma_start3A_57 = tpu.memref_squeeze %dma_start3A_56 : memref<1x128x128xf32, #tpu.memory_space<hbm>> -> memref<128x128xf32, #tpu.memory_space<hbm>>
      tpu.enqueue_dma source(%arg10 : memref<128x128xf32, #tpu.memory_space<vmem>>) target(%dma_start3A_57 : memref<128x128xf32, #tpu.memory_space<hbm>>) target_semaphore(%run_scoped3A : memref<!tpu.dma_semaphore, #tpu.memory_space<semaphore_mem>>)
      %dma_wait3A = arith.constant 0 : i32
      %dma_wait3A_58 = tpu.memref_slice %arg6[%arg0, %add3A_48, %dma_wait3A] : memref<2x10240x128xf32, #tpu.memory_space<hbm>> -> memref<1x128x128xf32, #tpu.memory_space<hbm>>
      %dma_wait3A_59 = tpu.memref_squeeze %dma_wait3A_58 : memref<1x128x128xf32, #tpu.memory_space<hbm>> -> memref<128x128xf32, #tpu.memory_space<hbm>>
      %dma_wait3A_60 = arith.constant 0 : i32
      %dma_wait3A_61 = tpu.memref_slice %arg6[%arg0, %add3A_48, %dma_wait3A_60] : memref<2x10240x128xf32, #tpu.memory_space<hbm>> -> memref<1x128x128xf32, #tpu.memory_space<hbm>>
      %dma_wait3A_62 = tpu.memref_squeeze %dma_wait3A_61 : memref<1x128x128xf32, #tpu.memory_space<hbm>> -> memref<128x128xf32, #tpu.memory_space<hbm>>
      tpu.wait_dma2 semaphore(%run_scoped3A : memref<!tpu.dma_semaphore, #tpu.memory_space<semaphore_mem>>) src(%arg10 : memref<128x128xf32, #tpu.memory_space<vmem>>) dst(%dma_wait3A_62 : memref<128x128xf32, #tpu.memory_space<hbm>>)
      tpu.yield
    }) : () -> ()
    %mul3A_49 = arith.constant 640 : i32
    %mul3A_50 = arith.muli %arg1, %mul3A_49 : i32
    %add3A_51 = arith.constant 512 : i32
    %add3A_52 = arith.addi %mul3A_50, %add3A_51 : i32
    "tpu.region"() ({
      %run_scoped3A = tpu.sem_alloc : memref<!tpu.dma_semaphore, #tpu.memory_space<semaphore_mem>>
      %dma_start3A = arith.constant 0 : i32
      %dma_start3A_53 = tpu.memref_slice %arg11[%add3A_52, %dma_start3A] : memref<10240x128xf32, #tpu.memory_space<vmem_shared>> -> memref<128x128xf32, #tpu.memory_space<vmem_shared>>
      %dma_start3A_54 = arith.constant 0 : i32
      %dma_start3A_55 = tpu.memref_slice %arg11[%add3A_52, %dma_start3A_54] : memref<10240x128xf32, #tpu.memory_space<vmem_shared>> -> memref<128x128xf32, #tpu.memory_space<vmem_shared>>
      tpu.enqueue_dma source(%dma_start3A_55 : memref<128x128xf32, #tpu.memory_space<vmem_shared>>) target(%arg10 : memref<128x128xf32, #tpu.memory_space<vmem>>) target_semaphore(%run_scoped3A : memref<!tpu.dma_semaphore, #tpu.memory_space<semaphore_mem>>)
      %dma_wait3A = arith.constant 0 : i32
      %dma_wait3A_56 = tpu.memref_slice %arg11[%add3A_52, %dma_wait3A] : memref<10240x128xf32, #tpu.memory_space<vmem_shared>> -> memref<128x128xf32, #tpu.memory_space<vmem_shared>>
      %dma_wait3A_57 = arith.constant 0 : i32
      %dma_wait3A_58 = tpu.memref_slice %arg11[%add3A_52, %dma_wait3A_57] : memref<10240x128xf32, #tpu.memory_space<vmem_shared>> -> memref<128x128xf32, #tpu.memory_space<vmem_shared>>
      tpu.wait_dma2 semaphore(%run_scoped3A : memref<!tpu.dma_semaphore, #tpu.memory_space<semaphore_mem>>) src(%dma_wait3A_58 : memref<128x128xf32, #tpu.memory_space<vmem_shared>>) dst(%arg10 : memref<128x128xf32, #tpu.memory_space<vmem>>)
      tpu.yield
    }) : () -> ()
    "tpu.region"() ({
      %run_scoped3A = tpu.sem_alloc : memref<!tpu.dma_semaphore, #tpu.memory_space<semaphore_mem>>
      %dma_start3A = arith.constant 0 : i32
      %dma_start3A_53 = tpu.memref_slice %arg6[%arg0, %add3A_52, %dma_start3A] : memref<2x10240x128xf32, #tpu.memory_space<hbm>> -> memref<1x128x128xf32, #tpu.memory_space<hbm>>
      %dma_start3A_54 = tpu.memref_squeeze %dma_start3A_53 : memref<1x128x128xf32, #tpu.memory_space<hbm>> -> memref<128x128xf32, #tpu.memory_space<hbm>>
      %dma_start3A_55 = arith.constant 0 : i32
      %dma_start3A_56 = tpu.memref_slice %arg6[%arg0, %add3A_52, %dma_start3A_55] : memref<2x10240x128xf32, #tpu.memory_space<hbm>> -> memref<1x128x128xf32, #tpu.memory_space<hbm>>
      %dma_start3A_57 = tpu.memref_squeeze %dma_start3A_56 : memref<1x128x128xf32, #tpu.memory_space<hbm>> -> memref<128x128xf32, #tpu.memory_space<hbm>>
      tpu.enqueue_dma source(%arg10 : memref<128x128xf32, #tpu.memory_space<vmem>>) target(%dma_start3A_57 : memref<128x128xf32, #tpu.memory_space<hbm>>) target_semaphore(%run_scoped3A : memref<!tpu.dma_semaphore, #tpu.memory_space<semaphore_mem>>)
      %dma_wait3A = arith.constant 0 : i32
      %dma_wait3A_58 = tpu.memref_slice %arg6[%arg0, %add3A_52, %dma_wait3A] : memref<2x10240x128xf32, #tpu.memory_space<hbm>> -> memref<1x128x128xf32, #tpu.memory_space<hbm>>
      %dma_wait3A_59 = tpu.memref_squeeze %dma_wait3A_58 : memref<1x128x128xf32, #tpu.memory_space<hbm>> -> memref<128x128xf32, #tpu.memory_space<hbm>>
      %dma_wait3A_60 = arith.constant 0 : i32
      %dma_wait3A_61 = tpu.memref_slice %arg6[%arg0, %add3A_52, %dma_wait3A_60] : memref<2x10240x128xf32, #tpu.memory_space<hbm>> -> memref<1x128x128xf32, #tpu.memory_space<hbm>>
      %dma_wait3A_62 = tpu.memref_squeeze %dma_wait3A_61 : memref<1x128x128xf32, #tpu.memory_space<hbm>> -> memref<128x128xf32, #tpu.memory_space<hbm>>
      tpu.wait_dma2 semaphore(%run_scoped3A : memref<!tpu.dma_semaphore, #tpu.memory_space<semaphore_mem>>) src(%arg10 : memref<128x128xf32, #tpu.memory_space<vmem>>) dst(%dma_wait3A_62 : memref<128x128xf32, #tpu.memory_space<hbm>>)
      tpu.yield
    }) : () -> ()
    return
  }
}

#map = affine_map<(d0, d1) -> (0, 0)>
#map1 = affine_map<(d0, d1) -> (0)>
#map2 = affine_map<(d0, d1) -> (0, 0, 0)>
module attributes {stable_mosaic.version = 14 : i64} {
  func.func @body(%arg0: i32, %arg1: i32, %arg2: memref<10000x128xf32, #tpu.memory_space<hbm>>, %arg3: memref<323584x128xf32, #tpu.memory_space<hbm>>, %arg4: memref<323584xi32, #tpu.memory_space<hbm>>, %arg5: memref<323584xi32, #tpu.memory_space<hbm>>, %arg6: memref<2x10240x128xf32, #tpu.memory_space<hbm>>, %arg7: memref<128xi32, #tpu.memory_space<vmem>>, %arg8: memref<128xi32, #tpu.memory_space<vmem>>, %arg9: memref<128x128xf32, #tpu.memory_space<vmem>>, %arg10: memref<128x128xf32, #tpu.memory_space<vmem>>, %arg11: memref<10240x128xf32, #tpu.memory_space<vmem_shared>>, %arg12: memref<!tpu.dma_semaphore, #tpu.memory_space<semaphore_mem>>) attributes {dimension_semantics = [#tpu.dimension_semantics<core_parallel>, #tpu.dimension_semantics<subcore_parallel>], iteration_bounds = array<i64: 2, 16>, scalar_prefetch = 0 : i64, scratch_operands = 6 : i64, tpu.core_type = #tpu.core_type<sc_vector_subcore>, window_params = [{transform_indices = #map}, {transform_indices = #map}, {transform_indices = #map1}, {transform_indices = #map1}, {transform_indices = #map2}]} {
    %mul3A = arith.constant 16 : i32
    %mul3A_0 = arith.muli %arg0, %mul3A : i32
    %add3A = arith.addi %mul3A_0, %arg1 : i32
    %scan3A = arith.constant 0 : i32
    %scan3A_1 = arith.constant 0 : i32
    %scan3A_2 = arith.constant 128 : i32
    %scan3A_3 = arith.addi %scan3A_1, %scan3A_2 : i32
    %scan3A_4 = arith.constant 1 : i32
    scf.for %scan3A_53 = %scan3A_1 to %scan3A_3 step %scan3A_4  : i32 {
      %broadcast_in_dim3A = arith.constant 0.000000e+00 : f32
      %broadcast_in_dim3A_54 = vector.broadcast %broadcast_in_dim3A : f32 to vector<16xf32>
      %swap3A = arith.index_cast %scan3A_53 : i32 to index
      %swap3A_55 = arith.constant 0 : index
      %swap3A_56 = tpu.vector_load %arg10[%swap3A, %swap3A_55] {strides = array<i32>} : memref<128x128xf32, #tpu.memory_space<vmem>>, vector<1x16xf32>,
      %swap3A_57 = vector.shape_cast %swap3A_56 : vector<1x16xf32> to vector<16xf32>
      %swap3A_58 = vector.shape_cast %broadcast_in_dim3A_54 : vector<16xf32> to vector<1x16xf32>
      tpu.vector_store %arg10[%swap3A, %swap3A_55], %swap3A_58 {strides = array<i32>} : memref<128x128xf32, #tpu.memory_space<vmem>>, vector<1x16xf32>,
      %broadcast_in_dim3A_59 = arith.constant 0.000000e+00 : f32
      %broadcast_in_dim3A_60 = vector.broadcast %broadcast_in_dim3A_59 : f32 to vector<16xf32>
      %swap3A_61 = arith.index_cast %scan3A_53 : i32 to index
      %swap3A_62 = arith.constant 16 : index
      %swap3A_63 = tpu.vector_load %arg10[%swap3A_61, %swap3A_62] {strides = array<i32>} : memref<128x128xf32, #tpu.memory_space<vmem>>, vector<1x16xf32>,
      %swap3A_64 = vector.shape_cast %swap3A_63 : vector<1x16xf32> to vector<16xf32>
      %swap3A_65 = vector.shape_cast %broadcast_in_dim3A_60 : vector<16xf32> to vector<1x16xf32>
      tpu.vector_store %arg10[%swap3A_61, %swap3A_62], %swap3A_65 {strides = array<i32>} : memref<128x128xf32, #tpu.memory_space<vmem>>, vector<1x16xf32>,
      %broadcast_in_dim3A_66 = arith.constant 0.000000e+00 : f32
      %broadcast_in_dim3A_67 = vector.broadcast %broadcast_in_dim3A_66 : f32 to vector<16xf32>
      %swap3A_68 = arith.index_cast %scan3A_53 : i32 to index
      %swap3A_69 = arith.constant 32 : index
      %swap3A_70 = tpu.vector_load %arg10[%swap3A_68, %swap3A_69] {strides = array<i32>} : memref<128x128xf32, #tpu.memory_space<vmem>>, vector<1x16xf32>,
      %swap3A_71 = vector.shape_cast %swap3A_70 : vector<1x16xf32> to vector<16xf32>
      %swap3A_72 = vector.shape_cast %broadcast_in_dim3A_67 : vector<16xf32> to vector<1x16xf32>
      tpu.vector_store %arg10[%swap3A_68, %swap3A_69], %swap3A_72 {strides = array<i32>} : memref<128x128xf32, #tpu.memory_space<vmem>>, vector<1x16xf32>,
      %broadcast_in_dim3A_73 = arith.constant 0.000000e+00 : f32
      %broadcast_in_dim3A_74 = vector.broadcast %broadcast_in_dim3A_73 : f32 to vector<16xf32>
      %swap3A_75 = arith.index_cast %scan3A_53 : i32 to index
      %swap3A_76 = arith.constant 48 : index
      %swap3A_77 = tpu.vector_load %arg10[%swap3A_75, %swap3A_76] {strides = array<i32>} : memref<128x128xf32, #tpu.memory_space<vmem>>, vector<1x16xf32>,
      %swap3A_78 = vector.shape_cast %swap3A_77 : vector<1x16xf32> to vector<16xf32>
      %swap3A_79 = vector.shape_cast %broadcast_in_dim3A_74 : vector<16xf32> to vector<1x16xf32>
      tpu.vector_store %arg10[%swap3A_75, %swap3A_76], %swap3A_79 {strides = array<i32>} : memref<128x128xf32, #tpu.memory_space<vmem>>, vector<1x16xf32>,
      %broadcast_in_dim3A_80 = arith.constant 0.000000e+00 : f32
      %broadcast_in_dim3A_81 = vector.broadcast %broadcast_in_dim3A_80 : f32 to vector<16xf32>
      %swap3A_82 = arith.index_cast %scan3A_53 : i32 to index
      %swap3A_83 = arith.constant 64 : index
      %swap3A_84 = tpu.vector_load %arg10[%swap3A_82, %swap3A_83] {strides = array<i32>} : memref<128x128xf32, #tpu.memory_space<vmem>>, vector<1x16xf32>,
      %swap3A_85 = vector.shape_cast %swap3A_84 : vector<1x16xf32> to vector<16xf32>
      %swap3A_86 = vector.shape_cast %broadcast_in_dim3A_81 : vector<16xf32> to vector<1x16xf32>
      tpu.vector_store %arg10[%swap3A_82, %swap3A_83], %swap3A_86 {strides = array<i32>} : memref<128x128xf32, #tpu.memory_space<vmem>>, vector<1x16xf32>,
      %broadcast_in_dim3A_87 = arith.constant 0.000000e+00 : f32
      %broadcast_in_dim3A_88 = vector.broadcast %broadcast_in_dim3A_87 : f32 to vector<16xf32>
      %swap3A_89 = arith.index_cast %scan3A_53 : i32 to index
      %swap3A_90 = arith.constant 80 : index
      %swap3A_91 = tpu.vector_load %arg10[%swap3A_89, %swap3A_90] {strides = array<i32>} : memref<128x128xf32, #tpu.memory_space<vmem>>, vector<1x16xf32>,
      %swap3A_92 = vector.shape_cast %swap3A_91 : vector<1x16xf32> to vector<16xf32>
      %swap3A_93 = vector.shape_cast %broadcast_in_dim3A_88 : vector<16xf32> to vector<1x16xf32>
      tpu.vector_store %arg10[%swap3A_89, %swap3A_90], %swap3A_93 {strides = array<i32>} : memref<128x128xf32, #tpu.memory_space<vmem>>, vector<1x16xf32>,
      %broadcast_in_dim3A_94 = arith.constant 0.000000e+00 : f32
      %broadcast_in_dim3A_95 = vector.broadcast %broadcast_in_dim3A_94 : f32 to vector<16xf32>
      %swap3A_96 = arith.index_cast %scan3A_53 : i32 to index
      %swap3A_97 = arith.constant 96 : index
      %swap3A_98 = tpu.vector_load %arg10[%swap3A_96, %swap3A_97] {strides = array<i32>} : memref<128x128xf32, #tpu.memory_space<vmem>>, vector<1x16xf32>,
      %swap3A_99 = vector.shape_cast %swap3A_98 : vector<1x16xf32> to vector<16xf32>
      %swap3A_100 = vector.shape_cast %broadcast_in_dim3A_95 : vector<16xf32> to vector<1x16xf32>
      tpu.vector_store %arg10[%swap3A_96, %swap3A_97], %swap3A_100 {strides = array<i32>} : memref<128x128xf32, #tpu.memory_space<vmem>>, vector<1x16xf32>,
      %broadcast_in_dim3A_101 = arith.constant 0.000000e+00 : f32
      %broadcast_in_dim3A_102 = vector.broadcast %broadcast_in_dim3A_101 : f32 to vector<16xf32>
      %swap3A_103 = arith.index_cast %scan3A_53 : i32 to index
      %swap3A_104 = arith.constant 112 : index
      %swap3A_105 = tpu.vector_load %arg10[%swap3A_103, %swap3A_104] {strides = array<i32>} : memref<128x128xf32, #tpu.memory_space<vmem>>, vector<1x16xf32>,
      %swap3A_106 = vector.shape_cast %swap3A_105 : vector<1x16xf32> to vector<16xf32>
      %swap3A_107 = vector.shape_cast %broadcast_in_dim3A_102 : vector<16xf32> to vector<1x16xf32>
      tpu.vector_store %arg10[%swap3A_103, %swap3A_104], %swap3A_107 {strides = array<i32>} : memref<128x128xf32, #tpu.memory_space<vmem>>, vector<1x16xf32>,
    }
    %scan3A_5 = arith.constant 128 : i32
    %mul3A_6 = arith.constant 640 : i32
    %mul3A_7 = arith.muli %arg1, %mul3A_6 : i32
    %add3A_8 = arith.constant 0 : i32
    %add3A_9 = arith.addi %mul3A_7, %add3A_8 : i32
    "tpu.region"() ({
      %run_scoped3A = tpu.sem_alloc : memref<!tpu.dma_semaphore, #tpu.memory_space<semaphore_mem>>
      %dma_start3A = arith.constant 0 : i32
      %dma_start3A_53 = tpu.memref_slice %arg11[%add3A_9, %dma_start3A] : memref<10240x128xf32, #tpu.memory_space<vmem_shared>> -> memref<128x128xf32, #tpu.memory_space<vmem_shared>>
      %dma_start3A_54 = arith.constant 0 : i32
      %dma_start3A_55 = tpu.memref_slice %arg11[%add3A_9, %dma_start3A_54] : memref<10240x128xf32, #tpu.memory_space<vmem_shared>> -> memref<128x128xf32, #tpu.memory_space<vmem_shared>>
      tpu.enqueue_dma source(%arg10 : memref<128x128xf32, #tpu.memory_space<vmem>>) target(%dma_start3A_55 : memref<128x128xf32, #tpu.memory_space<vmem_shared>>) target_semaphore(%run_scoped3A : memref<!tpu.dma_semaphore, #tpu.memory_space<semaphore_mem>>)
      %dma_wait3A = arith.constant 0 : i32
      %dma_wait3A_56 = tpu.memref_slice %arg11[%add3A_9, %dma_wait3A] : memref<10240x128xf32, #tpu.memory_space<vmem_shared>> -> memref<128x128xf32, #tpu.memory_space<vmem_shared>>
      %dma_wait3A_57 = arith.constant 0 : i32
      %dma_wait3A_58 = tpu.memref_slice %arg11[%add3A_9, %dma_wait3A_57] : memref<10240x128xf32, #tpu.memory_space<vmem_shared>> -> memref<128x128xf32, #tpu.memory_space<vmem_shared>>
      tpu.wait_dma2 semaphore(%run_scoped3A : memref<!tpu.dma_semaphore, #tpu.memory_space<semaphore_mem>>) src(%arg10 : memref<128x128xf32, #tpu.memory_space<vmem>>) dst(%dma_wait3A_58 : memref<128x128xf32, #tpu.memory_space<vmem_shared>>)
      tpu.yield
    }) : () -> ()
    %mul3A_10 = arith.constant 640 : i32
    %mul3A_11 = arith.muli %arg1, %mul3A_10 : i32
    %add3A_12 = arith.constant 128 : i32
    %add3A_13 = arith.addi %mul3A_11, %add3A_12 : i32
    "tpu.region"() ({
      %run_scoped3A = tpu.sem_alloc : memref<!tpu.dma_semaphore, #tpu.memory_space<semaphore_mem>>
      %dma_start3A = arith.constant 0 : i32
      %dma_start3A_53 = tpu.memref_slice %arg11[%add3A_13, %dma_start3A] : memref<10240x128xf32, #tpu.memory_space<vmem_shared>> -> memref<128x128xf32, #tpu.memory_space<vmem_shared>>
      %dma_start3A_54 = arith.constant 0 : i32
      %dma_start3A_55 = tpu.memref_slice %arg11[%add3A_13, %dma_start3A_54] : memref<10240x128xf32, #tpu.memory_space<vmem_shared>> -> memref<128x128xf32, #tpu.memory_space<vmem_shared>>
      tpu.enqueue_dma source(%arg10 : memref<128x128xf32, #tpu.memory_space<vmem>>) target(%dma_start3A_55 : memref<128x128xf32, #tpu.memory_space<vmem_shared>>) target_semaphore(%run_scoped3A : memref<!tpu.dma_semaphore, #tpu.memory_space<semaphore_mem>>)
      %dma_wait3A = arith.constant 0 : i32
      %dma_wait3A_56 = tpu.memref_slice %arg11[%add3A_13, %dma_wait3A] : memref<10240x128xf32, #tpu.memory_space<vmem_shared>> -> memref<128x128xf32, #tpu.memory_space<vmem_shared>>
      %dma_wait3A_57 = arith.constant 0 : i32
      %dma_wait3A_58 = tpu.memref_slice %arg11[%add3A_13, %dma_wait3A_57] : memref<10240x128xf32, #tpu.memory_space<vmem_shared>> -> memref<128x128xf32, #tpu.memory_space<vmem_shared>>
      tpu.wait_dma2 semaphore(%run_scoped3A : memref<!tpu.dma_semaphore, #tpu.memory_space<semaphore_mem>>) src(%arg10 : memref<128x128xf32, #tpu.memory_space<vmem>>) dst(%dma_wait3A_58 : memref<128x128xf32, #tpu.memory_space<vmem_shared>>)
      tpu.yield
    }) : () -> ()
    %mul3A_14 = arith.constant 640 : i32
    %mul3A_15 = arith.muli %arg1, %mul3A_14 : i32
    %add3A_16 = arith.constant 256 : i32
    %add3A_17 = arith.addi %mul3A_15, %add3A_16 : i32
    "tpu.region"() ({
      %run_scoped3A = tpu.sem_alloc : memref<!tpu.dma_semaphore, #tpu.memory_space<semaphore_mem>>
      %dma_start3A = arith.constant 0 : i32
      %dma_start3A_53 = tpu.memref_slice %arg11[%add3A_17, %dma_start3A] : memref<10240x128xf32, #tpu.memory_space<vmem_shared>> -> memref<128x128xf32, #tpu.memory_space<vmem_shared>>
      %dma_start3A_54 = arith.constant 0 : i32
      %dma_start3A_55 = tpu.memref_slice %arg11[%add3A_17, %dma_start3A_54] : memref<10240x128xf32, #tpu.memory_space<vmem_shared>> -> memref<128x128xf32, #tpu.memory_space<vmem_shared>>
      tpu.enqueue_dma source(%arg10 : memref<128x128xf32, #tpu.memory_space<vmem>>) target(%dma_start3A_55 : memref<128x128xf32, #tpu.memory_space<vmem_shared>>) target_semaphore(%run_scoped3A : memref<!tpu.dma_semaphore, #tpu.memory_space<semaphore_mem>>)
      %dma_wait3A = arith.constant 0 : i32
      %dma_wait3A_56 = tpu.memref_slice %arg11[%add3A_17, %dma_wait3A] : memref<10240x128xf32, #tpu.memory_space<vmem_shared>> -> memref<128x128xf32, #tpu.memory_space<vmem_shared>>
      %dma_wait3A_57 = arith.constant 0 : i32
      %dma_wait3A_58 = tpu.memref_slice %arg11[%add3A_17, %dma_wait3A_57] : memref<10240x128xf32, #tpu.memory_space<vmem_shared>> -> memref<128x128xf32, #tpu.memory_space<vmem_shared>>
      tpu.wait_dma2 semaphore(%run_scoped3A : memref<!tpu.dma_semaphore, #tpu.memory_space<semaphore_mem>>) src(%arg10 : memref<128x128xf32, #tpu.memory_space<vmem>>) dst(%dma_wait3A_58 : memref<128x128xf32, #tpu.memory_space<vmem_shared>>)
      tpu.yield
    }) : () -> ()
    %mul3A_18 = arith.constant 640 : i32
    %mul3A_19 = arith.muli %arg1, %mul3A_18 : i32
    %add3A_20 = arith.constant 384 : i32
    %add3A_21 = arith.addi %mul3A_19, %add3A_20 : i32
    "tpu.region"() ({
      %run_scoped3A = tpu.sem_alloc : memref<!tpu.dma_semaphore, #tpu.memory_space<semaphore_mem>>
      %dma_start3A = arith.constant 0 : i32
      %dma_start3A_53 = tpu.memref_slice %arg11[%add3A_21, %dma_start3A] : memref<10240x128xf32, #tpu.memory_space<vmem_shared>> -> memref<128x128xf32, #tpu.memory_space<vmem_shared>>
      %dma_start3A_54 = arith.constant 0 : i32
      %dma_start3A_55 = tpu.memref_slice %arg11[%add3A_21, %dma_start3A_54] : memref<10240x128xf32, #tpu.memory_space<vmem_shared>> -> memref<128x128xf32, #tpu.memory_space<vmem_shared>>
      tpu.enqueue_dma source(%arg10 : memref<128x128xf32, #tpu.memory_space<vmem>>) target(%dma_start3A_55 : memref<128x128xf32, #tpu.memory_space<vmem_shared>>) target_semaphore(%run_scoped3A : memref<!tpu.dma_semaphore, #tpu.memory_space<semaphore_mem>>)
      %dma_wait3A = arith.constant 0 : i32
      %dma_wait3A_56 = tpu.memref_slice %arg11[%add3A_21, %dma_wait3A] : memref<10240x128xf32, #tpu.memory_space<vmem_shared>> -> memref<128x128xf32, #tpu.memory_space<vmem_shared>>
      %dma_wait3A_57 = arith.constant 0 : i32
      %dma_wait3A_58 = tpu.memref_slice %arg11[%add3A_21, %dma_wait3A_57] : memref<10240x128xf32, #tpu.memory_space<vmem_shared>> -> memref<128x128xf32, #tpu.memory_space<vmem_shared>>
      tpu.wait_dma2 semaphore(%run_scoped3A : memref<!tpu.dma_semaphore, #tpu.memory_space<semaphore_mem>>) src(%arg10 : memref<128x128xf32, #tpu.memory_space<vmem>>) dst(%dma_wait3A_58 : memref<128x128xf32, #tpu.memory_space<vmem_shared>>)
      tpu.yield
    }) : () -> ()
    %mul3A_22 = arith.constant 640 : i32
    %mul3A_23 = arith.muli %arg1, %mul3A_22 : i32
    %add3A_24 = arith.constant 512 : i32
    %add3A_25 = arith.addi %mul3A_23, %add3A_24 : i32
    "tpu.region"() ({
      %run_scoped3A = tpu.sem_alloc : memref<!tpu.dma_semaphore, #tpu.memory_space<semaphore_mem>>
      %dma_start3A = arith.constant 0 : i32
      %dma_start3A_53 = tpu.memref_slice %arg11[%add3A_25, %dma_start3A] : memref<10240x128xf32, #tpu.memory_space<vmem_shared>> -> memref<128x128xf32, #tpu.memory_space<vmem_shared>>
      %dma_start3A_54 = arith.constant 0 : i32
      %dma_start3A_55 = tpu.memref_slice %arg11[%add3A_25, %dma_start3A_54] : memref<10240x128xf32, #tpu.memory_space<vmem_shared>> -> memref<128x128xf32, #tpu.memory_space<vmem_shared>>
      tpu.enqueue_dma source(%arg10 : memref<128x128xf32, #tpu.memory_space<vmem>>) target(%dma_start3A_55 : memref<128x128xf32, #tpu.memory_space<vmem_shared>>) target_semaphore(%run_scoped3A : memref<!tpu.dma_semaphore, #tpu.memory_space<semaphore_mem>>)
      %dma_wait3A = arith.constant 0 : i32
      %dma_wait3A_56 = tpu.memref_slice %arg11[%add3A_25, %dma_wait3A] : memref<10240x128xf32, #tpu.memory_space<vmem_shared>> -> memref<128x128xf32, #tpu.memory_space<vmem_shared>>
      %dma_wait3A_57 = arith.constant 0 : i32
      %dma_wait3A_58 = tpu.memref_slice %arg11[%add3A_25, %dma_wait3A_57] : memref<10240x128xf32, #tpu.memory_space<vmem_shared>> -> memref<128x128xf32, #tpu.memory_space<vmem_shared>>
      tpu.wait_dma2 semaphore(%run_scoped3A : memref<!tpu.dma_semaphore, #tpu.memory_space<semaphore_mem>>) src(%arg10 : memref<128x128xf32, #tpu.memory_space<vmem>>) dst(%dma_wait3A_58 : memref<128x128xf32, #tpu.memory_space<vmem_shared>>)
      tpu.yield
    }) : () -> ()
    %barrier3A = arith.constant 0 : index
    tpu.barrier barrier_id(%barrier3A)
    %scan3A_26 = arith.constant 0 : i32
    %scan3A_27 = arith.constant 0 : i32
    %scan3A_28 = arith.constant 79 : i32
    %scan3A_29 = arith.addi %scan3A_27, %scan3A_28 : i32
    %scan3A_30 = arith.constant 1 : i32
    scf.for %scan3A_53 = %scan3A_27 to %scan3A_29 step %scan3A_30  : i32 {
      %mul3A_54 = arith.constant 10112 : i32
      %mul3A_55 = arith.muli %add3A, %mul3A_54 : i32
      %mul3A_56 = arith.constant 128 : i32
      %mul3A_57 = arith.muli %scan3A_53, %mul3A_56 : i32
      %add3A_58 = arith.addi %mul3A_55, %mul3A_57 : i32
      "tpu.region"() ({
        %run_scoped3A = tpu.sem_alloc : memref<!tpu.dma_semaphore, #tpu.memory_space<semaphore_mem>>
        %dma_start3A_69 = tpu.memref_slice %arg4[%add3A_58] : memref<323584xi32, #tpu.memory_space<hbm>> -> memref<128xi32, #tpu.memory_space<hbm>>
        %dma_start3A_70 = tpu.memref_slice %arg4[%add3A_58] : memref<323584xi32, #tpu.memory_space<hbm>> -> memref<128xi32, #tpu.memory_space<hbm>>
        tpu.enqueue_dma source(%dma_start3A_70 : memref<128xi32, #tpu.memory_space<hbm>>) target(%arg7 : memref<128xi32, #tpu.memory_space<vmem>>) target_semaphore(%run_scoped3A : memref<!tpu.dma_semaphore, #tpu.memory_space<semaphore_mem>>)
        %dma_wait3A_71 = tpu.memref_slice %arg4[%add3A_58] : memref<323584xi32, #tpu.memory_space<hbm>> -> memref<128xi32, #tpu.memory_space<hbm>>
        %dma_wait3A_72 = tpu.memref_slice %arg4[%add3A_58] : memref<323584xi32, #tpu.memory_space<hbm>> -> memref<128xi32, #tpu.memory_space<hbm>>
        tpu.wait_dma2 semaphore(%run_scoped3A : memref<!tpu.dma_semaphore, #tpu.memory_space<semaphore_mem>>) src(%dma_wait3A_72 : memref<128xi32, #tpu.memory_space<hbm>>) dst(%arg7 : memref<128xi32, #tpu.memory_space<vmem>>)
        tpu.yield
      }) : () -> ()
      "tpu.region"() ({
        %run_scoped3A = tpu.sem_alloc : memref<!tpu.dma_semaphore, #tpu.memory_space<semaphore_mem>>
        %dma_start3A_69 = tpu.memref_slice %arg5[%add3A_58] : memref<323584xi32, #tpu.memory_space<hbm>> -> memref<128xi32, #tpu.memory_space<hbm>>
        %dma_start3A_70 = tpu.memref_slice %arg5[%add3A_58] : memref<323584xi32, #tpu.memory_space<hbm>> -> memref<128xi32, #tpu.memory_space<hbm>>
        tpu.enqueue_dma source(%dma_start3A_70 : memref<128xi32, #tpu.memory_space<hbm>>) target(%arg8 : memref<128xi32, #tpu.memory_space<vmem>>) target_semaphore(%run_scoped3A : memref<!tpu.dma_semaphore, #tpu.memory_space<semaphore_mem>>)
        %dma_wait3A_71 = tpu.memref_slice %arg5[%add3A_58] : memref<323584xi32, #tpu.memory_space<hbm>> -> memref<128xi32, #tpu.memory_space<hbm>>
        %dma_wait3A_72 = tpu.memref_slice %arg5[%add3A_58] : memref<323584xi32, #tpu.memory_space<hbm>> -> memref<128xi32, #tpu.memory_space<hbm>>
        tpu.wait_dma2 semaphore(%run_scoped3A : memref<!tpu.dma_semaphore, #tpu.memory_space<semaphore_mem>>) src(%dma_wait3A_72 : memref<128xi32, #tpu.memory_space<hbm>>) dst(%arg8 : memref<128xi32, #tpu.memory_space<vmem>>)
        tpu.yield
      }) : () -> ()
      %dma_start3A = arith.constant 0 : i32
      %dma_start3A_59 = arith.constant 0 : i32
      %dma_start3A_60 = tpu.memref_slice %arg2[%dma_start3A, %dma_start3A_59] : memref<10000x128xf32, #tpu.memory_space<hbm>> -> memref<10000x128xf32, #tpu.memory_space<hbm>>
      tpu.enqueue_indirect_dma source(%dma_start3A_60 : memref<10000x128xf32, #tpu.memory_space<hbm>>) target(%arg9 : memref<128x128xf32, #tpu.memory_space<vmem>>) offsets(%arg7 : memref<128xi32, #tpu.memory_space<vmem>>) semaphore(%arg12 : memref<!tpu.dma_semaphore, #tpu.memory_space<semaphore_mem>>)
      "tpu.region"() ({
        %run_scoped3A = tpu.sem_alloc : memref<!tpu.dma_semaphore, #tpu.memory_space<semaphore_mem>>
        %dma_start3A_69 = arith.constant 0 : i32
        %dma_start3A_70 = tpu.memref_slice %arg3[%add3A_58, %dma_start3A_69] : memref<323584x128xf32, #tpu.memory_space<hbm>> -> memref<128x128xf32, #tpu.memory_space<hbm>>
        %dma_start3A_71 = arith.constant 0 : i32
        %dma_start3A_72 = tpu.memref_slice %arg3[%add3A_58, %dma_start3A_71] : memref<323584x128xf32, #tpu.memory_space<hbm>> -> memref<128x128xf32, #tpu.memory_space<hbm>>
        tpu.enqueue_dma source(%dma_start3A_72 : memref<128x128xf32, #tpu.memory_space<hbm>>) target(%arg10 : memref<128x128xf32, #tpu.memory_space<vmem>>) target_semaphore(%run_scoped3A : memref<!tpu.dma_semaphore, #tpu.memory_space<semaphore_mem>>)
        %dma_wait3A_73 = arith.constant 0 : i32
        %dma_wait3A_74 = tpu.memref_slice %arg3[%add3A_58, %dma_wait3A_73] : memref<323584x128xf32, #tpu.memory_space<hbm>> -> memref<128x128xf32, #tpu.memory_space<hbm>>
        %dma_wait3A_75 = arith.constant 0 : i32
        %dma_wait3A_76 = tpu.memref_slice %arg3[%add3A_58, %dma_wait3A_75] : memref<323584x128xf32, #tpu.memory_space<hbm>> -> memref<128x128xf32, #tpu.memory_space<hbm>>
        tpu.wait_dma2 semaphore(%run_scoped3A : memref<!tpu.dma_semaphore, #tpu.memory_space<semaphore_mem>>) src(%dma_wait3A_76 : memref<128x128xf32, #tpu.memory_space<hbm>>) dst(%arg10 : memref<128x128xf32, #tpu.memory_space<vmem>>)
        tpu.yield
      }) : () -> ()
      %dma_wait3A = arith.constant 0 : i32
      %dma_wait3A_61 = arith.constant 0 : i32
      %dma_wait3A_62 = tpu.memref_slice %arg2[%dma_wait3A, %dma_wait3A_61] : memref<10000x128xf32, #tpu.memory_space<hbm>> -> memref<10000x128xf32, #tpu.memory_space<hbm>>
      tpu.wait_indirect_dma semaphore(%arg12 : memref<!tpu.dma_semaphore, #tpu.memory_space<semaphore_mem>>) src(%dma_wait3A_62 : memref<10000x128xf32, #tpu.memory_space<hbm>>) dst(%arg9 : memref<128x128xf32, #tpu.memory_space<vmem>>)
      %scan3A_63 = arith.constant 0 : i32
      %scan3A_64 = arith.constant 0 : i32
      %scan3A_65 = arith.constant 128 : i32
      %scan3A_66 = arith.addi %scan3A_64, %scan3A_65 : i32
      %scan3A_67 = arith.constant 1 : i32
      scf.for %scan3A_69 = %scan3A_64 to %scan3A_66 step %scan3A_67  : i32 {
        %get3A = arith.index_cast %scan3A_69 : i32 to index
        %get3A_70 = arith.constant 0 : index
        %get3A_71 = tpu.vector_load %arg9[%get3A, %get3A_70] {strides = array<i32>} : memref<128x128xf32, #tpu.memory_space<vmem>>, vector<1x16xf32>,
        %get3A_72 = vector.shape_cast %get3A_71 : vector<1x16xf32> to vector<16xf32>
        %get3A_73 = arith.index_cast %scan3A_69 : i32 to index
        %get3A_74 = arith.constant 0 : index
        %get3A_75 = tpu.vector_load %arg10[%get3A_73, %get3A_74] {strides = array<i32>} : memref<128x128xf32, #tpu.memory_space<vmem>>, vector<1x16xf32>,
        %get3A_76 = vector.shape_cast %get3A_75 : vector<1x16xf32> to vector<16xf32>
        %add3A_77 = arith.addf %get3A_72, %get3A_76 : vector<16xf32>
        %max3A = arith.constant 0.000000e+00 : f32
        %max3A_78 = vector.broadcast %max3A : f32 to vector<16xf32>
        %max3A_79 = arith.maximumf %add3A_77, %max3A_78 : vector<16xf32>
        %swap3A = arith.index_cast %scan3A_69 : i32 to index
        %swap3A_80 = arith.constant 0 : index
        %swap3A_81 = tpu.vector_load %arg9[%swap3A, %swap3A_80] {strides = array<i32>} : memref<128x128xf32, #tpu.memory_space<vmem>>, vector<1x16xf32>,
        %swap3A_82 = vector.shape_cast %swap3A_81 : vector<1x16xf32> to vector<16xf32>
        %swap3A_83 = vector.shape_cast %max3A_79 : vector<16xf32> to vector<1x16xf32>
        tpu.vector_store %arg9[%swap3A, %swap3A_80], %swap3A_83 {strides = array<i32>} : memref<128x128xf32, #tpu.memory_space<vmem>>, vector<1x16xf32>,
        %get3A_84 = arith.index_cast %scan3A_69 : i32 to index
        %get3A_85 = arith.constant 16 : index
        %get3A_86 = tpu.vector_load %arg9[%get3A_84, %get3A_85] {strides = array<i32>} : memref<128x128xf32, #tpu.memory_space<vmem>>, vector<1x16xf32>,
        %get3A_87 = vector.shape_cast %get3A_86 : vector<1x16xf32> to vector<16xf32>
        %get3A_88 = arith.index_cast %scan3A_69 : i32 to index
        %get3A_89 = arith.constant 16 : index
        %get3A_90 = tpu.vector_load %arg10[%get3A_88, %get3A_89] {strides = array<i32>} : memref<128x128xf32, #tpu.memory_space<vmem>>, vector<1x16xf32>,
        %get3A_91 = vector.shape_cast %get3A_90 : vector<1x16xf32> to vector<16xf32>
        %add3A_92 = arith.addf %get3A_87, %get3A_91 : vector<16xf32>
        %max3A_93 = arith.constant 0.000000e+00 : f32
        %max3A_94 = vector.broadcast %max3A_93 : f32 to vector<16xf32>
        %max3A_95 = arith.maximumf %add3A_92, %max3A_94 : vector<16xf32>
        %swap3A_96 = arith.index_cast %scan3A_69 : i32 to index
        %swap3A_97 = arith.constant 16 : index
        %swap3A_98 = tpu.vector_load %arg9[%swap3A_96, %swap3A_97] {strides = array<i32>} : memref<128x128xf32, #tpu.memory_space<vmem>>, vector<1x16xf32>,
        %swap3A_99 = vector.shape_cast %swap3A_98 : vector<1x16xf32> to vector<16xf32>
        %swap3A_100 = vector.shape_cast %max3A_95 : vector<16xf32> to vector<1x16xf32>
        tpu.vector_store %arg9[%swap3A_96, %swap3A_97], %swap3A_100 {strides = array<i32>} : memref<128x128xf32, #tpu.memory_space<vmem>>, vector<1x16xf32>,
        %get3A_101 = arith.index_cast %scan3A_69 : i32 to index
        %get3A_102 = arith.constant 32 : index
        %get3A_103 = tpu.vector_load %arg9[%get3A_101, %get3A_102] {strides = array<i32>} : memref<128x128xf32, #tpu.memory_space<vmem>>, vector<1x16xf32>,
        %get3A_104 = vector.shape_cast %get3A_103 : vector<1x16xf32> to vector<16xf32>
        %get3A_105 = arith.index_cast %scan3A_69 : i32 to index
        %get3A_106 = arith.constant 32 : index
        %get3A_107 = tpu.vector_load %arg10[%get3A_105, %get3A_106] {strides = array<i32>} : memref<128x128xf32, #tpu.memory_space<vmem>>, vector<1x16xf32>,
        %get3A_108 = vector.shape_cast %get3A_107 : vector<1x16xf32> to vector<16xf32>
        %add3A_109 = arith.addf %get3A_104, %get3A_108 : vector<16xf32>
        %max3A_110 = arith.constant 0.000000e+00 : f32
        %max3A_111 = vector.broadcast %max3A_110 : f32 to vector<16xf32>
        %max3A_112 = arith.maximumf %add3A_109, %max3A_111 : vector<16xf32>
        %swap3A_113 = arith.index_cast %scan3A_69 : i32 to index
        %swap3A_114 = arith.constant 32 : index
        %swap3A_115 = tpu.vector_load %arg9[%swap3A_113, %swap3A_114] {strides = array<i32>} : memref<128x128xf32, #tpu.memory_space<vmem>>, vector<1x16xf32>,
        %swap3A_116 = vector.shape_cast %swap3A_115 : vector<1x16xf32> to vector<16xf32>
        %swap3A_117 = vector.shape_cast %max3A_112 : vector<16xf32> to vector<1x16xf32>
        tpu.vector_store %arg9[%swap3A_113, %swap3A_114], %swap3A_117 {strides = array<i32>} : memref<128x128xf32, #tpu.memory_space<vmem>>, vector<1x16xf32>,
        %get3A_118 = arith.index_cast %scan3A_69 : i32 to index
        %get3A_119 = arith.constant 48 : index
        %get3A_120 = tpu.vector_load %arg9[%get3A_118, %get3A_119] {strides = array<i32>} : memref<128x128xf32, #tpu.memory_space<vmem>>, vector<1x16xf32>,
        %get3A_121 = vector.shape_cast %get3A_120 : vector<1x16xf32> to vector<16xf32>
        %get3A_122 = arith.index_cast %scan3A_69 : i32 to index
        %get3A_123 = arith.constant 48 : index
        %get3A_124 = tpu.vector_load %arg10[%get3A_122, %get3A_123] {strides = array<i32>} : memref<128x128xf32, #tpu.memory_space<vmem>>, vector<1x16xf32>,
        %get3A_125 = vector.shape_cast %get3A_124 : vector<1x16xf32> to vector<16xf32>
        %add3A_126 = arith.addf %get3A_121, %get3A_125 : vector<16xf32>
        %max3A_127 = arith.constant 0.000000e+00 : f32
        %max3A_128 = vector.broadcast %max3A_127 : f32 to vector<16xf32>
        %max3A_129 = arith.maximumf %add3A_126, %max3A_128 : vector<16xf32>
        %swap3A_130 = arith.index_cast %scan3A_69 : i32 to index
        %swap3A_131 = arith.constant 48 : index
        %swap3A_132 = tpu.vector_load %arg9[%swap3A_130, %swap3A_131] {strides = array<i32>} : memref<128x128xf32, #tpu.memory_space<vmem>>, vector<1x16xf32>,
        %swap3A_133 = vector.shape_cast %swap3A_132 : vector<1x16xf32> to vector<16xf32>
        %swap3A_134 = vector.shape_cast %max3A_129 : vector<16xf32> to vector<1x16xf32>
        tpu.vector_store %arg9[%swap3A_130, %swap3A_131], %swap3A_134 {strides = array<i32>} : memref<128x128xf32, #tpu.memory_space<vmem>>, vector<1x16xf32>,
        %get3A_135 = arith.index_cast %scan3A_69 : i32 to index
        %get3A_136 = arith.constant 64 : index
        %get3A_137 = tpu.vector_load %arg9[%get3A_135, %get3A_136] {strides = array<i32>} : memref<128x128xf32, #tpu.memory_space<vmem>>, vector<1x16xf32>,
        %get3A_138 = vector.shape_cast %get3A_137 : vector<1x16xf32> to vector<16xf32>
        %get3A_139 = arith.index_cast %scan3A_69 : i32 to index
        %get3A_140 = arith.constant 64 : index
        %get3A_141 = tpu.vector_load %arg10[%get3A_139, %get3A_140] {strides = array<i32>} : memref<128x128xf32, #tpu.memory_space<vmem>>, vector<1x16xf32>,
        %get3A_142 = vector.shape_cast %get3A_141 : vector<1x16xf32> to vector<16xf32>
        %add3A_143 = arith.addf %get3A_138, %get3A_142 : vector<16xf32>
        %max3A_144 = arith.constant 0.000000e+00 : f32
        %max3A_145 = vector.broadcast %max3A_144 : f32 to vector<16xf32>
        %max3A_146 = arith.maximumf %add3A_143, %max3A_145 : vector<16xf32>
        %swap3A_147 = arith.index_cast %scan3A_69 : i32 to index
        %swap3A_148 = arith.constant 64 : index
        %swap3A_149 = tpu.vector_load %arg9[%swap3A_147, %swap3A_148] {strides = array<i32>} : memref<128x128xf32, #tpu.memory_space<vmem>>, vector<1x16xf32>,
        %swap3A_150 = vector.shape_cast %swap3A_149 : vector<1x16xf32> to vector<16xf32>
        %swap3A_151 = vector.shape_cast %max3A_146 : vector<16xf32> to vector<1x16xf32>
        tpu.vector_store %arg9[%swap3A_147, %swap3A_148], %swap3A_151 {strides = array<i32>} : memref<128x128xf32, #tpu.memory_space<vmem>>, vector<1x16xf32>,
        %get3A_152 = arith.index_cast %scan3A_69 : i32 to index
        %get3A_153 = arith.constant 80 : index
        %get3A_154 = tpu.vector_load %arg9[%get3A_152, %get3A_153] {strides = array<i32>} : memref<128x128xf32, #tpu.memory_space<vmem>>, vector<1x16xf32>,
        %get3A_155 = vector.shape_cast %get3A_154 : vector<1x16xf32> to vector<16xf32>
        %get3A_156 = arith.index_cast %scan3A_69 : i32 to index
        %get3A_157 = arith.constant 80 : index
        %get3A_158 = tpu.vector_load %arg10[%get3A_156, %get3A_157] {strides = array<i32>} : memref<128x128xf32, #tpu.memory_space<vmem>>, vector<1x16xf32>,
        %get3A_159 = vector.shape_cast %get3A_158 : vector<1x16xf32> to vector<16xf32>
        %add3A_160 = arith.addf %get3A_155, %get3A_159 : vector<16xf32>
        %max3A_161 = arith.constant 0.000000e+00 : f32
        %max3A_162 = vector.broadcast %max3A_161 : f32 to vector<16xf32>
        %max3A_163 = arith.maximumf %add3A_160, %max3A_162 : vector<16xf32>
        %swap3A_164 = arith.index_cast %scan3A_69 : i32 to index
        %swap3A_165 = arith.constant 80 : index
        %swap3A_166 = tpu.vector_load %arg9[%swap3A_164, %swap3A_165] {strides = array<i32>} : memref<128x128xf32, #tpu.memory_space<vmem>>, vector<1x16xf32>,
        %swap3A_167 = vector.shape_cast %swap3A_166 : vector<1x16xf32> to vector<16xf32>
        %swap3A_168 = vector.shape_cast %max3A_163 : vector<16xf32> to vector<1x16xf32>
        tpu.vector_store %arg9[%swap3A_164, %swap3A_165], %swap3A_168 {strides = array<i32>} : memref<128x128xf32, #tpu.memory_space<vmem>>, vector<1x16xf32>,
        %get3A_169 = arith.index_cast %scan3A_69 : i32 to index
        %get3A_170 = arith.constant 96 : index
        %get3A_171 = tpu.vector_load %arg9[%get3A_169, %get3A_170] {strides = array<i32>} : memref<128x128xf32, #tpu.memory_space<vmem>>, vector<1x16xf32>,
        %get3A_172 = vector.shape_cast %get3A_171 : vector<1x16xf32> to vector<16xf32>
        %get3A_173 = arith.index_cast %scan3A_69 : i32 to index
        %get3A_174 = arith.constant 96 : index
        %get3A_175 = tpu.vector_load %arg10[%get3A_173, %get3A_174] {strides = array<i32>} : memref<128x128xf32, #tpu.memory_space<vmem>>, vector<1x16xf32>,
        %get3A_176 = vector.shape_cast %get3A_175 : vector<1x16xf32> to vector<16xf32>
        %add3A_177 = arith.addf %get3A_172, %get3A_176 : vector<16xf32>
        %max3A_178 = arith.constant 0.000000e+00 : f32
        %max3A_179 = vector.broadcast %max3A_178 : f32 to vector<16xf32>
        %max3A_180 = arith.maximumf %add3A_177, %max3A_179 : vector<16xf32>
        %swap3A_181 = arith.index_cast %scan3A_69 : i32 to index
        %swap3A_182 = arith.constant 96 : index
        %swap3A_183 = tpu.vector_load %arg9[%swap3A_181, %swap3A_182] {strides = array<i32>} : memref<128x128xf32, #tpu.memory_space<vmem>>, vector<1x16xf32>,
        %swap3A_184 = vector.shape_cast %swap3A_183 : vector<1x16xf32> to vector<16xf32>
        %swap3A_185 = vector.shape_cast %max3A_180 : vector<16xf32> to vector<1x16xf32>
        tpu.vector_store %arg9[%swap3A_181, %swap3A_182], %swap3A_185 {strides = array<i32>} : memref<128x128xf32, #tpu.memory_space<vmem>>, vector<1x16xf32>,
        %get3A_186 = arith.index_cast %scan3A_69 : i32 to index
        %get3A_187 = arith.constant 112 : index
        %get3A_188 = tpu.vector_load %arg9[%get3A_186, %get3A_187] {strides = array<i32>} : memref<128x128xf32, #tpu.memory_space<vmem>>, vector<1x16xf32>,
        %get3A_189 = vector.shape_cast %get3A_188 : vector<1x16xf32> to vector<16xf32>
        %get3A_190 = arith.index_cast %scan3A_69 : i32 to index
        %get3A_191 = arith.constant 112 : index
        %get3A_192 = tpu.vector_load %arg10[%get3A_190, %get3A_191] {strides = array<i32>} : memref<128x128xf32, #tpu.memory_space<vmem>>, vector<1x16xf32>,
        %get3A_193 = vector.shape_cast %get3A_192 : vector<1x16xf32> to vector<16xf32>
        %add3A_194 = arith.addf %get3A_189, %get3A_193 : vector<16xf32>
        %max3A_195 = arith.constant 0.000000e+00 : f32
        %max3A_196 = vector.broadcast %max3A_195 : f32 to vector<16xf32>
        %max3A_197 = arith.maximumf %add3A_194, %max3A_196 : vector<16xf32>
        %swap3A_198 = arith.index_cast %scan3A_69 : i32 to index
        %swap3A_199 = arith.constant 112 : index
        %swap3A_200 = tpu.vector_load %arg9[%swap3A_198, %swap3A_199] {strides = array<i32>} : memref<128x128xf32, #tpu.memory_space<vmem>>, vector<1x16xf32>,
        %swap3A_201 = vector.shape_cast %swap3A_200 : vector<1x16xf32> to vector<16xf32>
        %swap3A_202 = vector.shape_cast %max3A_197 : vector<16xf32> to vector<1x16xf32>
        tpu.vector_store %arg9[%swap3A_198, %swap3A_199], %swap3A_202 {strides = array<i32>} : memref<128x128xf32, #tpu.memory_space<vmem>>, vector<1x16xf32>,
      }
      %scan3A_68 = arith.constant 128 : i32
      "tpu.region"() ({
        %run_scoped3A = tpu.sem_alloc : memref<!tpu.dma_semaphore, #tpu.memory_space<semaphore_mem>>
        %dma_start3A_69 = arith.constant 0 : i32
        %dma_start3A_70 = arith.constant 0 : i32
        %dma_start3A_71 = tpu.memref_slice %arg11[%dma_start3A_69, %dma_start3A_70] : memref<10240x128xf32, #tpu.memory_space<vmem_shared>> -> memref<10240x128xf32, #tpu.memory_space<vmem_shared>>
        tpu.enqueue_indirect_dma source(%arg9 : memref<128x128xf32, #tpu.memory_space<vmem>>) target(%dma_start3A_71 : memref<10240x128xf32, #tpu.memory_space<vmem_shared>>) offsets(%arg8 : memref<128xi32, #tpu.memory_space<vmem>>) semaphore(%run_scoped3A : memref<!tpu.dma_semaphore, #tpu.memory_space<semaphore_mem>>) {add = true}
        %dma_wait3A_72 = arith.constant 0 : i32
        %dma_wait3A_73 = arith.constant 0 : i32
        %dma_wait3A_74 = tpu.memref_slice %arg11[%dma_wait3A_72, %dma_wait3A_73] : memref<10240x128xf32, #tpu.memory_space<vmem_shared>> -> memref<10240x128xf32, #tpu.memory_space<vmem_shared>>
        tpu.wait_indirect_dma semaphore(%run_scoped3A : memref<!tpu.dma_semaphore, #tpu.memory_space<semaphore_mem>>) src(%arg9 : memref<128x128xf32, #tpu.memory_space<vmem>>) dst(%dma_wait3A_74 : memref<10240x128xf32, #tpu.memory_space<vmem_shared>>)
        tpu.yield
      }) : () -> ()
    }
    %scan3A_31 = arith.constant 79 : i32
    %barrier3A_32 = arith.constant 0 : index
    tpu.barrier barrier_id(%barrier3A_32)
    %mul3A_33 = arith.constant 640 : i32
    %mul3A_34 = arith.muli %arg1, %mul3A_33 : i32
    %add3A_35 = arith.constant 0 : i32
    %add3A_36 = arith.addi %mul3A_34, %add3A_35 : i32
    "tpu.region"() ({
      %run_scoped3A = tpu.sem_alloc : memref<!tpu.dma_semaphore, #tpu.memory_space<semaphore_mem>>
      %dma_start3A = arith.constant 0 : i32
      %dma_start3A_53 = tpu.memref_slice %arg11[%add3A_36, %dma_start3A] : memref<10240x128xf32, #tpu.memory_space<vmem_shared>> -> memref<128x128xf32, #tpu.memory_space<vmem_shared>>
      %dma_start3A_54 = arith.constant 0 : i32
      %dma_start3A_55 = tpu.memref_slice %arg11[%add3A_36, %dma_start3A_54] : memref<10240x128xf32, #tpu.memory_space<vmem_shared>> -> memref<128x128xf32, #tpu.memory_space<vmem_shared>>
      tpu.enqueue_dma source(%dma_start3A_55 : memref<128x128xf32, #tpu.memory_space<vmem_shared>>) target(%arg10 : memref<128x128xf32, #tpu.memory_space<vmem>>) target_semaphore(%run_scoped3A : memref<!tpu.dma_semaphore, #tpu.memory_space<semaphore_mem>>)
      %dma_wait3A = arith.constant 0 : i32
      %dma_wait3A_56 = tpu.memref_slice %arg11[%add3A_36, %dma_wait3A] : memref<10240x128xf32, #tpu.memory_space<vmem_shared>> -> memref<128x128xf32, #tpu.memory_space<vmem_shared>>
      %dma_wait3A_57 = arith.constant 0 : i32
      %dma_wait3A_58 = tpu.memref_slice %arg11[%add3A_36, %dma_wait3A_57] : memref<10240x128xf32, #tpu.memory_space<vmem_shared>> -> memref<128x128xf32, #tpu.memory_space<vmem_shared>>
      tpu.wait_dma2 semaphore(%run_scoped3A : memref<!tpu.dma_semaphore, #tpu.memory_space<semaphore_mem>>) src(%dma_wait3A_58 : memref<128x128xf32, #tpu.memory_space<vmem_shared>>) dst(%arg10 : memref<128x128xf32, #tpu.memory_space<vmem>>)
      tpu.yield
    }) : () -> ()
    "tpu.region"() ({
      %run_scoped3A = tpu.sem_alloc : memref<!tpu.dma_semaphore, #tpu.memory_space<semaphore_mem>>
      %dma_start3A = arith.constant 0 : i32
      %dma_start3A_53 = tpu.memref_slice %arg6[%arg0, %add3A_36, %dma_start3A] : memref<2x10240x128xf32, #tpu.memory_space<hbm>> -> memref<1x128x128xf32, #tpu.memory_space<hbm>>
      %dma_start3A_54 = tpu.memref_squeeze %dma_start3A_53 : memref<1x128x128xf32, #tpu.memory_space<hbm>> -> memref<128x128xf32, #tpu.memory_space<hbm>>
      %dma_start3A_55 = arith.constant 0 : i32
      %dma_start3A_56 = tpu.memref_slice %arg6[%arg0, %add3A_36, %dma_start3A_55] : memref<2x10240x128xf32, #tpu.memory_space<hbm>> -> memref<1x128x128xf32, #tpu.memory_space<hbm>>
      %dma_start3A_57 = tpu.memref_squeeze %dma_start3A_56 : memref<1x128x128xf32, #tpu.memory_space<hbm>> -> memref<128x128xf32, #tpu.memory_space<hbm>>
      tpu.enqueue_dma source(%arg10 : memref<128x128xf32, #tpu.memory_space<vmem>>) target(%dma_start3A_57 : memref<128x128xf32, #tpu.memory_space<hbm>>) target_semaphore(%run_scoped3A : memref<!tpu.dma_semaphore, #tpu.memory_space<semaphore_mem>>)
      %dma_wait3A = arith.constant 0 : i32
      %dma_wait3A_58 = tpu.memref_slice %arg6[%arg0, %add3A_36, %dma_wait3A] : memref<2x10240x128xf32, #tpu.memory_space<hbm>> -> memref<1x128x128xf32, #tpu.memory_space<hbm>>
      %dma_wait3A_59 = tpu.memref_squeeze %dma_wait3A_58 : memref<1x128x128xf32, #tpu.memory_space<hbm>> -> memref<128x128xf32, #tpu.memory_space<hbm>>
      %dma_wait3A_60 = arith.constant 0 : i32
      %dma_wait3A_61 = tpu.memref_slice %arg6[%arg0, %add3A_36, %dma_wait3A_60] : memref<2x10240x128xf32, #tpu.memory_space<hbm>> -> memref<1x128x128xf32, #tpu.memory_space<hbm>>
      %dma_wait3A_62 = tpu.memref_squeeze %dma_wait3A_61 : memref<1x128x128xf32, #tpu.memory_space<hbm>> -> memref<128x128xf32, #tpu.memory_space<hbm>>
      tpu.wait_dma2 semaphore(%run_scoped3A : memref<!tpu.dma_semaphore, #tpu.memory_space<semaphore_mem>>) src(%arg10 : memref<128x128xf32, #tpu.memory_space<vmem>>) dst(%dma_wait3A_62 : memref<128x128xf32, #tpu.memory_space<hbm>>)
      tpu.yield
    }) : () -> ()
    %mul3A_37 = arith.constant 640 : i32
    %mul3A_38 = arith.muli %arg1, %mul3A_37 : i32
    %add3A_39 = arith.constant 128 : i32
    %add3A_40 = arith.addi %mul3A_38, %add3A_39 : i32
    "tpu.region"() ({
      %run_scoped3A = tpu.sem_alloc : memref<!tpu.dma_semaphore, #tpu.memory_space<semaphore_mem>>
      %dma_start3A = arith.constant 0 : i32
      %dma_start3A_53 = tpu.memref_slice %arg11[%add3A_40, %dma_start3A] : memref<10240x128xf32, #tpu.memory_space<vmem_shared>> -> memref<128x128xf32, #tpu.memory_space<vmem_shared>>
      %dma_start3A_54 = arith.constant 0 : i32
      %dma_start3A_55 = tpu.memref_slice %arg11[%add3A_40, %dma_start3A_54] : memref<10240x128xf32, #tpu.memory_space<vmem_shared>> -> memref<128x128xf32, #tpu.memory_space<vmem_shared>>
      tpu.enqueue_dma source(%dma_start3A_55 : memref<128x128xf32, #tpu.memory_space<vmem_shared>>) target(%arg10 : memref<128x128xf32, #tpu.memory_space<vmem>>) target_semaphore(%run_scoped3A : memref<!tpu.dma_semaphore, #tpu.memory_space<semaphore_mem>>)
      %dma_wait3A = arith.constant 0 : i32
      %dma_wait3A_56 = tpu.memref_slice %arg11[%add3A_40, %dma_wait3A] : memref<10240x128xf32, #tpu.memory_space<vmem_shared>> -> memref<128x128xf32, #tpu.memory_space<vmem_shared>>
      %dma_wait3A_57 = arith.constant 0 : i32
      %dma_wait3A_58 = tpu.memref_slice %arg11[%add3A_40, %dma_wait3A_57] : memref<10240x128xf32, #tpu.memory_space<vmem_shared>> -> memref<128x128xf32, #tpu.memory_space<vmem_shared>>
      tpu.wait_dma2 semaphore(%run_scoped3A : memref<!tpu.dma_semaphore, #tpu.memory_space<semaphore_mem>>) src(%dma_wait3A_58 : memref<128x128xf32, #tpu.memory_space<vmem_shared>>) dst(%arg10 : memref<128x128xf32, #tpu.memory_space<vmem>>)
      tpu.yield
    }) : () -> ()
    "tpu.region"() ({
      %run_scoped3A = tpu.sem_alloc : memref<!tpu.dma_semaphore, #tpu.memory_space<semaphore_mem>>
      %dma_start3A = arith.constant 0 : i32
      %dma_start3A_53 = tpu.memref_slice %arg6[%arg0, %add3A_40, %dma_start3A] : memref<2x10240x128xf32, #tpu.memory_space<hbm>> -> memref<1x128x128xf32, #tpu.memory_space<hbm>>
      %dma_start3A_54 = tpu.memref_squeeze %dma_start3A_53 : memref<1x128x128xf32, #tpu.memory_space<hbm>> -> memref<128x128xf32, #tpu.memory_space<hbm>>
      %dma_start3A_55 = arith.constant 0 : i32
      %dma_start3A_56 = tpu.memref_slice %arg6[%arg0, %add3A_40, %dma_start3A_55] : memref<2x10240x128xf32, #tpu.memory_space<hbm>> -> memref<1x128x128xf32, #tpu.memory_space<hbm>>
      %dma_start3A_57 = tpu.memref_squeeze %dma_start3A_56 : memref<1x128x128xf32, #tpu.memory_space<hbm>> -> memref<128x128xf32, #tpu.memory_space<hbm>>
      tpu.enqueue_dma source(%arg10 : memref<128x128xf32, #tpu.memory_space<vmem>>) target(%dma_start3A_57 : memref<128x128xf32, #tpu.memory_space<hbm>>) target_semaphore(%run_scoped3A : memref<!tpu.dma_semaphore, #tpu.memory_space<semaphore_mem>>)
      %dma_wait3A = arith.constant 0 : i32
      %dma_wait3A_58 = tpu.memref_slice %arg6[%arg0, %add3A_40, %dma_wait3A] : memref<2x10240x128xf32, #tpu.memory_space<hbm>> -> memref<1x128x128xf32, #tpu.memory_space<hbm>>
      %dma_wait3A_59 = tpu.memref_squeeze %dma_wait3A_58 : memref<1x128x128xf32, #tpu.memory_space<hbm>> -> memref<128x128xf32, #tpu.memory_space<hbm>>
      %dma_wait3A_60 = arith.constant 0 : i32
      %dma_wait3A_61 = tpu.memref_slice %arg6[%arg0, %add3A_40, %dma_wait3A_60] : memref<2x10240x128xf32, #tpu.memory_space<hbm>> -> memref<1x128x128xf32, #tpu.memory_space<hbm>>
      %dma_wait3A_62 = tpu.memref_squeeze %dma_wait3A_61 : memref<1x128x128xf32, #tpu.memory_space<hbm>> -> memref<128x128xf32, #tpu.memory_space<hbm>>
      tpu.wait_dma2 semaphore(%run_scoped3A : memref<!tpu.dma_semaphore, #tpu.memory_space<semaphore_mem>>) src(%arg10 : memref<128x128xf32, #tpu.memory_space<vmem>>) dst(%dma_wait3A_62 : memref<128x128xf32, #tpu.memory_space<hbm>>)
      tpu.yield
    }) : () -> ()
    %mul3A_41 = arith.constant 640 : i32
    %mul3A_42 = arith.muli %arg1, %mul3A_41 : i32
    %add3A_43 = arith.constant 256 : i32
    %add3A_44 = arith.addi %mul3A_42, %add3A_43 : i32
    "tpu.region"() ({
      %run_scoped3A = tpu.sem_alloc : memref<!tpu.dma_semaphore, #tpu.memory_space<semaphore_mem>>
      %dma_start3A = arith.constant 0 : i32
      %dma_start3A_53 = tpu.memref_slice %arg11[%add3A_44, %dma_start3A] : memref<10240x128xf32, #tpu.memory_space<vmem_shared>> -> memref<128x128xf32, #tpu.memory_space<vmem_shared>>
      %dma_start3A_54 = arith.constant 0 : i32
      %dma_start3A_55 = tpu.memref_slice %arg11[%add3A_44, %dma_start3A_54] : memref<10240x128xf32, #tpu.memory_space<vmem_shared>> -> memref<128x128xf32, #tpu.memory_space<vmem_shared>>
      tpu.enqueue_dma source(%dma_start3A_55 : memref<128x128xf32, #tpu.memory_space<vmem_shared>>) target(%arg10 : memref<128x128xf32, #tpu.memory_space<vmem>>) target_semaphore(%run_scoped3A : memref<!tpu.dma_semaphore, #tpu.memory_space<semaphore_mem>>)
      %dma_wait3A = arith.constant 0 : i32
      %dma_wait3A_56 = tpu.memref_slice %arg11[%add3A_44, %dma_wait3A] : memref<10240x128xf32, #tpu.memory_space<vmem_shared>> -> memref<128x128xf32, #tpu.memory_space<vmem_shared>>
      %dma_wait3A_57 = arith.constant 0 : i32
      %dma_wait3A_58 = tpu.memref_slice %arg11[%add3A_44, %dma_wait3A_57] : memref<10240x128xf32, #tpu.memory_space<vmem_shared>> -> memref<128x128xf32, #tpu.memory_space<vmem_shared>>
      tpu.wait_dma2 semaphore(%run_scoped3A : memref<!tpu.dma_semaphore, #tpu.memory_space<semaphore_mem>>) src(%dma_wait3A_58 : memref<128x128xf32, #tpu.memory_space<vmem_shared>>) dst(%arg10 : memref<128x128xf32, #tpu.memory_space<vmem>>)
      tpu.yield
    }) : () -> ()
    "tpu.region"() ({
      %run_scoped3A = tpu.sem_alloc : memref<!tpu.dma_semaphore, #tpu.memory_space<semaphore_mem>>
      %dma_start3A = arith.constant 0 : i32
      %dma_start3A_53 = tpu.memref_slice %arg6[%arg0, %add3A_44, %dma_start3A] : memref<2x10240x128xf32, #tpu.memory_space<hbm>> -> memref<1x128x128xf32, #tpu.memory_space<hbm>>
      %dma_start3A_54 = tpu.memref_squeeze %dma_start3A_53 : memref<1x128x128xf32, #tpu.memory_space<hbm>> -> memref<128x128xf32, #tpu.memory_space<hbm>>
      %dma_start3A_55 = arith.constant 0 : i32
      %dma_start3A_56 = tpu.memref_slice %arg6[%arg0, %add3A_44, %dma_start3A_55] : memref<2x10240x128xf32, #tpu.memory_space<hbm>> -> memref<1x128x128xf32, #tpu.memory_space<hbm>>
      %dma_start3A_57 = tpu.memref_squeeze %dma_start3A_56 : memref<1x128x128xf32, #tpu.memory_space<hbm>> -> memref<128x128xf32, #tpu.memory_space<hbm>>
      tpu.enqueue_dma source(%arg10 : memref<128x128xf32, #tpu.memory_space<vmem>>) target(%dma_start3A_57 : memref<128x128xf32, #tpu.memory_space<hbm>>) target_semaphore(%run_scoped3A : memref<!tpu.dma_semaphore, #tpu.memory_space<semaphore_mem>>)
      %dma_wait3A = arith.constant 0 : i32
      %dma_wait3A_58 = tpu.memref_slice %arg6[%arg0, %add3A_44, %dma_wait3A] : memref<2x10240x128xf32, #tpu.memory_space<hbm>> -> memref<1x128x128xf32, #tpu.memory_space<hbm>>
      %dma_wait3A_59 = tpu.memref_squeeze %dma_wait3A_58 : memref<1x128x128xf32, #tpu.memory_space<hbm>> -> memref<128x128xf32, #tpu.memory_space<hbm>>
      %dma_wait3A_60 = arith.constant 0 : i32
      %dma_wait3A_61 = tpu.memref_slice %arg6[%arg0, %add3A_44, %dma_wait3A_60] : memref<2x10240x128xf32, #tpu.memory_space<hbm>> -> memref<1x128x128xf32, #tpu.memory_space<hbm>>
      %dma_wait3A_62 = tpu.memref_squeeze %dma_wait3A_61 : memref<1x128x128xf32, #tpu.memory_space<hbm>> -> memref<128x128xf32, #tpu.memory_space<hbm>>
      tpu.wait_dma2 semaphore(%run_scoped3A : memref<!tpu.dma_semaphore, #tpu.memory_space<semaphore_mem>>) src(%arg10 : memref<128x128xf32, #tpu.memory_space<vmem>>) dst(%dma_wait3A_62 : memref<128x128xf32, #tpu.memory_space<hbm>>)
      tpu.yield
    }) : () -> ()
    %mul3A_45 = arith.constant 640 : i32
    %mul3A_46 = arith.muli %arg1, %mul3A_45 : i32
    %add3A_47 = arith.constant 384 : i32
    %add3A_48 = arith.addi %mul3A_46, %add3A_47 : i32
    "tpu.region"() ({
      %run_scoped3A = tpu.sem_alloc : memref<!tpu.dma_semaphore, #tpu.memory_space<semaphore_mem>>
      %dma_start3A = arith.constant 0 : i32
      %dma_start3A_53 = tpu.memref_slice %arg11[%add3A_48, %dma_start3A] : memref<10240x128xf32, #tpu.memory_space<vmem_shared>> -> memref<128x128xf32, #tpu.memory_space<vmem_shared>>
      %dma_start3A_54 = arith.constant 0 : i32
      %dma_start3A_55 = tpu.memref_slice %arg11[%add3A_48, %dma_start3A_54] : memref<10240x128xf32, #tpu.memory_space<vmem_shared>> -> memref<128x128xf32, #tpu.memory_space<vmem_shared>>
      tpu.enqueue_dma source(%dma_start3A_55 : memref<128x128xf32, #tpu.memory_space<vmem_shared>>) target(%arg10 : memref<128x128xf32, #tpu.memory_space<vmem>>) target_semaphore(%run_scoped3A : memref<!tpu.dma_semaphore, #tpu.memory_space<semaphore_mem>>)
      %dma_wait3A = arith.constant 0 : i32
      %dma_wait3A_56 = tpu.memref_slice %arg11[%add3A_48, %dma_wait3A] : memref<10240x128xf32, #tpu.memory_space<vmem_shared>> -> memref<128x128xf32, #tpu.memory_space<vmem_shared>>
      %dma_wait3A_57 = arith.constant 0 : i32
      %dma_wait3A_58 = tpu.memref_slice %arg11[%add3A_48, %dma_wait3A_57] : memref<10240x128xf32, #tpu.memory_space<vmem_shared>> -> memref<128x128xf32, #tpu.memory_space<vmem_shared>>
      tpu.wait_dma2 semaphore(%run_scoped3A : memref<!tpu.dma_semaphore, #tpu.memory_space<semaphore_mem>>) src(%dma_wait3A_58 : memref<128x128xf32, #tpu.memory_space<vmem_shared>>) dst(%arg10 : memref<128x128xf32, #tpu.memory_space<vmem>>)
      tpu.yield
    }) : () -> ()
    "tpu.region"() ({
      %run_scoped3A = tpu.sem_alloc : memref<!tpu.dma_semaphore, #tpu.memory_space<semaphore_mem>>
      %dma_start3A = arith.constant 0 : i32
      %dma_start3A_53 = tpu.memref_slice %arg6[%arg0, %add3A_48, %dma_start3A] : memref<2x10240x128xf32, #tpu.memory_space<hbm>> -> memref<1x128x128xf32, #tpu.memory_space<hbm>>
      %dma_start3A_54 = tpu.memref_squeeze %dma_start3A_53 : memref<1x128x128xf32, #tpu.memory_space<hbm>> -> memref<128x128xf32, #tpu.memory_space<hbm>>
      %dma_start3A_55 = arith.constant 0 : i32
      %dma_start3A_56 = tpu.memref_slice %arg6[%arg0, %add3A_48, %dma_start3A_55] : memref<2x10240x128xf32, #tpu.memory_space<hbm>> -> memref<1x128x128xf32, #tpu.memory_space<hbm>>
      %dma_start3A_57 = tpu.memref_squeeze %dma_start3A_56 : memref<1x128x128xf32, #tpu.memory_space<hbm>> -> memref<128x128xf32, #tpu.memory_space<hbm>>
      tpu.enqueue_dma source(%arg10 : memref<128x128xf32, #tpu.memory_space<vmem>>) target(%dma_start3A_57 : memref<128x128xf32, #tpu.memory_space<hbm>>) target_semaphore(%run_scoped3A : memref<!tpu.dma_semaphore, #tpu.memory_space<semaphore_mem>>)
      %dma_wait3A = arith.constant 0 : i32
      %dma_wait3A_58 = tpu.memref_slice %arg6[%arg0, %add3A_48, %dma_wait3A] : memref<2x10240x128xf32, #tpu.memory_space<hbm>> -> memref<1x128x128xf32, #tpu.memory_space<hbm>>
      %dma_wait3A_59 = tpu.memref_squeeze %dma_wait3A_58 : memref<1x128x128xf32, #tpu.memory_space<hbm>> -> memref<128x128xf32, #tpu.memory_space<hbm>>
      %dma_wait3A_60 = arith.constant 0 : i32
      %dma_wait3A_61 = tpu.memref_slice %arg6[%arg0, %add3A_48, %dma_wait3A_60] : memref<2x10240x128xf32, #tpu.memory_space<hbm>> -> memref<1x128x128xf32, #tpu.memory_space<hbm>>
      %dma_wait3A_62 = tpu.memref_squeeze %dma_wait3A_61 : memref<1x128x128xf32, #tpu.memory_space<hbm>> -> memref<128x128xf32, #tpu.memory_space<hbm>>
      tpu.wait_dma2 semaphore(%run_scoped3A : memref<!tpu.dma_semaphore, #tpu.memory_space<semaphore_mem>>) src(%arg10 : memref<128x128xf32, #tpu.memory_space<vmem>>) dst(%dma_wait3A_62 : memref<128x128xf32, #tpu.memory_space<hbm>>)
      tpu.yield
    }) : () -> ()
    %mul3A_49 = arith.constant 640 : i32
    %mul3A_50 = arith.muli %arg1, %mul3A_49 : i32
    %add3A_51 = arith.constant 512 : i32
    %add3A_52 = arith.addi %mul3A_50, %add3A_51 : i32
    "tpu.region"() ({
      %run_scoped3A = tpu.sem_alloc : memref<!tpu.dma_semaphore, #tpu.memory_space<semaphore_mem>>
      %dma_start3A = arith.constant 0 : i32
      %dma_start3A_53 = tpu.memref_slice %arg11[%add3A_52, %dma_start3A] : memref<10240x128xf32, #tpu.memory_space<vmem_shared>> -> memref<128x128xf32, #tpu.memory_space<vmem_shared>>
      %dma_start3A_54 = arith.constant 0 : i32
      %dma_start3A_55 = tpu.memref_slice %arg11[%add3A_52, %dma_start3A_54] : memref<10240x128xf32, #tpu.memory_space<vmem_shared>> -> memref<128x128xf32, #tpu.memory_space<vmem_shared>>
      tpu.enqueue_dma source(%dma_start3A_55 : memref<128x128xf32, #tpu.memory_space<vmem_shared>>) target(%arg10 : memref<128x128xf32, #tpu.memory_space<vmem>>) target_semaphore(%run_scoped3A : memref<!tpu.dma_semaphore, #tpu.memory_space<semaphore_mem>>)
      %dma_wait3A = arith.constant 0 : i32
      %dma_wait3A_56 = tpu.memref_slice %arg11[%add3A_52, %dma_wait3A] : memref<10240x128xf32, #tpu.memory_space<vmem_shared>> -> memref<128x128xf32, #tpu.memory_space<vmem_shared>>
      %dma_wait3A_57 = arith.constant 0 : i32
      %dma_wait3A_58 = tpu.memref_slice %arg11[%add3A_52, %dma_wait3A_57] : memref<10240x128xf32, #tpu.memory_space<vmem_shared>> -> memref<128x128xf32, #tpu.memory_space<vmem_shared>>
      tpu.wait_dma2 semaphore(%run_scoped3A : memref<!tpu.dma_semaphore, #tpu.memory_space<semaphore_mem>>) src(%dma_wait3A_58 : memref<128x128xf32, #tpu.memory_space<vmem_shared>>) dst(%arg10 : memref<128x128xf32, #tpu.memory_space<vmem>>)
      tpu.yield
    }) : () -> ()
    "tpu.region"() ({
      %run_scoped3A = tpu.sem_alloc : memref<!tpu.dma_semaphore, #tpu.memory_space<semaphore_mem>>
      %dma_start3A = arith.constant 0 : i32
      %dma_start3A_53 = tpu.memref_slice %arg6[%arg0, %add3A_52, %dma_start3A] : memref<2x10240x128xf32, #tpu.memory_space<hbm>> -> memref<1x128x128xf32, #tpu.memory_space<hbm>>
      %dma_start3A_54 = tpu.memref_squeeze %dma_start3A_53 : memref<1x128x128xf32, #tpu.memory_space<hbm>> -> memref<128x128xf32, #tpu.memory_space<hbm>>
      %dma_start3A_55 = arith.constant 0 : i32
      %dma_start3A_56 = tpu.memref_slice %arg6[%arg0, %add3A_52, %dma_start3A_55] : memref<2x10240x128xf32, #tpu.memory_space<hbm>> -> memref<1x128x128xf32, #tpu.memory_space<hbm>>
      %dma_start3A_57 = tpu.memref_squeeze %dma_start3A_56 : memref<1x128x128xf32, #tpu.memory_space<hbm>> -> memref<128x128xf32, #tpu.memory_space<hbm>>
      tpu.enqueue_dma source(%arg10 : memref<128x128xf32, #tpu.memory_space<vmem>>) target(%dma_start3A_57 : memref<128x128xf32, #tpu.memory_space<hbm>>) target_semaphore(%run_scoped3A : memref<!tpu.dma_semaphore, #tpu.memory_space<semaphore_mem>>)
      %dma_wait3A = arith.constant 0 : i32
      %dma_wait3A_58 = tpu.memref_slice %arg6[%arg0, %add3A_52, %dma_wait3A] : memref<2x10240x128xf32, #tpu.memory_space<hbm>> -> memref<1x128x128xf32, #tpu.memory_space<hbm>>
      %dma_wait3A_59 = tpu.memref_squeeze %dma_wait3A_58 : memref<1x128x128xf32, #tpu.memory_space<hbm>> -> memref<128x128xf32, #tpu.memory_space<hbm>>
      %dma_wait3A_60 = arith.constant 0 : i32
      %dma_wait3A_61 = tpu.memref_slice %arg6[%arg0, %add3A_52, %dma_wait3A_60] : memref<2x10240x128xf32, #tpu.memory_space<hbm>> -> memref<1x128x128xf32, #tpu.memory_space<hbm>>
      %dma_wait3A_62 = tpu.memref_squeeze %dma_wait3A_61 : memref<1x128x128xf32, #tpu.memory_space<hbm>> -> memref<128x128xf32, #tpu.memory_space<hbm>>
      tpu.wait_dma2 semaphore(%run_scoped3A : memref<!tpu.dma_semaphore, #tpu.memory_space<semaphore_mem>>) src(%arg10 : memref<128x128xf32, #tpu.memory_space<vmem>>) dst(%dma_wait3A_62 : memref<128x128xf32, #tpu.memory_space<hbm>>)
      tpu.yield
    }) : () -> ()
    return
  }
}

#map = affine_map<(d0, d1) -> (0, 0)>
#map1 = affine_map<(d0, d1) -> (0)>
#map2 = affine_map<(d0, d1) -> (0, 0, 0)>
module attributes {stable_mosaic.version = 14 : i64} {
  func.func @body(%arg0: i32, %arg1: i32, %arg2: memref<10000x128xf32, #tpu.memory_space<hbm>>, %arg3: memref<323584x128xf32, #tpu.memory_space<hbm>>, %arg4: memref<323584xi32, #tpu.memory_space<hbm>>, %arg5: memref<323584xi32, #tpu.memory_space<hbm>>, %arg6: memref<2x10240x128xf32, #tpu.memory_space<hbm>>, %arg7: memref<128xi32, #tpu.memory_space<vmem>>, %arg8: memref<128xi32, #tpu.memory_space<vmem>>, %arg9: memref<128x128xf32, #tpu.memory_space<vmem>>, %arg10: memref<128x128xf32, #tpu.memory_space<vmem>>, %arg11: memref<10240x128xf32, #tpu.memory_space<vmem_shared>>, %arg12: memref<!tpu.dma_semaphore, #tpu.memory_space<semaphore_mem>>) attributes {dimension_semantics = [#tpu.dimension_semantics<core_parallel>, #tpu.dimension_semantics<subcore_parallel>], iteration_bounds = array<i64: 2, 16>, scalar_prefetch = 0 : i64, scratch_operands = 6 : i64, tpu.core_type = #tpu.core_type<sc_vector_subcore>, window_params = [{transform_indices = #map}, {transform_indices = #map}, {transform_indices = #map1}, {transform_indices = #map1}, {transform_indices = #map2}]} {
    %mul3A = arith.constant 16 : i32
    %mul3A_0 = arith.muli %arg0, %mul3A : i32
    %add3A = arith.addi %mul3A_0, %arg1 : i32
    %scan3A = arith.constant 0 : i32
    %scan3A_1 = arith.constant 0 : i32
    %scan3A_2 = arith.constant 128 : i32
    %scan3A_3 = arith.addi %scan3A_1, %scan3A_2 : i32
    %scan3A_4 = arith.constant 1 : i32
    scf.for %scan3A_53 = %scan3A_1 to %scan3A_3 step %scan3A_4  : i32 {
      %broadcast_in_dim3A = arith.constant 0.000000e+00 : f32
      %broadcast_in_dim3A_54 = vector.broadcast %broadcast_in_dim3A : f32 to vector<16xf32>
      %swap3A = arith.index_cast %scan3A_53 : i32 to index
      %swap3A_55 = arith.constant 0 : index
      %swap3A_56 = tpu.vector_load %arg10[%swap3A, %swap3A_55] {strides = array<i32>} : memref<128x128xf32, #tpu.memory_space<vmem>>, vector<1x16xf32>,
      %swap3A_57 = vector.shape_cast %swap3A_56 : vector<1x16xf32> to vector<16xf32>
      %swap3A_58 = vector.shape_cast %broadcast_in_dim3A_54 : vector<16xf32> to vector<1x16xf32>
      tpu.vector_store %arg10[%swap3A, %swap3A_55], %swap3A_58 {strides = array<i32>} : memref<128x128xf32, #tpu.memory_space<vmem>>, vector<1x16xf32>,
      %broadcast_in_dim3A_59 = arith.constant 0.000000e+00 : f32
      %broadcast_in_dim3A_60 = vector.broadcast %broadcast_in_dim3A_59 : f32 to vector<16xf32>
      %swap3A_61 = arith.index_cast %scan3A_53 : i32 to index
      %swap3A_62 = arith.constant 16 : index
      %swap3A_63 = tpu.vector_load %arg10[%swap3A_61, %swap3A_62] {strides = array<i32>} : memref<128x128xf32, #tpu.memory_space<vmem>>, vector<1x16xf32>,
      %swap3A_64 = vector.shape_cast %swap3A_63 : vector<1x16xf32> to vector<16xf32>
      %swap3A_65 = vector.shape_cast %broadcast_in_dim3A_60 : vector<16xf32> to vector<1x16xf32>
      tpu.vector_store %arg10[%swap3A_61, %swap3A_62], %swap3A_65 {strides = array<i32>} : memref<128x128xf32, #tpu.memory_space<vmem>>, vector<1x16xf32>,
      %broadcast_in_dim3A_66 = arith.constant 0.000000e+00 : f32
      %broadcast_in_dim3A_67 = vector.broadcast %broadcast_in_dim3A_66 : f32 to vector<16xf32>
      %swap3A_68 = arith.index_cast %scan3A_53 : i32 to index
      %swap3A_69 = arith.constant 32 : index
      %swap3A_70 = tpu.vector_load %arg10[%swap3A_68, %swap3A_69] {strides = array<i32>} : memref<128x128xf32, #tpu.memory_space<vmem>>, vector<1x16xf32>,
      %swap3A_71 = vector.shape_cast %swap3A_70 : vector<1x16xf32> to vector<16xf32>
      %swap3A_72 = vector.shape_cast %broadcast_in_dim3A_67 : vector<16xf32> to vector<1x16xf32>
      tpu.vector_store %arg10[%swap3A_68, %swap3A_69], %swap3A_72 {strides = array<i32>} : memref<128x128xf32, #tpu.memory_space<vmem>>, vector<1x16xf32>,
      %broadcast_in_dim3A_73 = arith.constant 0.000000e+00 : f32
      %broadcast_in_dim3A_74 = vector.broadcast %broadcast_in_dim3A_73 : f32 to vector<16xf32>
      %swap3A_75 = arith.index_cast %scan3A_53 : i32 to index
      %swap3A_76 = arith.constant 48 : index
      %swap3A_77 = tpu.vector_load %arg10[%swap3A_75, %swap3A_76] {strides = array<i32>} : memref<128x128xf32, #tpu.memory_space<vmem>>, vector<1x16xf32>,
      %swap3A_78 = vector.shape_cast %swap3A_77 : vector<1x16xf32> to vector<16xf32>
      %swap3A_79 = vector.shape_cast %broadcast_in_dim3A_74 : vector<16xf32> to vector<1x16xf32>
      tpu.vector_store %arg10[%swap3A_75, %swap3A_76], %swap3A_79 {strides = array<i32>} : memref<128x128xf32, #tpu.memory_space<vmem>>, vector<1x16xf32>,
      %broadcast_in_dim3A_80 = arith.constant 0.000000e+00 : f32
      %broadcast_in_dim3A_81 = vector.broadcast %broadcast_in_dim3A_80 : f32 to vector<16xf32>
      %swap3A_82 = arith.index_cast %scan3A_53 : i32 to index
      %swap3A_83 = arith.constant 64 : index
      %swap3A_84 = tpu.vector_load %arg10[%swap3A_82, %swap3A_83] {strides = array<i32>} : memref<128x128xf32, #tpu.memory_space<vmem>>, vector<1x16xf32>,
      %swap3A_85 = vector.shape_cast %swap3A_84 : vector<1x16xf32> to vector<16xf32>
      %swap3A_86 = vector.shape_cast %broadcast_in_dim3A_81 : vector<16xf32> to vector<1x16xf32>
      tpu.vector_store %arg10[%swap3A_82, %swap3A_83], %swap3A_86 {strides = array<i32>} : memref<128x128xf32, #tpu.memory_space<vmem>>, vector<1x16xf32>,
      %broadcast_in_dim3A_87 = arith.constant 0.000000e+00 : f32
      %broadcast_in_dim3A_88 = vector.broadcast %broadcast_in_dim3A_87 : f32 to vector<16xf32>
      %swap3A_89 = arith.index_cast %scan3A_53 : i32 to index
      %swap3A_90 = arith.constant 80 : index
      %swap3A_91 = tpu.vector_load %arg10[%swap3A_89, %swap3A_90] {strides = array<i32>} : memref<128x128xf32, #tpu.memory_space<vmem>>, vector<1x16xf32>,
      %swap3A_92 = vector.shape_cast %swap3A_91 : vector<1x16xf32> to vector<16xf32>
      %swap3A_93 = vector.shape_cast %broadcast_in_dim3A_88 : vector<16xf32> to vector<1x16xf32>
      tpu.vector_store %arg10[%swap3A_89, %swap3A_90], %swap3A_93 {strides = array<i32>} : memref<128x128xf32, #tpu.memory_space<vmem>>, vector<1x16xf32>,
      %broadcast_in_dim3A_94 = arith.constant 0.000000e+00 : f32
      %broadcast_in_dim3A_95 = vector.broadcast %broadcast_in_dim3A_94 : f32 to vector<16xf32>
      %swap3A_96 = arith.index_cast %scan3A_53 : i32 to index
      %swap3A_97 = arith.constant 96 : index
      %swap3A_98 = tpu.vector_load %arg10[%swap3A_96, %swap3A_97] {strides = array<i32>} : memref<128x128xf32, #tpu.memory_space<vmem>>, vector<1x16xf32>,
      %swap3A_99 = vector.shape_cast %swap3A_98 : vector<1x16xf32> to vector<16xf32>
      %swap3A_100 = vector.shape_cast %broadcast_in_dim3A_95 : vector<16xf32> to vector<1x16xf32>
      tpu.vector_store %arg10[%swap3A_96, %swap3A_97], %swap3A_100 {strides = array<i32>} : memref<128x128xf32, #tpu.memory_space<vmem>>, vector<1x16xf32>,
      %broadcast_in_dim3A_101 = arith.constant 0.000000e+00 : f32
      %broadcast_in_dim3A_102 = vector.broadcast %broadcast_in_dim3A_101 : f32 to vector<16xf32>
      %swap3A_103 = arith.index_cast %scan3A_53 : i32 to index
      %swap3A_104 = arith.constant 112 : index
      %swap3A_105 = tpu.vector_load %arg10[%swap3A_103, %swap3A_104] {strides = array<i32>} : memref<128x128xf32, #tpu.memory_space<vmem>>, vector<1x16xf32>,
      %swap3A_106 = vector.shape_cast %swap3A_105 : vector<1x16xf32> to vector<16xf32>
      %swap3A_107 = vector.shape_cast %broadcast_in_dim3A_102 : vector<16xf32> to vector<1x16xf32>
      tpu.vector_store %arg10[%swap3A_103, %swap3A_104], %swap3A_107 {strides = array<i32>} : memref<128x128xf32, #tpu.memory_space<vmem>>, vector<1x16xf32>,
    }
    %scan3A_5 = arith.constant 128 : i32
    %mul3A_6 = arith.constant 640 : i32
    %mul3A_7 = arith.muli %arg1, %mul3A_6 : i32
    %add3A_8 = arith.constant 0 : i32
    %add3A_9 = arith.addi %mul3A_7, %add3A_8 : i32
    "tpu.region"() ({
      %run_scoped3A = tpu.sem_alloc : memref<!tpu.dma_semaphore, #tpu.memory_space<semaphore_mem>>
      %dma_start3A = arith.constant 0 : i32
      %dma_start3A_53 = tpu.memref_slice %arg11[%add3A_9, %dma_start3A] : memref<10240x128xf32, #tpu.memory_space<vmem_shared>> -> memref<128x128xf32, #tpu.memory_space<vmem_shared>>
      %dma_start3A_54 = arith.constant 0 : i32
      %dma_start3A_55 = tpu.memref_slice %arg11[%add3A_9, %dma_start3A_54] : memref<10240x128xf32, #tpu.memory_space<vmem_shared>> -> memref<128x128xf32, #tpu.memory_space<vmem_shared>>
      tpu.enqueue_dma source(%arg10 : memref<128x128xf32, #tpu.memory_space<vmem>>) target(%dma_start3A_55 : memref<128x128xf32, #tpu.memory_space<vmem_shared>>) target_semaphore(%run_scoped3A : memref<!tpu.dma_semaphore, #tpu.memory_space<semaphore_mem>>)
      %dma_wait3A = arith.constant 0 : i32
      %dma_wait3A_56 = tpu.memref_slice %arg11[%add3A_9, %dma_wait3A] : memref<10240x128xf32, #tpu.memory_space<vmem_shared>> -> memref<128x128xf32, #tpu.memory_space<vmem_shared>>
      %dma_wait3A_57 = arith.constant 0 : i32
      %dma_wait3A_58 = tpu.memref_slice %arg11[%add3A_9, %dma_wait3A_57] : memref<10240x128xf32, #tpu.memory_space<vmem_shared>> -> memref<128x128xf32, #tpu.memory_space<vmem_shared>>
      tpu.wait_dma2 semaphore(%run_scoped3A : memref<!tpu.dma_semaphore, #tpu.memory_space<semaphore_mem>>) src(%arg10 : memref<128x128xf32, #tpu.memory_space<vmem>>) dst(%dma_wait3A_58 : memref<128x128xf32, #tpu.memory_space<vmem_shared>>)
      tpu.yield
    }) : () -> ()
    %mul3A_10 = arith.constant 640 : i32
    %mul3A_11 = arith.muli %arg1, %mul3A_10 : i32
    %add3A_12 = arith.constant 128 : i32
    %add3A_13 = arith.addi %mul3A_11, %add3A_12 : i32
    "tpu.region"() ({
      %run_scoped3A = tpu.sem_alloc : memref<!tpu.dma_semaphore, #tpu.memory_space<semaphore_mem>>
      %dma_start3A = arith.constant 0 : i32
      %dma_start3A_53 = tpu.memref_slice %arg11[%add3A_13, %dma_start3A] : memref<10240x128xf32, #tpu.memory_space<vmem_shared>> -> memref<128x128xf32, #tpu.memory_space<vmem_shared>>
      %dma_start3A_54 = arith.constant 0 : i32
      %dma_start3A_55 = tpu.memref_slice %arg11[%add3A_13, %dma_start3A_54] : memref<10240x128xf32, #tpu.memory_space<vmem_shared>> -> memref<128x128xf32, #tpu.memory_space<vmem_shared>>
      tpu.enqueue_dma source(%arg10 : memref<128x128xf32, #tpu.memory_space<vmem>>) target(%dma_start3A_55 : memref<128x128xf32, #tpu.memory_space<vmem_shared>>) target_semaphore(%run_scoped3A : memref<!tpu.dma_semaphore, #tpu.memory_space<semaphore_mem>>)
      %dma_wait3A = arith.constant 0 : i32
      %dma_wait3A_56 = tpu.memref_slice %arg11[%add3A_13, %dma_wait3A] : memref<10240x128xf32, #tpu.memory_space<vmem_shared>> -> memref<128x128xf32, #tpu.memory_space<vmem_shared>>
      %dma_wait3A_57 = arith.constant 0 : i32
      %dma_wait3A_58 = tpu.memref_slice %arg11[%add3A_13, %dma_wait3A_57] : memref<10240x128xf32, #tpu.memory_space<vmem_shared>> -> memref<128x128xf32, #tpu.memory_space<vmem_shared>>
      tpu.wait_dma2 semaphore(%run_scoped3A : memref<!tpu.dma_semaphore, #tpu.memory_space<semaphore_mem>>) src(%arg10 : memref<128x128xf32, #tpu.memory_space<vmem>>) dst(%dma_wait3A_58 : memref<128x128xf32, #tpu.memory_space<vmem_shared>>)
      tpu.yield
    }) : () -> ()
    %mul3A_14 = arith.constant 640 : i32
    %mul3A_15 = arith.muli %arg1, %mul3A_14 : i32
    %add3A_16 = arith.constant 256 : i32
    %add3A_17 = arith.addi %mul3A_15, %add3A_16 : i32
    "tpu.region"() ({
      %run_scoped3A = tpu.sem_alloc : memref<!tpu.dma_semaphore, #tpu.memory_space<semaphore_mem>>
      %dma_start3A = arith.constant 0 : i32
      %dma_start3A_53 = tpu.memref_slice %arg11[%add3A_17, %dma_start3A] : memref<10240x128xf32, #tpu.memory_space<vmem_shared>> -> memref<128x128xf32, #tpu.memory_space<vmem_shared>>
      %dma_start3A_54 = arith.constant 0 : i32
      %dma_start3A_55 = tpu.memref_slice %arg11[%add3A_17, %dma_start3A_54] : memref<10240x128xf32, #tpu.memory_space<vmem_shared>> -> memref<128x128xf32, #tpu.memory_space<vmem_shared>>
      tpu.enqueue_dma source(%arg10 : memref<128x128xf32, #tpu.memory_space<vmem>>) target(%dma_start3A_55 : memref<128x128xf32, #tpu.memory_space<vmem_shared>>) target_semaphore(%run_scoped3A : memref<!tpu.dma_semaphore, #tpu.memory_space<semaphore_mem>>)
      %dma_wait3A = arith.constant 0 : i32
      %dma_wait3A_56 = tpu.memref_slice %arg11[%add3A_17, %dma_wait3A] : memref<10240x128xf32, #tpu.memory_space<vmem_shared>> -> memref<128x128xf32, #tpu.memory_space<vmem_shared>>
      %dma_wait3A_57 = arith.constant 0 : i32
      %dma_wait3A_58 = tpu.memref_slice %arg11[%add3A_17, %dma_wait3A_57] : memref<10240x128xf32, #tpu.memory_space<vmem_shared>> -> memref<128x128xf32, #tpu.memory_space<vmem_shared>>
      tpu.wait_dma2 semaphore(%run_scoped3A : memref<!tpu.dma_semaphore, #tpu.memory_space<semaphore_mem>>) src(%arg10 : memref<128x128xf32, #tpu.memory_space<vmem>>) dst(%dma_wait3A_58 : memref<128x128xf32, #tpu.memory_space<vmem_shared>>)
      tpu.yield
    }) : () -> ()
    %mul3A_18 = arith.constant 640 : i32
    %mul3A_19 = arith.muli %arg1, %mul3A_18 : i32
    %add3A_20 = arith.constant 384 : i32
    %add3A_21 = arith.addi %mul3A_19, %add3A_20 : i32
    "tpu.region"() ({
      %run_scoped3A = tpu.sem_alloc : memref<!tpu.dma_semaphore, #tpu.memory_space<semaphore_mem>>
      %dma_start3A = arith.constant 0 : i32
      %dma_start3A_53 = tpu.memref_slice %arg11[%add3A_21, %dma_start3A] : memref<10240x128xf32, #tpu.memory_space<vmem_shared>> -> memref<128x128xf32, #tpu.memory_space<vmem_shared>>
      %dma_start3A_54 = arith.constant 0 : i32
      %dma_start3A_55 = tpu.memref_slice %arg11[%add3A_21, %dma_start3A_54] : memref<10240x128xf32, #tpu.memory_space<vmem_shared>> -> memref<128x128xf32, #tpu.memory_space<vmem_shared>>
      tpu.enqueue_dma source(%arg10 : memref<128x128xf32, #tpu.memory_space<vmem>>) target(%dma_start3A_55 : memref<128x128xf32, #tpu.memory_space<vmem_shared>>) target_semaphore(%run_scoped3A : memref<!tpu.dma_semaphore, #tpu.memory_space<semaphore_mem>>)
      %dma_wait3A = arith.constant 0 : i32
      %dma_wait3A_56 = tpu.memref_slice %arg11[%add3A_21, %dma_wait3A] : memref<10240x128xf32, #tpu.memory_space<vmem_shared>> -> memref<128x128xf32, #tpu.memory_space<vmem_shared>>
      %dma_wait3A_57 = arith.constant 0 : i32
      %dma_wait3A_58 = tpu.memref_slice %arg11[%add3A_21, %dma_wait3A_57] : memref<10240x128xf32, #tpu.memory_space<vmem_shared>> -> memref<128x128xf32, #tpu.memory_space<vmem_shared>>
      tpu.wait_dma2 semaphore(%run_scoped3A : memref<!tpu.dma_semaphore, #tpu.memory_space<semaphore_mem>>) src(%arg10 : memref<128x128xf32, #tpu.memory_space<vmem>>) dst(%dma_wait3A_58 : memref<128x128xf32, #tpu.memory_space<vmem_shared>>)
      tpu.yield
    }) : () -> ()
    %mul3A_22 = arith.constant 640 : i32
    %mul3A_23 = arith.muli %arg1, %mul3A_22 : i32
    %add3A_24 = arith.constant 512 : i32
    %add3A_25 = arith.addi %mul3A_23, %add3A_24 : i32
    "tpu.region"() ({
      %run_scoped3A = tpu.sem_alloc : memref<!tpu.dma_semaphore, #tpu.memory_space<semaphore_mem>>
      %dma_start3A = arith.constant 0 : i32
      %dma_start3A_53 = tpu.memref_slice %arg11[%add3A_25, %dma_start3A] : memref<10240x128xf32, #tpu.memory_space<vmem_shared>> -> memref<128x128xf32, #tpu.memory_space<vmem_shared>>
      %dma_start3A_54 = arith.constant 0 : i32
      %dma_start3A_55 = tpu.memref_slice %arg11[%add3A_25, %dma_start3A_54] : memref<10240x128xf32, #tpu.memory_space<vmem_shared>> -> memref<128x128xf32, #tpu.memory_space<vmem_shared>>
      tpu.enqueue_dma source(%arg10 : memref<128x128xf32, #tpu.memory_space<vmem>>) target(%dma_start3A_55 : memref<128x128xf32, #tpu.memory_space<vmem_shared>>) target_semaphore(%run_scoped3A : memref<!tpu.dma_semaphore, #tpu.memory_space<semaphore_mem>>)
      %dma_wait3A = arith.constant 0 : i32
      %dma_wait3A_56 = tpu.memref_slice %arg11[%add3A_25, %dma_wait3A] : memref<10240x128xf32, #tpu.memory_space<vmem_shared>> -> memref<128x128xf32, #tpu.memory_space<vmem_shared>>
      %dma_wait3A_57 = arith.constant 0 : i32
      %dma_wait3A_58 = tpu.memref_slice %arg11[%add3A_25, %dma_wait3A_57] : memref<10240x128xf32, #tpu.memory_space<vmem_shared>> -> memref<128x128xf32, #tpu.memory_space<vmem_shared>>
      tpu.wait_dma2 semaphore(%run_scoped3A : memref<!tpu.dma_semaphore, #tpu.memory_space<semaphore_mem>>) src(%arg10 : memref<128x128xf32, #tpu.memory_space<vmem>>) dst(%dma_wait3A_58 : memref<128x128xf32, #tpu.memory_space<vmem_shared>>)
      tpu.yield
    }) : () -> ()
    %barrier3A = arith.constant 0 : index
    tpu.barrier barrier_id(%barrier3A)
    %scan3A_26 = arith.constant 0 : i32
    %scan3A_27 = arith.constant 0 : i32
    %scan3A_28 = arith.constant 79 : i32
    %scan3A_29 = arith.addi %scan3A_27, %scan3A_28 : i32
    %scan3A_30 = arith.constant 1 : i32
    scf.for %scan3A_53 = %scan3A_27 to %scan3A_29 step %scan3A_30  : i32 {
      %mul3A_54 = arith.constant 10112 : i32
      %mul3A_55 = arith.muli %add3A, %mul3A_54 : i32
      %mul3A_56 = arith.constant 128 : i32
      %mul3A_57 = arith.muli %scan3A_53, %mul3A_56 : i32
      %add3A_58 = arith.addi %mul3A_55, %mul3A_57 : i32
      "tpu.region"() ({
        %run_scoped3A = tpu.sem_alloc : memref<!tpu.dma_semaphore, #tpu.memory_space<semaphore_mem>>
        %dma_start3A_69 = tpu.memref_slice %arg4[%add3A_58] : memref<323584xi32, #tpu.memory_space<hbm>> -> memref<128xi32, #tpu.memory_space<hbm>>
        %dma_start3A_70 = tpu.memref_slice %arg4[%add3A_58] : memref<323584xi32, #tpu.memory_space<hbm>> -> memref<128xi32, #tpu.memory_space<hbm>>
        tpu.enqueue_dma source(%dma_start3A_70 : memref<128xi32, #tpu.memory_space<hbm>>) target(%arg7 : memref<128xi32, #tpu.memory_space<vmem>>) target_semaphore(%run_scoped3A : memref<!tpu.dma_semaphore, #tpu.memory_space<semaphore_mem>>)
        %dma_wait3A_71 = tpu.memref_slice %arg4[%add3A_58] : memref<323584xi32, #tpu.memory_space<hbm>> -> memref<128xi32, #tpu.memory_space<hbm>>
        %dma_wait3A_72 = tpu.memref_slice %arg4[%add3A_58] : memref<323584xi32, #tpu.memory_space<hbm>> -> memref<128xi32, #tpu.memory_space<hbm>>
        tpu.wait_dma2 semaphore(%run_scoped3A : memref<!tpu.dma_semaphore, #tpu.memory_space<semaphore_mem>>) src(%dma_wait3A_72 : memref<128xi32, #tpu.memory_space<hbm>>) dst(%arg7 : memref<128xi32, #tpu.memory_space<vmem>>)
        tpu.yield
      }) : () -> ()
      "tpu.region"() ({
        %run_scoped3A = tpu.sem_alloc : memref<!tpu.dma_semaphore, #tpu.memory_space<semaphore_mem>>
        %dma_start3A_69 = tpu.memref_slice %arg5[%add3A_58] : memref<323584xi32, #tpu.memory_space<hbm>> -> memref<128xi32, #tpu.memory_space<hbm>>
        %dma_start3A_70 = tpu.memref_slice %arg5[%add3A_58] : memref<323584xi32, #tpu.memory_space<hbm>> -> memref<128xi32, #tpu.memory_space<hbm>>
        tpu.enqueue_dma source(%dma_start3A_70 : memref<128xi32, #tpu.memory_space<hbm>>) target(%arg8 : memref<128xi32, #tpu.memory_space<vmem>>) target_semaphore(%run_scoped3A : memref<!tpu.dma_semaphore, #tpu.memory_space<semaphore_mem>>)
        %dma_wait3A_71 = tpu.memref_slice %arg5[%add3A_58] : memref<323584xi32, #tpu.memory_space<hbm>> -> memref<128xi32, #tpu.memory_space<hbm>>
        %dma_wait3A_72 = tpu.memref_slice %arg5[%add3A_58] : memref<323584xi32, #tpu.memory_space<hbm>> -> memref<128xi32, #tpu.memory_space<hbm>>
        tpu.wait_dma2 semaphore(%run_scoped3A : memref<!tpu.dma_semaphore, #tpu.memory_space<semaphore_mem>>) src(%dma_wait3A_72 : memref<128xi32, #tpu.memory_space<hbm>>) dst(%arg8 : memref<128xi32, #tpu.memory_space<vmem>>)
        tpu.yield
      }) : () -> ()
      %dma_start3A = arith.constant 0 : i32
      %dma_start3A_59 = arith.constant 0 : i32
      %dma_start3A_60 = tpu.memref_slice %arg2[%dma_start3A, %dma_start3A_59] : memref<10000x128xf32, #tpu.memory_space<hbm>> -> memref<10000x128xf32, #tpu.memory_space<hbm>>
      tpu.enqueue_indirect_dma source(%dma_start3A_60 : memref<10000x128xf32, #tpu.memory_space<hbm>>) target(%arg9 : memref<128x128xf32, #tpu.memory_space<vmem>>) offsets(%arg7 : memref<128xi32, #tpu.memory_space<vmem>>) semaphore(%arg12 : memref<!tpu.dma_semaphore, #tpu.memory_space<semaphore_mem>>)
      "tpu.region"() ({
        %run_scoped3A = tpu.sem_alloc : memref<!tpu.dma_semaphore, #tpu.memory_space<semaphore_mem>>
        %dma_start3A_69 = arith.constant 0 : i32
        %dma_start3A_70 = tpu.memref_slice %arg3[%add3A_58, %dma_start3A_69] : memref<323584x128xf32, #tpu.memory_space<hbm>> -> memref<128x128xf32, #tpu.memory_space<hbm>>
        %dma_start3A_71 = arith.constant 0 : i32
        %dma_start3A_72 = tpu.memref_slice %arg3[%add3A_58, %dma_start3A_71] : memref<323584x128xf32, #tpu.memory_space<hbm>> -> memref<128x128xf32, #tpu.memory_space<hbm>>
        tpu.enqueue_dma source(%dma_start3A_72 : memref<128x128xf32, #tpu.memory_space<hbm>>) target(%arg10 : memref<128x128xf32, #tpu.memory_space<vmem>>) target_semaphore(%run_scoped3A : memref<!tpu.dma_semaphore, #tpu.memory_space<semaphore_mem>>)
        %dma_wait3A_73 = arith.constant 0 : i32
        %dma_wait3A_74 = tpu.memref_slice %arg3[%add3A_58, %dma_wait3A_73] : memref<323584x128xf32, #tpu.memory_space<hbm>> -> memref<128x128xf32, #tpu.memory_space<hbm>>
        %dma_wait3A_75 = arith.constant 0 : i32
        %dma_wait3A_76 = tpu.memref_slice %arg3[%add3A_58, %dma_wait3A_75] : memref<323584x128xf32, #tpu.memory_space<hbm>> -> memref<128x128xf32, #tpu.memory_space<hbm>>
        tpu.wait_dma2 semaphore(%run_scoped3A : memref<!tpu.dma_semaphore, #tpu.memory_space<semaphore_mem>>) src(%dma_wait3A_76 : memref<128x128xf32, #tpu.memory_space<hbm>>) dst(%arg10 : memref<128x128xf32, #tpu.memory_space<vmem>>)
        tpu.yield
      }) : () -> ()
      %dma_wait3A = arith.constant 0 : i32
      %dma_wait3A_61 = arith.constant 0 : i32
      %dma_wait3A_62 = tpu.memref_slice %arg2[%dma_wait3A, %dma_wait3A_61] : memref<10000x128xf32, #tpu.memory_space<hbm>> -> memref<10000x128xf32, #tpu.memory_space<hbm>>
      tpu.wait_indirect_dma semaphore(%arg12 : memref<!tpu.dma_semaphore, #tpu.memory_space<semaphore_mem>>) src(%dma_wait3A_62 : memref<10000x128xf32, #tpu.memory_space<hbm>>) dst(%arg9 : memref<128x128xf32, #tpu.memory_space<vmem>>)
      %scan3A_63 = arith.constant 0 : i32
      %scan3A_64 = arith.constant 0 : i32
      %scan3A_65 = arith.constant 128 : i32
      %scan3A_66 = arith.addi %scan3A_64, %scan3A_65 : i32
      %scan3A_67 = arith.constant 1 : i32
      scf.for %scan3A_69 = %scan3A_64 to %scan3A_66 step %scan3A_67  : i32 {
        %get3A = arith.index_cast %scan3A_69 : i32 to index
        %get3A_70 = arith.constant 0 : index
        %get3A_71 = tpu.vector_load %arg9[%get3A, %get3A_70] {strides = array<i32>} : memref<128x128xf32, #tpu.memory_space<vmem>>, vector<1x16xf32>,
        %get3A_72 = vector.shape_cast %get3A_71 : vector<1x16xf32> to vector<16xf32>
        %get3A_73 = arith.index_cast %scan3A_69 : i32 to index
        %get3A_74 = arith.constant 0 : index
        %get3A_75 = tpu.vector_load %arg10[%get3A_73, %get3A_74] {strides = array<i32>} : memref<128x128xf32, #tpu.memory_space<vmem>>, vector<1x16xf32>,
        %get3A_76 = vector.shape_cast %get3A_75 : vector<1x16xf32> to vector<16xf32>
        %add3A_77 = arith.addf %get3A_72, %get3A_76 : vector<16xf32>
        %max3A = arith.constant 0.000000e+00 : f32
        %max3A_78 = vector.broadcast %max3A : f32 to vector<16xf32>
        %max3A_79 = arith.maximumf %add3A_77, %max3A_78 : vector<16xf32>
        %swap3A = arith.index_cast %scan3A_69 : i32 to index
        %swap3A_80 = arith.constant 0 : index
        %swap3A_81 = tpu.vector_load %arg9[%swap3A, %swap3A_80] {strides = array<i32>} : memref<128x128xf32, #tpu.memory_space<vmem>>, vector<1x16xf32>,
        %swap3A_82 = vector.shape_cast %swap3A_81 : vector<1x16xf32> to vector<16xf32>
        %swap3A_83 = vector.shape_cast %max3A_79 : vector<16xf32> to vector<1x16xf32>
        tpu.vector_store %arg9[%swap3A, %swap3A_80], %swap3A_83 {strides = array<i32>} : memref<128x128xf32, #tpu.memory_space<vmem>>, vector<1x16xf32>,
        %get3A_84 = arith.index_cast %scan3A_69 : i32 to index
        %get3A_85 = arith.constant 16 : index
        %get3A_86 = tpu.vector_load %arg9[%get3A_84, %get3A_85] {strides = array<i32>} : memref<128x128xf32, #tpu.memory_space<vmem>>, vector<1x16xf32>,
        %get3A_87 = vector.shape_cast %get3A_86 : vector<1x16xf32> to vector<16xf32>
        %get3A_88 = arith.index_cast %scan3A_69 : i32 to index
        %get3A_89 = arith.constant 16 : index
        %get3A_90 = tpu.vector_load %arg10[%get3A_88, %get3A_89] {strides = array<i32>} : memref<128x128xf32, #tpu.memory_space<vmem>>, vector<1x16xf32>,
        %get3A_91 = vector.shape_cast %get3A_90 : vector<1x16xf32> to vector<16xf32>
        %add3A_92 = arith.addf %get3A_87, %get3A_91 : vector<16xf32>
        %max3A_93 = arith.constant 0.000000e+00 : f32
        %max3A_94 = vector.broadcast %max3A_93 : f32 to vector<16xf32>
        %max3A_95 = arith.maximumf %add3A_92, %max3A_94 : vector<16xf32>
        %swap3A_96 = arith.index_cast %scan3A_69 : i32 to index
        %swap3A_97 = arith.constant 16 : index
        %swap3A_98 = tpu.vector_load %arg9[%swap3A_96, %swap3A_97] {strides = array<i32>} : memref<128x128xf32, #tpu.memory_space<vmem>>, vector<1x16xf32>,
        %swap3A_99 = vector.shape_cast %swap3A_98 : vector<1x16xf32> to vector<16xf32>
        %swap3A_100 = vector.shape_cast %max3A_95 : vector<16xf32> to vector<1x16xf32>
        tpu.vector_store %arg9[%swap3A_96, %swap3A_97], %swap3A_100 {strides = array<i32>} : memref<128x128xf32, #tpu.memory_space<vmem>>, vector<1x16xf32>,
        %get3A_101 = arith.index_cast %scan3A_69 : i32 to index
        %get3A_102 = arith.constant 32 : index
        %get3A_103 = tpu.vector_load %arg9[%get3A_101, %get3A_102] {strides = array<i32>} : memref<128x128xf32, #tpu.memory_space<vmem>>, vector<1x16xf32>,
        %get3A_104 = vector.shape_cast %get3A_103 : vector<1x16xf32> to vector<16xf32>
        %get3A_105 = arith.index_cast %scan3A_69 : i32 to index
        %get3A_106 = arith.constant 32 : index
        %get3A_107 = tpu.vector_load %arg10[%get3A_105, %get3A_106] {strides = array<i32>} : memref<128x128xf32, #tpu.memory_space<vmem>>, vector<1x16xf32>,
        %get3A_108 = vector.shape_cast %get3A_107 : vector<1x16xf32> to vector<16xf32>
        %add3A_109 = arith.addf %get3A_104, %get3A_108 : vector<16xf32>
        %max3A_110 = arith.constant 0.000000e+00 : f32
        %max3A_111 = vector.broadcast %max3A_110 : f32 to vector<16xf32>
        %max3A_112 = arith.maximumf %add3A_109, %max3A_111 : vector<16xf32>
        %swap3A_113 = arith.index_cast %scan3A_69 : i32 to index
        %swap3A_114 = arith.constant 32 : index
        %swap3A_115 = tpu.vector_load %arg9[%swap3A_113, %swap3A_114] {strides = array<i32>} : memref<128x128xf32, #tpu.memory_space<vmem>>, vector<1x16xf32>,
        %swap3A_116 = vector.shape_cast %swap3A_115 : vector<1x16xf32> to vector<16xf32>
        %swap3A_117 = vector.shape_cast %max3A_112 : vector<16xf32> to vector<1x16xf32>
        tpu.vector_store %arg9[%swap3A_113, %swap3A_114], %swap3A_117 {strides = array<i32>} : memref<128x128xf32, #tpu.memory_space<vmem>>, vector<1x16xf32>,
        %get3A_118 = arith.index_cast %scan3A_69 : i32 to index
        %get3A_119 = arith.constant 48 : index
        %get3A_120 = tpu.vector_load %arg9[%get3A_118, %get3A_119] {strides = array<i32>} : memref<128x128xf32, #tpu.memory_space<vmem>>, vector<1x16xf32>,
        %get3A_121 = vector.shape_cast %get3A_120 : vector<1x16xf32> to vector<16xf32>
        %get3A_122 = arith.index_cast %scan3A_69 : i32 to index
        %get3A_123 = arith.constant 48 : index
        %get3A_124 = tpu.vector_load %arg10[%get3A_122, %get3A_123] {strides = array<i32>} : memref<128x128xf32, #tpu.memory_space<vmem>>, vector<1x16xf32>,
        %get3A_125 = vector.shape_cast %get3A_124 : vector<1x16xf32> to vector<16xf32>
        %add3A_126 = arith.addf %get3A_121, %get3A_125 : vector<16xf32>
        %max3A_127 = arith.constant 0.000000e+00 : f32
        %max3A_128 = vector.broadcast %max3A_127 : f32 to vector<16xf32>
        %max3A_129 = arith.maximumf %add3A_126, %max3A_128 : vector<16xf32>
        %swap3A_130 = arith.index_cast %scan3A_69 : i32 to index
        %swap3A_131 = arith.constant 48 : index
        %swap3A_132 = tpu.vector_load %arg9[%swap3A_130, %swap3A_131] {strides = array<i32>} : memref<128x128xf32, #tpu.memory_space<vmem>>, vector<1x16xf32>,
        %swap3A_133 = vector.shape_cast %swap3A_132 : vector<1x16xf32> to vector<16xf32>
        %swap3A_134 = vector.shape_cast %max3A_129 : vector<16xf32> to vector<1x16xf32>
        tpu.vector_store %arg9[%swap3A_130, %swap3A_131], %swap3A_134 {strides = array<i32>} : memref<128x128xf32, #tpu.memory_space<vmem>>, vector<1x16xf32>,
        %get3A_135 = arith.index_cast %scan3A_69 : i32 to index
        %get3A_136 = arith.constant 64 : index
        %get3A_137 = tpu.vector_load %arg9[%get3A_135, %get3A_136] {strides = array<i32>} : memref<128x128xf32, #tpu.memory_space<vmem>>, vector<1x16xf32>,
        %get3A_138 = vector.shape_cast %get3A_137 : vector<1x16xf32> to vector<16xf32>
        %get3A_139 = arith.index_cast %scan3A_69 : i32 to index
        %get3A_140 = arith.constant 64 : index
        %get3A_141 = tpu.vector_load %arg10[%get3A_139, %get3A_140] {strides = array<i32>} : memref<128x128xf32, #tpu.memory_space<vmem>>, vector<1x16xf32>,
        %get3A_142 = vector.shape_cast %get3A_141 : vector<1x16xf32> to vector<16xf32>
        %add3A_143 = arith.addf %get3A_138, %get3A_142 : vector<16xf32>
        %max3A_144 = arith.constant 0.000000e+00 : f32
        %max3A_145 = vector.broadcast %max3A_144 : f32 to vector<16xf32>
        %max3A_146 = arith.maximumf %add3A_143, %max3A_145 : vector<16xf32>
        %swap3A_147 = arith.index_cast %scan3A_69 : i32 to index
        %swap3A_148 = arith.constant 64 : index
        %swap3A_149 = tpu.vector_load %arg9[%swap3A_147, %swap3A_148] {strides = array<i32>} : memref<128x128xf32, #tpu.memory_space<vmem>>, vector<1x16xf32>,
        %swap3A_150 = vector.shape_cast %swap3A_149 : vector<1x16xf32> to vector<16xf32>
        %swap3A_151 = vector.shape_cast %max3A_146 : vector<16xf32> to vector<1x16xf32>
        tpu.vector_store %arg9[%swap3A_147, %swap3A_148], %swap3A_151 {strides = array<i32>} : memref<128x128xf32, #tpu.memory_space<vmem>>, vector<1x16xf32>,
        %get3A_152 = arith.index_cast %scan3A_69 : i32 to index
        %get3A_153 = arith.constant 80 : index
        %get3A_154 = tpu.vector_load %arg9[%get3A_152, %get3A_153] {strides = array<i32>} : memref<128x128xf32, #tpu.memory_space<vmem>>, vector<1x16xf32>,
        %get3A_155 = vector.shape_cast %get3A_154 : vector<1x16xf32> to vector<16xf32>
        %get3A_156 = arith.index_cast %scan3A_69 : i32 to index
        %get3A_157 = arith.constant 80 : index
        %get3A_158 = tpu.vector_load %arg10[%get3A_156, %get3A_157] {strides = array<i32>} : memref<128x128xf32, #tpu.memory_space<vmem>>, vector<1x16xf32>,
        %get3A_159 = vector.shape_cast %get3A_158 : vector<1x16xf32> to vector<16xf32>
        %add3A_160 = arith.addf %get3A_155, %get3A_159 : vector<16xf32>
        %max3A_161 = arith.constant 0.000000e+00 : f32
        %max3A_162 = vector.broadcast %max3A_161 : f32 to vector<16xf32>
        %max3A_163 = arith.maximumf %add3A_160, %max3A_162 : vector<16xf32>
        %swap3A_164 = arith.index_cast %scan3A_69 : i32 to index
        %swap3A_165 = arith.constant 80 : index
        %swap3A_166 = tpu.vector_load %arg9[%swap3A_164, %swap3A_165] {strides = array<i32>} : memref<128x128xf32, #tpu.memory_space<vmem>>, vector<1x16xf32>,
        %swap3A_167 = vector.shape_cast %swap3A_166 : vector<1x16xf32> to vector<16xf32>
        %swap3A_168 = vector.shape_cast %max3A_163 : vector<16xf32> to vector<1x16xf32>
        tpu.vector_store %arg9[%swap3A_164, %swap3A_165], %swap3A_168 {strides = array<i32>} : memref<128x128xf32, #tpu.memory_space<vmem>>, vector<1x16xf32>,
        %get3A_169 = arith.index_cast %scan3A_69 : i32 to index
        %get3A_170 = arith.constant 96 : index
        %get3A_171 = tpu.vector_load %arg9[%get3A_169, %get3A_170] {strides = array<i32>} : memref<128x128xf32, #tpu.memory_space<vmem>>, vector<1x16xf32>,
        %get3A_172 = vector.shape_cast %get3A_171 : vector<1x16xf32> to vector<16xf32>
        %get3A_173 = arith.index_cast %scan3A_69 : i32 to index
        %get3A_174 = arith.constant 96 : index
        %get3A_175 = tpu.vector_load %arg10[%get3A_173, %get3A_174] {strides = array<i32>} : memref<128x128xf32, #tpu.memory_space<vmem>>, vector<1x16xf32>,
        %get3A_176 = vector.shape_cast %get3A_175 : vector<1x16xf32> to vector<16xf32>
        %add3A_177 = arith.addf %get3A_172, %get3A_176 : vector<16xf32>
        %max3A_178 = arith.constant 0.000000e+00 : f32
        %max3A_179 = vector.broadcast %max3A_178 : f32 to vector<16xf32>
        %max3A_180 = arith.maximumf %add3A_177, %max3A_179 : vector<16xf32>
        %swap3A_181 = arith.index_cast %scan3A_69 : i32 to index
        %swap3A_182 = arith.constant 96 : index
        %swap3A_183 = tpu.vector_load %arg9[%swap3A_181, %swap3A_182] {strides = array<i32>} : memref<128x128xf32, #tpu.memory_space<vmem>>, vector<1x16xf32>,
        %swap3A_184 = vector.shape_cast %swap3A_183 : vector<1x16xf32> to vector<16xf32>
        %swap3A_185 = vector.shape_cast %max3A_180 : vector<16xf32> to vector<1x16xf32>
        tpu.vector_store %arg9[%swap3A_181, %swap3A_182], %swap3A_185 {strides = array<i32>} : memref<128x128xf32, #tpu.memory_space<vmem>>, vector<1x16xf32>,
        %get3A_186 = arith.index_cast %scan3A_69 : i32 to index
        %get3A_187 = arith.constant 112 : index
        %get3A_188 = tpu.vector_load %arg9[%get3A_186, %get3A_187] {strides = array<i32>} : memref<128x128xf32, #tpu.memory_space<vmem>>, vector<1x16xf32>,
        %get3A_189 = vector.shape_cast %get3A_188 : vector<1x16xf32> to vector<16xf32>
        %get3A_190 = arith.index_cast %scan3A_69 : i32 to index
        %get3A_191 = arith.constant 112 : index
        %get3A_192 = tpu.vector_load %arg10[%get3A_190, %get3A_191] {strides = array<i32>} : memref<128x128xf32, #tpu.memory_space<vmem>>, vector<1x16xf32>,
        %get3A_193 = vector.shape_cast %get3A_192 : vector<1x16xf32> to vector<16xf32>
        %add3A_194 = arith.addf %get3A_189, %get3A_193 : vector<16xf32>
        %max3A_195 = arith.constant 0.000000e+00 : f32
        %max3A_196 = vector.broadcast %max3A_195 : f32 to vector<16xf32>
        %max3A_197 = arith.maximumf %add3A_194, %max3A_196 : vector<16xf32>
        %swap3A_198 = arith.index_cast %scan3A_69 : i32 to index
        %swap3A_199 = arith.constant 112 : index
        %swap3A_200 = tpu.vector_load %arg9[%swap3A_198, %swap3A_199] {strides = array<i32>} : memref<128x128xf32, #tpu.memory_space<vmem>>, vector<1x16xf32>,
        %swap3A_201 = vector.shape_cast %swap3A_200 : vector<1x16xf32> to vector<16xf32>
        %swap3A_202 = vector.shape_cast %max3A_197 : vector<16xf32> to vector<1x16xf32>
        tpu.vector_store %arg9[%swap3A_198, %swap3A_199], %swap3A_202 {strides = array<i32>} : memref<128x128xf32, #tpu.memory_space<vmem>>, vector<1x16xf32>,
      }
      %scan3A_68 = arith.constant 128 : i32
      "tpu.region"() ({
        %run_scoped3A = tpu.sem_alloc : memref<!tpu.dma_semaphore, #tpu.memory_space<semaphore_mem>>
        %dma_start3A_69 = arith.constant 0 : i32
        %dma_start3A_70 = arith.constant 0 : i32
        %dma_start3A_71 = tpu.memref_slice %arg11[%dma_start3A_69, %dma_start3A_70] : memref<10240x128xf32, #tpu.memory_space<vmem_shared>> -> memref<10240x128xf32, #tpu.memory_space<vmem_shared>>
        tpu.enqueue_indirect_dma source(%arg9 : memref<128x128xf32, #tpu.memory_space<vmem>>) target(%dma_start3A_71 : memref<10240x128xf32, #tpu.memory_space<vmem_shared>>) offsets(%arg8 : memref<128xi32, #tpu.memory_space<vmem>>) semaphore(%run_scoped3A : memref<!tpu.dma_semaphore, #tpu.memory_space<semaphore_mem>>) {add = true}
        %dma_wait3A_72 = arith.constant 0 : i32
        %dma_wait3A_73 = arith.constant 0 : i32
        %dma_wait3A_74 = tpu.memref_slice %arg11[%dma_wait3A_72, %dma_wait3A_73] : memref<10240x128xf32, #tpu.memory_space<vmem_shared>> -> memref<10240x128xf32, #tpu.memory_space<vmem_shared>>
        tpu.wait_indirect_dma semaphore(%run_scoped3A : memref<!tpu.dma_semaphore, #tpu.memory_space<semaphore_mem>>) src(%arg9 : memref<128x128xf32, #tpu.memory_space<vmem>>) dst(%dma_wait3A_74 : memref<10240x128xf32, #tpu.memory_space<vmem_shared>>)
        tpu.yield
      }) : () -> ()
    }
    %scan3A_31 = arith.constant 79 : i32
    %barrier3A_32 = arith.constant 0 : index
    tpu.barrier barrier_id(%barrier3A_32)
    %mul3A_33 = arith.constant 640 : i32
    %mul3A_34 = arith.muli %arg1, %mul3A_33 : i32
    %add3A_35 = arith.constant 0 : i32
    %add3A_36 = arith.addi %mul3A_34, %add3A_35 : i32
    "tpu.region"() ({
      %run_scoped3A = tpu.sem_alloc : memref<!tpu.dma_semaphore, #tpu.memory_space<semaphore_mem>>
      %dma_start3A = arith.constant 0 : i32
      %dma_start3A_53 = tpu.memref_slice %arg11[%add3A_36, %dma_start3A] : memref<10240x128xf32, #tpu.memory_space<vmem_shared>> -> memref<128x128xf32, #tpu.memory_space<vmem_shared>>
      %dma_start3A_54 = arith.constant 0 : i32
      %dma_start3A_55 = tpu.memref_slice %arg11[%add3A_36, %dma_start3A_54] : memref<10240x128xf32, #tpu.memory_space<vmem_shared>> -> memref<128x128xf32, #tpu.memory_space<vmem_shared>>
      tpu.enqueue_dma source(%dma_start3A_55 : memref<128x128xf32, #tpu.memory_space<vmem_shared>>) target(%arg10 : memref<128x128xf32, #tpu.memory_space<vmem>>) target_semaphore(%run_scoped3A : memref<!tpu.dma_semaphore, #tpu.memory_space<semaphore_mem>>)
      %dma_wait3A = arith.constant 0 : i32
      %dma_wait3A_56 = tpu.memref_slice %arg11[%add3A_36, %dma_wait3A] : memref<10240x128xf32, #tpu.memory_space<vmem_shared>> -> memref<128x128xf32, #tpu.memory_space<vmem_shared>>
      %dma_wait3A_57 = arith.constant 0 : i32
      %dma_wait3A_58 = tpu.memref_slice %arg11[%add3A_36, %dma_wait3A_57] : memref<10240x128xf32, #tpu.memory_space<vmem_shared>> -> memref<128x128xf32, #tpu.memory_space<vmem_shared>>
      tpu.wait_dma2 semaphore(%run_scoped3A : memref<!tpu.dma_semaphore, #tpu.memory_space<semaphore_mem>>) src(%dma_wait3A_58 : memref<128x128xf32, #tpu.memory_space<vmem_shared>>) dst(%arg10 : memref<128x128xf32, #tpu.memory_space<vmem>>)
      tpu.yield
    }) : () -> ()
    "tpu.region"() ({
      %run_scoped3A = tpu.sem_alloc : memref<!tpu.dma_semaphore, #tpu.memory_space<semaphore_mem>>
      %dma_start3A = arith.constant 0 : i32
      %dma_start3A_53 = tpu.memref_slice %arg6[%arg0, %add3A_36, %dma_start3A] : memref<2x10240x128xf32, #tpu.memory_space<hbm>> -> memref<1x128x128xf32, #tpu.memory_space<hbm>>
      %dma_start3A_54 = tpu.memref_squeeze %dma_start3A_53 : memref<1x128x128xf32, #tpu.memory_space<hbm>> -> memref<128x128xf32, #tpu.memory_space<hbm>>
      %dma_start3A_55 = arith.constant 0 : i32
      %dma_start3A_56 = tpu.memref_slice %arg6[%arg0, %add3A_36, %dma_start3A_55] : memref<2x10240x128xf32, #tpu.memory_space<hbm>> -> memref<1x128x128xf32, #tpu.memory_space<hbm>>
      %dma_start3A_57 = tpu.memref_squeeze %dma_start3A_56 : memref<1x128x128xf32, #tpu.memory_space<hbm>> -> memref<128x128xf32, #tpu.memory_space<hbm>>
      tpu.enqueue_dma source(%arg10 : memref<128x128xf32, #tpu.memory_space<vmem>>) target(%dma_start3A_57 : memref<128x128xf32, #tpu.memory_space<hbm>>) target_semaphore(%run_scoped3A : memref<!tpu.dma_semaphore, #tpu.memory_space<semaphore_mem>>)
      %dma_wait3A = arith.constant 0 : i32
      %dma_wait3A_58 = tpu.memref_slice %arg6[%arg0, %add3A_36, %dma_wait3A] : memref<2x10240x128xf32, #tpu.memory_space<hbm>> -> memref<1x128x128xf32, #tpu.memory_space<hbm>>
      %dma_wait3A_59 = tpu.memref_squeeze %dma_wait3A_58 : memref<1x128x128xf32, #tpu.memory_space<hbm>> -> memref<128x128xf32, #tpu.memory_space<hbm>>
      %dma_wait3A_60 = arith.constant 0 : i32
      %dma_wait3A_61 = tpu.memref_slice %arg6[%arg0, %add3A_36, %dma_wait3A_60] : memref<2x10240x128xf32, #tpu.memory_space<hbm>> -> memref<1x128x128xf32, #tpu.memory_space<hbm>>
      %dma_wait3A_62 = tpu.memref_squeeze %dma_wait3A_61 : memref<1x128x128xf32, #tpu.memory_space<hbm>> -> memref<128x128xf32, #tpu.memory_space<hbm>>
      tpu.wait_dma2 semaphore(%run_scoped3A : memref<!tpu.dma_semaphore, #tpu.memory_space<semaphore_mem>>) src(%arg10 : memref<128x128xf32, #tpu.memory_space<vmem>>) dst(%dma_wait3A_62 : memref<128x128xf32, #tpu.memory_space<hbm>>)
      tpu.yield
    }) : () -> ()
    %mul3A_37 = arith.constant 640 : i32
    %mul3A_38 = arith.muli %arg1, %mul3A_37 : i32
    %add3A_39 = arith.constant 128 : i32
    %add3A_40 = arith.addi %mul3A_38, %add3A_39 : i32
    "tpu.region"() ({
      %run_scoped3A = tpu.sem_alloc : memref<!tpu.dma_semaphore, #tpu.memory_space<semaphore_mem>>
      %dma_start3A = arith.constant 0 : i32
      %dma_start3A_53 = tpu.memref_slice %arg11[%add3A_40, %dma_start3A] : memref<10240x128xf32, #tpu.memory_space<vmem_shared>> -> memref<128x128xf32, #tpu.memory_space<vmem_shared>>
      %dma_start3A_54 = arith.constant 0 : i32
      %dma_start3A_55 = tpu.memref_slice %arg11[%add3A_40, %dma_start3A_54] : memref<10240x128xf32, #tpu.memory_space<vmem_shared>> -> memref<128x128xf32, #tpu.memory_space<vmem_shared>>
      tpu.enqueue_dma source(%dma_start3A_55 : memref<128x128xf32, #tpu.memory_space<vmem_shared>>) target(%arg10 : memref<128x128xf32, #tpu.memory_space<vmem>>) target_semaphore(%run_scoped3A : memref<!tpu.dma_semaphore, #tpu.memory_space<semaphore_mem>>)
      %dma_wait3A = arith.constant 0 : i32
      %dma_wait3A_56 = tpu.memref_slice %arg11[%add3A_40, %dma_wait3A] : memref<10240x128xf32, #tpu.memory_space<vmem_shared>> -> memref<128x128xf32, #tpu.memory_space<vmem_shared>>
      %dma_wait3A_57 = arith.constant 0 : i32
      %dma_wait3A_58 = tpu.memref_slice %arg11[%add3A_40, %dma_wait3A_57] : memref<10240x128xf32, #tpu.memory_space<vmem_shared>> -> memref<128x128xf32, #tpu.memory_space<vmem_shared>>
      tpu.wait_dma2 semaphore(%run_scoped3A : memref<!tpu.dma_semaphore, #tpu.memory_space<semaphore_mem>>) src(%dma_wait3A_58 : memref<128x128xf32, #tpu.memory_space<vmem_shared>>) dst(%arg10 : memref<128x128xf32, #tpu.memory_space<vmem>>)
      tpu.yield
    }) : () -> ()
    "tpu.region"() ({
      %run_scoped3A = tpu.sem_alloc : memref<!tpu.dma_semaphore, #tpu.memory_space<semaphore_mem>>
      %dma_start3A = arith.constant 0 : i32
      %dma_start3A_53 = tpu.memref_slice %arg6[%arg0, %add3A_40, %dma_start3A] : memref<2x10240x128xf32, #tpu.memory_space<hbm>> -> memref<1x128x128xf32, #tpu.memory_space<hbm>>
      %dma_start3A_54 = tpu.memref_squeeze %dma_start3A_53 : memref<1x128x128xf32, #tpu.memory_space<hbm>> -> memref<128x128xf32, #tpu.memory_space<hbm>>
      %dma_start3A_55 = arith.constant 0 : i32
      %dma_start3A_56 = tpu.memref_slice %arg6[%arg0, %add3A_40, %dma_start3A_55] : memref<2x10240x128xf32, #tpu.memory_space<hbm>> -> memref<1x128x128xf32, #tpu.memory_space<hbm>>
      %dma_start3A_57 = tpu.memref_squeeze %dma_start3A_56 : memref<1x128x128xf32, #tpu.memory_space<hbm>> -> memref<128x128xf32, #tpu.memory_space<hbm>>
      tpu.enqueue_dma source(%arg10 : memref<128x128xf32, #tpu.memory_space<vmem>>) target(%dma_start3A_57 : memref<128x128xf32, #tpu.memory_space<hbm>>) target_semaphore(%run_scoped3A : memref<!tpu.dma_semaphore, #tpu.memory_space<semaphore_mem>>)
      %dma_wait3A = arith.constant 0 : i32
      %dma_wait3A_58 = tpu.memref_slice %arg6[%arg0, %add3A_40, %dma_wait3A] : memref<2x10240x128xf32, #tpu.memory_space<hbm>> -> memref<1x128x128xf32, #tpu.memory_space<hbm>>
      %dma_wait3A_59 = tpu.memref_squeeze %dma_wait3A_58 : memref<1x128x128xf32, #tpu.memory_space<hbm>> -> memref<128x128xf32, #tpu.memory_space<hbm>>
      %dma_wait3A_60 = arith.constant 0 : i32
      %dma_wait3A_61 = tpu.memref_slice %arg6[%arg0, %add3A_40, %dma_wait3A_60] : memref<2x10240x128xf32, #tpu.memory_space<hbm>> -> memref<1x128x128xf32, #tpu.memory_space<hbm>>
      %dma_wait3A_62 = tpu.memref_squeeze %dma_wait3A_61 : memref<1x128x128xf32, #tpu.memory_space<hbm>> -> memref<128x128xf32, #tpu.memory_space<hbm>>
      tpu.wait_dma2 semaphore(%run_scoped3A : memref<!tpu.dma_semaphore, #tpu.memory_space<semaphore_mem>>) src(%arg10 : memref<128x128xf32, #tpu.memory_space<vmem>>) dst(%dma_wait3A_62 : memref<128x128xf32, #tpu.memory_space<hbm>>)
      tpu.yield
    }) : () -> ()
    %mul3A_41 = arith.constant 640 : i32
    %mul3A_42 = arith.muli %arg1, %mul3A_41 : i32
    %add3A_43 = arith.constant 256 : i32
    %add3A_44 = arith.addi %mul3A_42, %add3A_43 : i32
    "tpu.region"() ({
      %run_scoped3A = tpu.sem_alloc : memref<!tpu.dma_semaphore, #tpu.memory_space<semaphore_mem>>
      %dma_start3A = arith.constant 0 : i32
      %dma_start3A_53 = tpu.memref_slice %arg11[%add3A_44, %dma_start3A] : memref<10240x128xf32, #tpu.memory_space<vmem_shared>> -> memref<128x128xf32, #tpu.memory_space<vmem_shared>>
      %dma_start3A_54 = arith.constant 0 : i32
      %dma_start3A_55 = tpu.memref_slice %arg11[%add3A_44, %dma_start3A_54] : memref<10240x128xf32, #tpu.memory_space<vmem_shared>> -> memref<128x128xf32, #tpu.memory_space<vmem_shared>>
      tpu.enqueue_dma source(%dma_start3A_55 : memref<128x128xf32, #tpu.memory_space<vmem_shared>>) target(%arg10 : memref<128x128xf32, #tpu.memory_space<vmem>>) target_semaphore(%run_scoped3A : memref<!tpu.dma_semaphore, #tpu.memory_space<semaphore_mem>>)
      %dma_wait3A = arith.constant 0 : i32
      %dma_wait3A_56 = tpu.memref_slice %arg11[%add3A_44, %dma_wait3A] : memref<10240x128xf32, #tpu.memory_space<vmem_shared>> -> memref<128x128xf32, #tpu.memory_space<vmem_shared>>
      %dma_wait3A_57 = arith.constant 0 : i32
      %dma_wait3A_58 = tpu.memref_slice %arg11[%add3A_44, %dma_wait3A_57] : memref<10240x128xf32, #tpu.memory_space<vmem_shared>> -> memref<128x128xf32, #tpu.memory_space<vmem_shared>>
      tpu.wait_dma2 semaphore(%run_scoped3A : memref<!tpu.dma_semaphore, #tpu.memory_space<semaphore_mem>>) src(%dma_wait3A_58 : memref<128x128xf32, #tpu.memory_space<vmem_shared>>) dst(%arg10 : memref<128x128xf32, #tpu.memory_space<vmem>>)
      tpu.yield
    }) : () -> ()
    "tpu.region"() ({
      %run_scoped3A = tpu.sem_alloc : memref<!tpu.dma_semaphore, #tpu.memory_space<semaphore_mem>>
      %dma_start3A = arith.constant 0 : i32
      %dma_start3A_53 = tpu.memref_slice %arg6[%arg0, %add3A_44, %dma_start3A] : memref<2x10240x128xf32, #tpu.memory_space<hbm>> -> memref<1x128x128xf32, #tpu.memory_space<hbm>>
      %dma_start3A_54 = tpu.memref_squeeze %dma_start3A_53 : memref<1x128x128xf32, #tpu.memory_space<hbm>> -> memref<128x128xf32, #tpu.memory_space<hbm>>
      %dma_start3A_55 = arith.constant 0 : i32
      %dma_start3A_56 = tpu.memref_slice %arg6[%arg0, %add3A_44, %dma_start3A_55] : memref<2x10240x128xf32, #tpu.memory_space<hbm>> -> memref<1x128x128xf32, #tpu.memory_space<hbm>>
      %dma_start3A_57 = tpu.memref_squeeze %dma_start3A_56 : memref<1x128x128xf32, #tpu.memory_space<hbm>> -> memref<128x128xf32, #tpu.memory_space<hbm>>
      tpu.enqueue_dma source(%arg10 : memref<128x128xf32, #tpu.memory_space<vmem>>) target(%dma_start3A_57 : memref<128x128xf32, #tpu.memory_space<hbm>>) target_semaphore(%run_scoped3A : memref<!tpu.dma_semaphore, #tpu.memory_space<semaphore_mem>>)
      %dma_wait3A = arith.constant 0 : i32
      %dma_wait3A_58 = tpu.memref_slice %arg6[%arg0, %add3A_44, %dma_wait3A] : memref<2x10240x128xf32, #tpu.memory_space<hbm>> -> memref<1x128x128xf32, #tpu.memory_space<hbm>>
      %dma_wait3A_59 = tpu.memref_squeeze %dma_wait3A_58 : memref<1x128x128xf32, #tpu.memory_space<hbm>> -> memref<128x128xf32, #tpu.memory_space<hbm>>
      %dma_wait3A_60 = arith.constant 0 : i32
      %dma_wait3A_61 = tpu.memref_slice %arg6[%arg0, %add3A_44, %dma_wait3A_60] : memref<2x10240x128xf32, #tpu.memory_space<hbm>> -> memref<1x128x128xf32, #tpu.memory_space<hbm>>
      %dma_wait3A_62 = tpu.memref_squeeze %dma_wait3A_61 : memref<1x128x128xf32, #tpu.memory_space<hbm>> -> memref<128x128xf32, #tpu.memory_space<hbm>>
      tpu.wait_dma2 semaphore(%run_scoped3A : memref<!tpu.dma_semaphore, #tpu.memory_space<semaphore_mem>>) src(%arg10 : memref<128x128xf32, #tpu.memory_space<vmem>>) dst(%dma_wait3A_62 : memref<128x128xf32, #tpu.memory_space<hbm>>)
      tpu.yield
    }) : () -> ()
    %mul3A_45 = arith.constant 640 : i32
    %mul3A_46 = arith.muli %arg1, %mul3A_45 : i32
    %add3A_47 = arith.constant 384 : i32
    %add3A_48 = arith.addi %mul3A_46, %add3A_47 : i32
    "tpu.region"() ({
      %run_scoped3A = tpu.sem_alloc : memref<!tpu.dma_semaphore, #tpu.memory_space<semaphore_mem>>
      %dma_start3A = arith.constant 0 : i32
      %dma_start3A_53 = tpu.memref_slice %arg11[%add3A_48, %dma_start3A] : memref<10240x128xf32, #tpu.memory_space<vmem_shared>> -> memref<128x128xf32, #tpu.memory_space<vmem_shared>>
      %dma_start3A_54 = arith.constant 0 : i32
      %dma_start3A_55 = tpu.memref_slice %arg11[%add3A_48, %dma_start3A_54] : memref<10240x128xf32, #tpu.memory_space<vmem_shared>> -> memref<128x128xf32, #tpu.memory_space<vmem_shared>>
      tpu.enqueue_dma source(%dma_start3A_55 : memref<128x128xf32, #tpu.memory_space<vmem_shared>>) target(%arg10 : memref<128x128xf32, #tpu.memory_space<vmem>>) target_semaphore(%run_scoped3A : memref<!tpu.dma_semaphore, #tpu.memory_space<semaphore_mem>>)
      %dma_wait3A = arith.constant 0 : i32
      %dma_wait3A_56 = tpu.memref_slice %arg11[%add3A_48, %dma_wait3A] : memref<10240x128xf32, #tpu.memory_space<vmem_shared>> -> memref<128x128xf32, #tpu.memory_space<vmem_shared>>
      %dma_wait3A_57 = arith.constant 0 : i32
      %dma_wait3A_58 = tpu.memref_slice %arg11[%add3A_48, %dma_wait3A_57] : memref<10240x128xf32, #tpu.memory_space<vmem_shared>> -> memref<128x128xf32, #tpu.memory_space<vmem_shared>>
      tpu.wait_dma2 semaphore(%run_scoped3A : memref<!tpu.dma_semaphore, #tpu.memory_space<semaphore_mem>>) src(%dma_wait3A_58 : memref<128x128xf32, #tpu.memory_space<vmem_shared>>) dst(%arg10 : memref<128x128xf32, #tpu.memory_space<vmem>>)
      tpu.yield
    }) : () -> ()
    "tpu.region"() ({
      %run_scoped3A = tpu.sem_alloc : memref<!tpu.dma_semaphore, #tpu.memory_space<semaphore_mem>>
      %dma_start3A = arith.constant 0 : i32
      %dma_start3A_53 = tpu.memref_slice %arg6[%arg0, %add3A_48, %dma_start3A] : memref<2x10240x128xf32, #tpu.memory_space<hbm>> -> memref<1x128x128xf32, #tpu.memory_space<hbm>>
      %dma_start3A_54 = tpu.memref_squeeze %dma_start3A_53 : memref<1x128x128xf32, #tpu.memory_space<hbm>> -> memref<128x128xf32, #tpu.memory_space<hbm>>
      %dma_start3A_55 = arith.constant 0 : i32
      %dma_start3A_56 = tpu.memref_slice %arg6[%arg0, %add3A_48, %dma_start3A_55] : memref<2x10240x128xf32, #tpu.memory_space<hbm>> -> memref<1x128x128xf32, #tpu.memory_space<hbm>>
      %dma_start3A_57 = tpu.memref_squeeze %dma_start3A_56 : memref<1x128x128xf32, #tpu.memory_space<hbm>> -> memref<128x128xf32, #tpu.memory_space<hbm>>
      tpu.enqueue_dma source(%arg10 : memref<128x128xf32, #tpu.memory_space<vmem>>) target(%dma_start3A_57 : memref<128x128xf32, #tpu.memory_space<hbm>>) target_semaphore(%run_scoped3A : memref<!tpu.dma_semaphore, #tpu.memory_space<semaphore_mem>>)
      %dma_wait3A = arith.constant 0 : i32
      %dma_wait3A_58 = tpu.memref_slice %arg6[%arg0, %add3A_48, %dma_wait3A] : memref<2x10240x128xf32, #tpu.memory_space<hbm>> -> memref<1x128x128xf32, #tpu.memory_space<hbm>>
      %dma_wait3A_59 = tpu.memref_squeeze %dma_wait3A_58 : memref<1x128x128xf32, #tpu.memory_space<hbm>> -> memref<128x128xf32, #tpu.memory_space<hbm>>
      %dma_wait3A_60 = arith.constant 0 : i32
      %dma_wait3A_61 = tpu.memref_slice %arg6[%arg0, %add3A_48, %dma_wait3A_60] : memref<2x10240x128xf32, #tpu.memory_space<hbm>> -> memref<1x128x128xf32, #tpu.memory_space<hbm>>
      %dma_wait3A_62 = tpu.memref_squeeze %dma_wait3A_61 : memref<1x128x128xf32, #tpu.memory_space<hbm>> -> memref<128x128xf32, #tpu.memory_space<hbm>>
      tpu.wait_dma2 semaphore(%run_scoped3A : memref<!tpu.dma_semaphore, #tpu.memory_space<semaphore_mem>>) src(%arg10 : memref<128x128xf32, #tpu.memory_space<vmem>>) dst(%dma_wait3A_62 : memref<128x128xf32, #tpu.memory_space<hbm>>)
      tpu.yield
    }) : () -> ()
    %mul3A_49 = arith.constant 640 : i32
    %mul3A_50 = arith.muli %arg1, %mul3A_49 : i32
    %add3A_51 = arith.constant 512 : i32
    %add3A_52 = arith.addi %mul3A_50, %add3A_51 : i32
    "tpu.region"() ({
      %run_scoped3A = tpu.sem_alloc : memref<!tpu.dma_semaphore, #tpu.memory_space<semaphore_mem>>
      %dma_start3A = arith.constant 0 : i32
      %dma_start3A_53 = tpu.memref_slice %arg11[%add3A_52, %dma_start3A] : memref<10240x128xf32, #tpu.memory_space<vmem_shared>> -> memref<128x128xf32, #tpu.memory_space<vmem_shared>>
      %dma_start3A_54 = arith.constant 0 : i32
      %dma_start3A_55 = tpu.memref_slice %arg11[%add3A_52, %dma_start3A_54] : memref<10240x128xf32, #tpu.memory_space<vmem_shared>> -> memref<128x128xf32, #tpu.memory_space<vmem_shared>>
      tpu.enqueue_dma source(%dma_start3A_55 : memref<128x128xf32, #tpu.memory_space<vmem_shared>>) target(%arg10 : memref<128x128xf32, #tpu.memory_space<vmem>>) target_semaphore(%run_scoped3A : memref<!tpu.dma_semaphore, #tpu.memory_space<semaphore_mem>>)
      %dma_wait3A = arith.constant 0 : i32
      %dma_wait3A_56 = tpu.memref_slice %arg11[%add3A_52, %dma_wait3A] : memref<10240x128xf32, #tpu.memory_space<vmem_shared>> -> memref<128x128xf32, #tpu.memory_space<vmem_shared>>
      %dma_wait3A_57 = arith.constant 0 : i32
      %dma_wait3A_58 = tpu.memref_slice %arg11[%add3A_52, %dma_wait3A_57] : memref<10240x128xf32, #tpu.memory_space<vmem_shared>> -> memref<128x128xf32, #tpu.memory_space<vmem_shared>>
      tpu.wait_dma2 semaphore(%run_scoped3A : memref<!tpu.dma_semaphore, #tpu.memory_space<semaphore_mem>>) src(%dma_wait3A_58 : memref<128x128xf32, #tpu.memory_space<vmem_shared>>) dst(%arg10 : memref<128x128xf32, #tpu.memory_space<vmem>>)
      tpu.yield
    }) : () -> ()
    "tpu.region"() ({
      %run_scoped3A = tpu.sem_alloc : memref<!tpu.dma_semaphore, #tpu.memory_space<semaphore_mem>>
      %dma_start3A = arith.constant 0 : i32
      %dma_start3A_53 = tpu.memref_slice %arg6[%arg0, %add3A_52, %dma_start3A] : memref<2x10240x128xf32, #tpu.memory_space<hbm>> -> memref<1x128x128xf32, #tpu.memory_space<hbm>>
      %dma_start3A_54 = tpu.memref_squeeze %dma_start3A_53 : memref<1x128x128xf32, #tpu.memory_space<hbm>> -> memref<128x128xf32, #tpu.memory_space<hbm>>
      %dma_start3A_55 = arith.constant 0 : i32
      %dma_start3A_56 = tpu.memref_slice %arg6[%arg0, %add3A_52, %dma_start3A_55] : memref<2x10240x128xf32, #tpu.memory_space<hbm>> -> memref<1x128x128xf32, #tpu.memory_space<hbm>>
      %dma_start3A_57 = tpu.memref_squeeze %dma_start3A_56 : memref<1x128x128xf32, #tpu.memory_space<hbm>> -> memref<128x128xf32, #tpu.memory_space<hbm>>
      tpu.enqueue_dma source(%arg10 : memref<128x128xf32, #tpu.memory_space<vmem>>) target(%dma_start3A_57 : memref<128x128xf32, #tpu.memory_space<hbm>>) target_semaphore(%run_scoped3A : memref<!tpu.dma_semaphore, #tpu.memory_space<semaphore_mem>>)
      %dma_wait3A = arith.constant 0 : i32
      %dma_wait3A_58 = tpu.memref_slice %arg6[%arg0, %add3A_52, %dma_wait3A] : memref<2x10240x128xf32, #tpu.memory_space<hbm>> -> memref<1x128x128xf32, #tpu.memory_space<hbm>>
      %dma_wait3A_59 = tpu.memref_squeeze %dma_wait3A_58 : memref<1x128x128xf32, #tpu.memory_space<hbm>> -> memref<128x128xf32, #tpu.memory_space<hbm>>
      %dma_wait3A_60 = arith.constant 0 : i32
      %dma_wait3A_61 = tpu.memref_slice %arg6[%arg0, %add3A_52, %dma_wait3A_60] : memref<2x10240x128xf32, #tpu.memory_space<hbm>> -> memref<1x128x128xf32, #tpu.memory_space<hbm>>
      %dma_wait3A_62 = tpu.memref_squeeze %dma_wait3A_61 : memref<1x128x128xf32, #tpu.memory_space<hbm>> -> memref<128x128xf32, #tpu.memory_space<hbm>>
      tpu.wait_dma2 semaphore(%run_scoped3A : memref<!tpu.dma_semaphore, #tpu.memory_space<semaphore_mem>>) src(%arg10 : memref<128x128xf32, #tpu.memory_space<vmem>>) dst(%dma_wait3A_62 : memref<128x128xf32, #tpu.memory_space<hbm>>)
      tpu.yield
    }) : () -> ()
    return
  }
}

module attributes {stable_mosaic.version = 14 : i64} {
  func.func @body(%arg0: i32, %arg1: memref<2048x16xf32, #tpu.memory_space<vmem>>, %arg2: memref<16x128xf32, #tpu.memory_space<vmem>>, %arg3: memref<1x128xf32, #tpu.memory_space<vmem>>, %arg4: memref<128x128xf32, #tpu.memory_space<vmem>>, %arg5: memref<1x128xf32, #tpu.memory_space<vmem>>, %arg6: memref<16x128xf32, #tpu.memory_space<vmem>>, %arg7: memref<1x128xf32, #tpu.memory_space<vmem>>, %arg8: memref<128x128xf32, #tpu.memory_space<vmem>>, %arg9: memref<1x128xf32, #tpu.memory_space<vmem>>, %arg10: memref<16x128xf32, #tpu.memory_space<vmem>>, %arg11: memref<1x128xf32, #tpu.memory_space<vmem>>, %arg12: memref<128x128xf32, #tpu.memory_space<vmem>>, %arg13: memref<1x128xf32, #tpu.memory_space<vmem>>, %arg14: memref<2048x128xf32, #tpu.memory_space<vmem>>, %arg15: memref<2048x128xf32, #tpu.memory_space<vmem>>, %arg16: memref<2048x128xf32, #tpu.memory_space<vmem>>) attributes {dimension_semantics = [#tpu.dimension_semantics<arbitrary>], iteration_bounds = array<i64: 158>, scalar_prefetch = 0 : i64, scratch_operands = 0 : i64, tpu.core_type = #tpu.core_type<tc>, window_params = [{transform_indices = @transform_0, window_bounds = array<i64: 2048, 16>}, {pipeline_mode = #tpu.pipeline_mode<synchronous>, transform_indices = @transform_1, window_bounds = array<i64: 16, 128>}, {pipeline_mode = #tpu.pipeline_mode<synchronous>, transform_indices = @transform_2, window_bounds = array<i64: 1, 128>}, {pipeline_mode = #tpu.pipeline_mode<synchronous>, transform_indices = @transform_3, window_bounds = array<i64: 128, 128>}, {pipeline_mode = #tpu.pipeline_mode<synchronous>, transform_indices = @transform_4, window_bounds = array<i64: 1, 128>}, {pipeline_mode = #tpu.pipeline_mode<synchronous>, transform_indices = @transform_5, window_bounds = array<i64: 16, 128>}, {pipeline_mode = #tpu.pipeline_mode<synchronous>, transform_indices = @transform_6, window_bounds = array<i64: 1, 128>}, {pipeline_mode = #tpu.pipeline_mode<synchronous>, transform_indices = @transform_7, window_bounds = array<i64: 128, 128>}, {pipeline_mode = #tpu.pipeline_mode<synchronous>, transform_indices = @transform_8, window_bounds = array<i64: 1, 128>}, {pipeline_mode = #tpu.pipeline_mode<synchronous>, transform_indices = @transform_9, window_bounds = array<i64: 16, 128>}, {pipeline_mode = #tpu.pipeline_mode<synchronous>, transform_indices = @transform_10, window_bounds = array<i64: 1, 128>}, {pipeline_mode = #tpu.pipeline_mode<synchronous>, transform_indices = @transform_11, window_bounds = array<i64: 128, 128>}, {pipeline_mode = #tpu.pipeline_mode<synchronous>, transform_indices = @transform_12, window_bounds = array<i64: 1, 128>}, {transform_indices = @transform_13, window_bounds = array<i64: 2048, 128>}, {transform_indices = @transform_14, window_bounds = array<i64: 2048, 128>}, {transform_indices = @transform_15, window_bounds = array<i64: 2048, 128>}]} {
    %get3A = arith.constant 0 : index
    %get3A_0 = arith.constant 0 : index
    %get3A_1 = vector.load %arg1[%get3A, %get3A_0] : memref<2048x16xf32, #tpu.memory_space<vmem>>, vector<2048x16xf32>
    %get3A_2 = arith.constant 0 : index
    %get3A_3 = arith.constant 0 : index
    %get3A_4 = vector.load %arg2[%get3A_2, %get3A_3] : memref<16x128xf32, #tpu.memory_space<vmem>>, vector<16x128xf32>
    %get3A_5 = arith.constant 0 : index
    %get3A_6 = arith.constant 0 : index
    %get3A_7 = vector.load %arg3[%get3A_5, %get3A_6] : memref<1x128xf32, #tpu.memory_space<vmem>>, vector<1x128xf32>
    %get3A_8 = arith.constant 0 : index
    %get3A_9 = arith.constant 0 : index
    %get3A_10 = vector.load %arg4[%get3A_8, %get3A_9] : memref<128x128xf32, #tpu.memory_space<vmem>>, vector<128x128xf32>
    %get3A_11 = arith.constant 0 : index
    %get3A_12 = arith.constant 0 : index
    %get3A_13 = vector.load %arg5[%get3A_11, %get3A_12] : memref<1x128xf32, #tpu.memory_space<vmem>>, vector<1x128xf32>
    %dot_general3A = arith.constant dense<0.000000e+00> : vector<2048x128xf32>
    %dot_general3A_14 = tpu.matmul %get3A_1, %get3A_4, %dot_general3A {dimension_numbers = #tpu.dot_dimension_numbers<[1], [0], [0], [1], [0, 0, 1, 1], [], []>, transpose_lhs_hint = false} : vector<2048x16xf32>, vector<16x128xf32>, vector<2048x128xf32> -> vector<2048x128xf32>
    %add3A = vector.broadcast %get3A_7 : vector<1x128xf32> to vector<2048x128xf32>
    %add3A_15 = arith.addf %dot_general3A_14, %add3A : vector<2048x128xf32>
    %max3A = arith.constant 0.000000e+00 : f32
    %max3A_16 = vector.broadcast %max3A : f32 to vector<2048x128xf32>
    %max3A_17 = arith.maximumf %add3A_15, %max3A_16 : vector<2048x128xf32>
    %dot_general3A_18 = arith.constant dense<0.000000e+00> : vector<2048x128xf32>
    %dot_general3A_19 = tpu.matmul %max3A_17, %get3A_10, %dot_general3A_18 {dimension_numbers = #tpu.dot_dimension_numbers<[1], [0], [0], [1], [0, 0, 1, 1], [], []>, transpose_lhs_hint = false} : vector<2048x128xf32>, vector<128x128xf32>, vector<2048x128xf32> -> vector<2048x128xf32>
    %add3A_20 = vector.broadcast %get3A_13 : vector<1x128xf32> to vector<2048x128xf32>
    %add3A_21 = arith.addf %dot_general3A_19, %add3A_20 : vector<2048x128xf32>
    %swap3A = arith.constant 0 : index
    %swap3A_22 = arith.constant 0 : index
    %swap3A_23 = vector.load %arg14[%swap3A, %swap3A_22] : memref<2048x128xf32, #tpu.memory_space<vmem>>, vector<2048x128xf32>
    tpu.vector_store %arg14[%swap3A, %swap3A_22], %add3A_21 {strides = array<i32>} : memref<2048x128xf32, #tpu.memory_space<vmem>>, vector<2048x128xf32>,
    %get3A_24 = arith.constant 0 : index
    %get3A_25 = arith.constant 0 : index
    %get3A_26 = vector.load %arg6[%get3A_24, %get3A_25] : memref<16x128xf32, #tpu.memory_space<vmem>>, vector<16x128xf32>
    %get3A_27 = arith.constant 0 : index
    %get3A_28 = arith.constant 0 : index
    %get3A_29 = vector.load %arg7[%get3A_27, %get3A_28] : memref<1x128xf32, #tpu.memory_space<vmem>>, vector<1x128xf32>
    %get3A_30 = arith.constant 0 : index
    %get3A_31 = arith.constant 0 : index
    %get3A_32 = vector.load %arg8[%get3A_30, %get3A_31] : memref<128x128xf32, #tpu.memory_space<vmem>>, vector<128x128xf32>
    %get3A_33 = arith.constant 0 : index
    %get3A_34 = arith.constant 0 : index
    %get3A_35 = vector.load %arg9[%get3A_33, %get3A_34] : memref<1x128xf32, #tpu.memory_space<vmem>>, vector<1x128xf32>
    %dot_general3A_36 = arith.constant dense<0.000000e+00> : vector<2048x128xf32>
    %dot_general3A_37 = tpu.matmul %get3A_1, %get3A_26, %dot_general3A_36 {dimension_numbers = #tpu.dot_dimension_numbers<[1], [0], [0], [1], [0, 0, 1, 1], [], []>, transpose_lhs_hint = false} : vector<2048x16xf32>, vector<16x128xf32>, vector<2048x128xf32> -> vector<2048x128xf32>
    %add3A_38 = vector.broadcast %get3A_29 : vector<1x128xf32> to vector<2048x128xf32>
    %add3A_39 = arith.addf %dot_general3A_37, %add3A_38 : vector<2048x128xf32>
    %max3A_40 = arith.constant 0.000000e+00 : f32
    %max3A_41 = vector.broadcast %max3A_40 : f32 to vector<2048x128xf32>
    %max3A_42 = arith.maximumf %add3A_39, %max3A_41 : vector<2048x128xf32>
    %dot_general3A_43 = arith.constant dense<0.000000e+00> : vector<2048x128xf32>
    %dot_general3A_44 = tpu.matmul %max3A_42, %get3A_32, %dot_general3A_43 {dimension_numbers = #tpu.dot_dimension_numbers<[1], [0], [0], [1], [0, 0, 1, 1], [], []>, transpose_lhs_hint = false} : vector<2048x128xf32>, vector<128x128xf32>, vector<2048x128xf32> -> vector<2048x128xf32>
    %add3A_45 = vector.broadcast %get3A_35 : vector<1x128xf32> to vector<2048x128xf32>
    %add3A_46 = arith.addf %dot_general3A_44, %add3A_45 : vector<2048x128xf32>
    %swap3A_47 = arith.constant 0 : index
    %swap3A_48 = arith.constant 0 : index
    %swap3A_49 = vector.load %arg15[%swap3A_47, %swap3A_48] : memref<2048x128xf32, #tpu.memory_space<vmem>>, vector<2048x128xf32>
    tpu.vector_store %arg15[%swap3A_47, %swap3A_48], %add3A_46 {strides = array<i32>} : memref<2048x128xf32, #tpu.memory_space<vmem>>, vector<2048x128xf32>,
    %get3A_50 = arith.constant 0 : index
    %get3A_51 = arith.constant 0 : index
    %get3A_52 = vector.load %arg10[%get3A_50, %get3A_51] : memref<16x128xf32, #tpu.memory_space<vmem>>, vector<16x128xf32>
    %get3A_53 = arith.constant 0 : index
    %get3A_54 = arith.constant 0 : index
    %get3A_55 = vector.load %arg11[%get3A_53, %get3A_54] : memref<1x128xf32, #tpu.memory_space<vmem>>, vector<1x128xf32>
    %get3A_56 = arith.constant 0 : index
    %get3A_57 = arith.constant 0 : index
    %get3A_58 = vector.load %arg12[%get3A_56, %get3A_57] : memref<128x128xf32, #tpu.memory_space<vmem>>, vector<128x128xf32>
    %get3A_59 = arith.constant 0 : index
    %get3A_60 = arith.constant 0 : index
    %get3A_61 = vector.load %arg13[%get3A_59, %get3A_60] : memref<1x128xf32, #tpu.memory_space<vmem>>, vector<1x128xf32>
    %dot_general3A_62 = arith.constant dense<0.000000e+00> : vector<2048x128xf32>
    %dot_general3A_63 = tpu.matmul %get3A_1, %get3A_52, %dot_general3A_62 {dimension_numbers = #tpu.dot_dimension_numbers<[1], [0], [0], [1], [0, 0, 1, 1], [], []>, transpose_lhs_hint = false} : vector<2048x16xf32>, vector<16x128xf32>, vector<2048x128xf32> -> vector<2048x128xf32>
    %add3A_64 = vector.broadcast %get3A_55 : vector<1x128xf32> to vector<2048x128xf32>
    %add3A_65 = arith.addf %dot_general3A_63, %add3A_64 : vector<2048x128xf32>
    %max3A_66 = arith.constant 0.000000e+00 : f32
    %max3A_67 = vector.broadcast %max3A_66 : f32 to vector<2048x128xf32>
    %max3A_68 = arith.maximumf %add3A_65, %max3A_67 : vector<2048x128xf32>
    %dot_general3A_69 = arith.constant dense<0.000000e+00> : vector<2048x128xf32>
    %dot_general3A_70 = tpu.matmul %max3A_68, %get3A_58, %dot_general3A_69 {dimension_numbers = #tpu.dot_dimension_numbers<[1], [0], [0], [1], [0, 0, 1, 1], [], []>, transpose_lhs_hint = false} : vector<2048x128xf32>, vector<128x128xf32>, vector<2048x128xf32> -> vector<2048x128xf32>
    %add3A_71 = vector.broadcast %get3A_61 : vector<1x128xf32> to vector<2048x128xf32>
    %add3A_72 = arith.addf %dot_general3A_70, %add3A_71 : vector<2048x128xf32>
    %swap3A_73 = arith.constant 0 : index
    %swap3A_74 = arith.constant 0 : index
    %swap3A_75 = vector.load %arg16[%swap3A_73, %swap3A_74] : memref<2048x128xf32, #tpu.memory_space<vmem>>, vector<2048x128xf32>
    tpu.vector_store %arg16[%swap3A_73, %swap3A_74], %add3A_72 {strides = array<i32>} : memref<2048x128xf32, #tpu.memory_space<vmem>>, vector<2048x128xf32>,
    return
  }
  func.func @transform_0(%arg0: i32) -> (i32, i32) {
    %c0_i32 = arith.constant 0 : i32
    %c0_i32_0 = arith.constant 0 : i32
    return %arg0, %c0_i32 : i32, i32
  }
  func.func @transform_1(%arg0: i32) -> (i32, i32) {
    %c0_i32 = arith.constant 0 : i32
    %c0_i32_0 = arith.constant 0 : i32
    %c0_i32_1 = arith.constant 0 : i32
    return %c0_i32, %c0_i32_0 : i32, i32
  }
  func.func @transform_2(%arg0: i32) -> (i32, i32) {
    %c0_i32 = arith.constant 0 : i32
    %c0_i32_0 = arith.constant 0 : i32
    %c0_i32_1 = arith.constant 0 : i32
    return %c0_i32, %c0_i32_0 : i32, i32
  }
  func.func @transform_3(%arg0: i32) -> (i32, i32) {
    %c0_i32 = arith.constant 0 : i32
    %c0_i32_0 = arith.constant 0 : i32
    %c0_i32_1 = arith.constant 0 : i32
    return %c0_i32, %c0_i32_0 : i32, i32
  }
  func.func @transform_4(%arg0: i32) -> (i32, i32) {
    %c0_i32 = arith.constant 0 : i32
    %c0_i32_0 = arith.constant 0 : i32
    %c0_i32_1 = arith.constant 0 : i32
    return %c0_i32, %c0_i32_0 : i32, i32
  }
  func.func @transform_5(%arg0: i32) -> (i32, i32) {
    %c0_i32 = arith.constant 0 : i32
    %c0_i32_0 = arith.constant 0 : i32
    %c0_i32_1 = arith.constant 0 : i32
    return %c0_i32, %c0_i32_0 : i32, i32
  }
  func.func @transform_6(%arg0: i32) -> (i32, i32) {
    %c0_i32 = arith.constant 0 : i32
    %c0_i32_0 = arith.constant 0 : i32
    %c0_i32_1 = arith.constant 0 : i32
    return %c0_i32, %c0_i32_0 : i32, i32
  }
  func.func @transform_7(%arg0: i32) -> (i32, i32) {
    %c0_i32 = arith.constant 0 : i32
    %c0_i32_0 = arith.constant 0 : i32
    %c0_i32_1 = arith.constant 0 : i32
    return %c0_i32, %c0_i32_0 : i32, i32
  }
  func.func @transform_8(%arg0: i32) -> (i32, i32) {
    %c0_i32 = arith.constant 0 : i32
    %c0_i32_0 = arith.constant 0 : i32
    %c0_i32_1 = arith.constant 0 : i32
    return %c0_i32, %c0_i32_0 : i32, i32
  }
  func.func @transform_9(%arg0: i32) -> (i32, i32) {
    %c0_i32 = arith.constant 0 : i32
    %c0_i32_0 = arith.constant 0 : i32
    %c0_i32_1 = arith.constant 0 : i32
    return %c0_i32, %c0_i32_0 : i32, i32
  }
  func.func @transform_10(%arg0: i32) -> (i32, i32) {
    %c0_i32 = arith.constant 0 : i32
    %c0_i32_0 = arith.constant 0 : i32
    %c0_i32_1 = arith.constant 0 : i32
    return %c0_i32, %c0_i32_0 : i32, i32
  }
  func.func @transform_11(%arg0: i32) -> (i32, i32) {
    %c0_i32 = arith.constant 0 : i32
    %c0_i32_0 = arith.constant 0 : i32
    %c0_i32_1 = arith.constant 0 : i32
    return %c0_i32, %c0_i32_0 : i32, i32
  }
  func.func @transform_12(%arg0: i32) -> (i32, i32) {
    %c0_i32 = arith.constant 0 : i32
    %c0_i32_0 = arith.constant 0 : i32
    %c0_i32_1 = arith.constant 0 : i32
    return %c0_i32, %c0_i32_0 : i32, i32
  }
  func.func @transform_13(%arg0: i32) -> (i32, i32) {
    %c0_i32 = arith.constant 0 : i32
    %c0_i32_0 = arith.constant 0 : i32
    return %arg0, %c0_i32 : i32, i32
  }
  func.func @transform_14(%arg0: i32) -> (i32, i32) {
    %c0_i32 = arith.constant 0 : i32
    %c0_i32_0 = arith.constant 0 : i32
    return %arg0, %c0_i32 : i32, i32
  }
  func.func @transform_15(%arg0: i32) -> (i32, i32) {
    %c0_i32 = arith.constant 0 : i32
    %c0_i32_0 = arith.constant 0 : i32
    return %arg0, %c0_i32 : i32, i32
  }
}

module attributes {stable_mosaic.version = 14 : i64} {
  func.func @body(%arg0: i32, %arg1: memref<2000x128xf32, #tpu.memory_space<vmem>>, %arg2: memref<2000x128xf32, #tpu.memory_space<vmem>>, %arg3: memref<2000x128xf32, #tpu.memory_space<vmem>>, %arg4: memref<1x128xf32, #tpu.memory_space<vmem>>, %arg5: memref<128x128xf32, #tpu.memory_space<vmem>>, %arg6: memref<1x128xf32, #tpu.memory_space<vmem>>, %arg7: memref<128x128xf32, #tpu.memory_space<vmem>>, %arg8: memref<1x128xf32, #tpu.memory_space<vmem>>, %arg9: memref<1x128xf32, #tpu.memory_space<vmem>>, %arg10: memref<1x128xf32, #tpu.memory_space<vmem>>, %arg11: memref<2000x128xf32, #tpu.memory_space<vmem>>) attributes {dimension_semantics = [#tpu.dimension_semantics<arbitrary>], iteration_bounds = array<i64: 5>, scalar_prefetch = 0 : i64, scratch_operands = 0 : i64, tpu.core_type = #tpu.core_type<tc>, window_params = [{transform_indices = @transform_0, window_bounds = array<i64: 2000, 128>}, {transform_indices = @transform_1, window_bounds = array<i64: 2000, 128>}, {transform_indices = @transform_2, window_bounds = array<i64: 2000, 128>}, {pipeline_mode = #tpu.pipeline_mode<synchronous>, transform_indices = @transform_3, window_bounds = array<i64: 1, 128>}, {pipeline_mode = #tpu.pipeline_mode<synchronous>, transform_indices = @transform_4, window_bounds = array<i64: 128, 128>}, {pipeline_mode = #tpu.pipeline_mode<synchronous>, transform_indices = @transform_5, window_bounds = array<i64: 1, 128>}, {pipeline_mode = #tpu.pipeline_mode<synchronous>, transform_indices = @transform_6, window_bounds = array<i64: 128, 128>}, {pipeline_mode = #tpu.pipeline_mode<synchronous>, transform_indices = @transform_7, window_bounds = array<i64: 1, 128>}, {pipeline_mode = #tpu.pipeline_mode<synchronous>, transform_indices = @transform_8, window_bounds = array<i64: 1, 128>}, {pipeline_mode = #tpu.pipeline_mode<synchronous>, transform_indices = @transform_9, window_bounds = array<i64: 1, 128>}, {transform_indices = @transform_10, window_bounds = array<i64: 2000, 128>}]} {
    %get3A = arith.constant 0 : index
    %get3A_0 = arith.constant 0 : index
    %get3A_1 = vector.load %arg1[%get3A, %get3A_0] : memref<2000x128xf32, #tpu.memory_space<vmem>>, vector<2000x128xf32>
    %get3A_2 = arith.constant 0 : index
    %get3A_3 = arith.constant 0 : index
    %get3A_4 = vector.load %arg4[%get3A_2, %get3A_3] : memref<1x128xf32, #tpu.memory_space<vmem>>, vector<1x128xf32>
    %mul3A = vector.broadcast %get3A_4 : vector<1x128xf32> to vector<2000x128xf32>
    %mul3A_5 = arith.mulf %get3A_1, %mul3A : vector<2000x128xf32>
    %get3A_6 = arith.constant 0 : index
    %get3A_7 = arith.constant 0 : index
    %get3A_8 = vector.load %arg2[%get3A_6, %get3A_7] : memref<2000x128xf32, #tpu.memory_space<vmem>>, vector<2000x128xf32>
    %add3A = arith.addf %mul3A_5, %get3A_8 : vector<2000x128xf32>
    %get3A_9 = arith.constant 0 : index
    %get3A_10 = arith.constant 0 : index
    %get3A_11 = vector.load %arg3[%get3A_9, %get3A_10] : memref<2000x128xf32, #tpu.memory_space<vmem>>, vector<2000x128xf32>
    %add3A_12 = arith.addf %add3A, %get3A_11 : vector<2000x128xf32>
    %get3A_13 = arith.constant 0 : index
    %get3A_14 = arith.constant 0 : index
    %get3A_15 = vector.load %arg5[%get3A_13, %get3A_14] : memref<128x128xf32, #tpu.memory_space<vmem>>, vector<128x128xf32>
    %dot_general3A = arith.constant dense<0.000000e+00> : vector<2000x128xf32>
    %dot_general3A_16 = tpu.matmul %add3A_12, %get3A_15, %dot_general3A {dimension_numbers = #tpu.dot_dimension_numbers<[1], [0], [0], [1], [0, 0, 1, 1], [], []>, transpose_lhs_hint = false} : vector<2000x128xf32>, vector<128x128xf32>, vector<2000x128xf32> -> vector<2000x128xf32>
    %get3A_17 = arith.constant 0 : index
    %get3A_18 = arith.constant 0 : index
    %get3A_19 = vector.load %arg6[%get3A_17, %get3A_18] : memref<1x128xf32, #tpu.memory_space<vmem>>, vector<1x128xf32>
    %add3A_20 = vector.broadcast %get3A_19 : vector<1x128xf32> to vector<2000x128xf32>
    %add3A_21 = arith.addf %dot_general3A_16, %add3A_20 : vector<2000x128xf32>
    %max3A = arith.constant 0.000000e+00 : f32
    %max3A_22 = vector.broadcast %max3A : f32 to vector<2000x128xf32>
    %max3A_23 = arith.maximumf %add3A_21, %max3A_22 : vector<2000x128xf32>
    %get3A_24 = arith.constant 0 : index
    %get3A_25 = arith.constant 0 : index
    %get3A_26 = vector.load %arg7[%get3A_24, %get3A_25] : memref<128x128xf32, #tpu.memory_space<vmem>>, vector<128x128xf32>
    %dot_general3A_27 = arith.constant dense<0.000000e+00> : vector<2000x128xf32>
    %dot_general3A_28 = tpu.matmul %max3A_23, %get3A_26, %dot_general3A_27 {dimension_numbers = #tpu.dot_dimension_numbers<[1], [0], [0], [1], [0, 0, 1, 1], [], []>, transpose_lhs_hint = false} : vector<2000x128xf32>, vector<128x128xf32>, vector<2000x128xf32> -> vector<2000x128xf32>
    %get3A_29 = arith.constant 0 : index
    %get3A_30 = arith.constant 0 : index
    %get3A_31 = vector.load %arg8[%get3A_29, %get3A_30] : memref<1x128xf32, #tpu.memory_space<vmem>>, vector<1x128xf32>
    %add3A_32 = vector.broadcast %get3A_31 : vector<1x128xf32> to vector<2000x128xf32>
    %add3A_33 = arith.addf %dot_general3A_28, %add3A_32 : vector<2000x128xf32>
    %max3A_34 = arith.constant 0.000000e+00 : f32
    %max3A_35 = vector.broadcast %max3A_34 : f32 to vector<2000x128xf32>
    %max3A_36 = arith.maximumf %add3A_33, %max3A_35 : vector<2000x128xf32>
    %get3A_37 = arith.constant 0 : index
    %get3A_38 = arith.constant 0 : index
    %get3A_39 = vector.load %arg9[%get3A_37, %get3A_38] : memref<1x128xf32, #tpu.memory_space<vmem>>, vector<1x128xf32>
    %mul3A_40 = arith.constant 0.999994993 : f32
    %mul3A_41 = vector.broadcast %mul3A_40 : f32 to vector<1x128xf32>
    %mul3A_42 = arith.mulf %get3A_39, %mul3A_41 : vector<1x128xf32>
    %mul3A_43 = vector.broadcast %mul3A_42 : vector<1x128xf32> to vector<2000x128xf32>
    %mul3A_44 = arith.mulf %max3A_36, %mul3A_43 : vector<2000x128xf32>
    %get3A_45 = arith.constant 0 : index
    %get3A_46 = arith.constant 0 : index
    %get3A_47 = vector.load %arg10[%get3A_45, %get3A_46] : memref<1x128xf32, #tpu.memory_space<vmem>>, vector<1x128xf32>
    %add3A_48 = vector.broadcast %get3A_47 : vector<1x128xf32> to vector<2000x128xf32>
    %add3A_49 = arith.addf %mul3A_44, %add3A_48 : vector<2000x128xf32>
    %swap3A = arith.constant 0 : index
    %swap3A_50 = arith.constant 0 : index
    %swap3A_51 = vector.load %arg11[%swap3A, %swap3A_50] : memref<2000x128xf32, #tpu.memory_space<vmem>>, vector<2000x128xf32>
    tpu.vector_store %arg11[%swap3A, %swap3A_50], %add3A_49 {strides = array<i32>} : memref<2000x128xf32, #tpu.memory_space<vmem>>, vector<2000x128xf32>,
    return
  }
  func.func @transform_0(%arg0: i32) -> (i32, i32) {
    %c0_i32 = arith.constant 0 : i32
    %c0_i32_0 = arith.constant 0 : i32
    return %arg0, %c0_i32 : i32, i32
  }
  func.func @transform_1(%arg0: i32) -> (i32, i32) {
    %c0_i32 = arith.constant 0 : i32
    %c0_i32_0 = arith.constant 0 : i32
    return %arg0, %c0_i32 : i32, i32
  }
  func.func @transform_2(%arg0: i32) -> (i32, i32) {
    %c0_i32 = arith.constant 0 : i32
    %c0_i32_0 = arith.constant 0 : i32
    return %arg0, %c0_i32 : i32, i32
  }
  func.func @transform_3(%arg0: i32) -> (i32, i32) {
    %c0_i32 = arith.constant 0 : i32
    %c0_i32_0 = arith.constant 0 : i32
    %c0_i32_1 = arith.constant 0 : i32
    return %c0_i32, %c0_i32_0 : i32, i32
  }
  func.func @transform_4(%arg0: i32) -> (i32, i32) {
    %c0_i32 = arith.constant 0 : i32
    %c0_i32_0 = arith.constant 0 : i32
    %c0_i32_1 = arith.constant 0 : i32
    return %c0_i32, %c0_i32_0 : i32, i32
  }
  func.func @transform_5(%arg0: i32) -> (i32, i32) {
    %c0_i32 = arith.constant 0 : i32
    %c0_i32_0 = arith.constant 0 : i32
    %c0_i32_1 = arith.constant 0 : i32
    return %c0_i32, %c0_i32_0 : i32, i32
  }
  func.func @transform_6(%arg0: i32) -> (i32, i32) {
    %c0_i32 = arith.constant 0 : i32
    %c0_i32_0 = arith.constant 0 : i32
    %c0_i32_1 = arith.constant 0 : i32
    return %c0_i32, %c0_i32_0 : i32, i32
  }
  func.func @transform_7(%arg0: i32) -> (i32, i32) {
    %c0_i32 = arith.constant 0 : i32
    %c0_i32_0 = arith.constant 0 : i32
    %c0_i32_1 = arith.constant 0 : i32
    return %c0_i32, %c0_i32_0 : i32, i32
  }
  func.func @transform_8(%arg0: i32) -> (i32, i32) {
    %c0_i32 = arith.constant 0 : i32
    %c0_i32_0 = arith.constant 0 : i32
    %c0_i32_1 = arith.constant 0 : i32
    return %c0_i32, %c0_i32_0 : i32, i32
  }
  func.func @transform_9(%arg0: i32) -> (i32, i32) {
    %c0_i32 = arith.constant 0 : i32
    %c0_i32_0 = arith.constant 0 : i32
    %c0_i32_1 = arith.constant 0 : i32
    return %c0_i32, %c0_i32_0 : i32, i32
  }
  func.func @transform_10(%arg0: i32) -> (i32, i32) {
    %c0_i32 = arith.constant 0 : i32
    %c0_i32_0 = arith.constant 0 : i32
    return %arg0, %c0_i32 : i32, i32
  }
}

module attributes {stable_mosaic.version = 14 : i64} {
  func.func @body(%arg0: i32, %arg1: memref<1x1x1000xi32, #tpu.memory_space<vmem>>, %arg2: memref<1000x128xf32, #tpu.memory_space<vmem>>, %arg3: memref<1000x128xf32, #tpu.memory_space<vmem>>, %arg4: memref<1000x128xf32, #tpu.memory_space<vmem>>, %arg5: memref<128x128xf32, #tpu.memory_space<vmem>>, %arg6: memref<128x128xf32, #tpu.memory_space<vmem>>, %arg7: memref<128x128xf32, #tpu.memory_space<vmem>>, %arg8: memref<1x128xf32, #tpu.memory_space<vmem>>, %arg9: memref<128x128xf32, #tpu.memory_space<vmem>>, %arg10: memref<1x128xf32, #tpu.memory_space<vmem>>, %arg11: memref<64x128xf32, #tpu.memory_space<vmem>>, %arg12: memref<64x128xf32, #tpu.memory_space<vmem>>, %arg13: memref<64x128xf32, #tpu.memory_space<vmem>>, %arg14: memref<64x128xf32, #tpu.memory_space<vmem>>, %arg15: memref<64x128xf32, #tpu.memory_space<vmem>>) attributes {dimension_semantics = [#tpu.dimension_semantics<arbitrary>], iteration_bounds = array<i64: 10>, scalar_prefetch = 0 : i64, scratch_operands = 4 : i64, tpu.core_type = #tpu.core_type<tc>, window_params = [{transform_indices = @transform_0, window_bounds = array<i64: 1, 1, 1000>}, {transform_indices = @transform_1, window_bounds = array<i64: 1000, 128>}, {transform_indices = @transform_2, window_bounds = array<i64: 1000, 128>}, {transform_indices = @transform_3, window_bounds = array<i64: 1000, 128>}, {pipeline_mode = #tpu.pipeline_mode<synchronous>, transform_indices = @transform_4, window_bounds = array<i64: 128, 128>}, {pipeline_mode = #tpu.pipeline_mode<synchronous>, transform_indices = @transform_5, window_bounds = array<i64: 128, 128>}, {pipeline_mode = #tpu.pipeline_mode<synchronous>, transform_indices = @transform_6, window_bounds = array<i64: 128, 128>}, {pipeline_mode = #tpu.pipeline_mode<synchronous>, transform_indices = @transform_7, window_bounds = array<i64: 1, 128>}, {pipeline_mode = #tpu.pipeline_mode<synchronous>, transform_indices = @transform_8, window_bounds = array<i64: 128, 128>}, {pipeline_mode = #tpu.pipeline_mode<synchronous>, transform_indices = @transform_9, window_bounds = array<i64: 1, 128>}, {pipeline_mode = #tpu.pipeline_mode<synchronous>, transform_indices = @transform_10, window_bounds = array<i64: 64, 128>}]} {
    %eq3A = arith.constant 0 : i32
    %eq3A_0 = arith.cmpi eq, %arg0, %eq3A : i32
    %convert_element_type3A = arith.extui %eq3A_0 : i1 to i32
    %cond3A = arith.constant 0 : i32
    %cond3A_1 = arith.cmpi ne, %convert_element_type3A, %cond3A : i32
    scf.if %cond3A_1 {
      %broadcast_in_dim3A_58 = arith.constant 0.000000e+00 : f32
      %broadcast_in_dim3A_59 = vector.broadcast %broadcast_in_dim3A_58 : f32 to vector<64x128xf32>
      %swap3A_60 = arith.constant 0 : index
      %swap3A_61 = arith.constant 0 : index
      %swap3A_62 = vector.load %arg12[%swap3A_60, %swap3A_61] : memref<64x128xf32, #tpu.memory_space<vmem>>, vector<64x128xf32>
      tpu.vector_store %arg12[%swap3A_60, %swap3A_61], %broadcast_in_dim3A_59 {strides = array<i32>} : memref<64x128xf32, #tpu.memory_space<vmem>>, vector<64x128xf32>,
      %broadcast_in_dim3A_63 = arith.constant 0.000000e+00 : f32
      %broadcast_in_dim3A_64 = vector.broadcast %broadcast_in_dim3A_63 : f32 to vector<64x128xf32>
      %swap3A_65 = arith.constant 0 : index
      %swap3A_66 = arith.constant 0 : index
      %swap3A_67 = vector.load %arg13[%swap3A_65, %swap3A_66] : memref<64x128xf32, #tpu.memory_space<vmem>>, vector<64x128xf32>
      tpu.vector_store %arg13[%swap3A_65, %swap3A_66], %broadcast_in_dim3A_64 {strides = array<i32>} : memref<64x128xf32, #tpu.memory_space<vmem>>, vector<64x128xf32>,
      %broadcast_in_dim3A_68 = arith.constant 0.000000e+00 : f32
      %broadcast_in_dim3A_69 = vector.broadcast %broadcast_in_dim3A_68 : f32 to vector<64x128xf32>
      %swap3A_70 = arith.constant 0 : index
      %swap3A_71 = arith.constant 0 : index
      %swap3A_72 = vector.load %arg14[%swap3A_70, %swap3A_71] : memref<64x128xf32, #tpu.memory_space<vmem>>, vector<64x128xf32>
      tpu.vector_store %arg14[%swap3A_70, %swap3A_71], %broadcast_in_dim3A_69 {strides = array<i32>} : memref<64x128xf32, #tpu.memory_space<vmem>>, vector<64x128xf32>,
      %broadcast_in_dim3A_73 = arith.constant 0.000000e+00 : f32
      %broadcast_in_dim3A_74 = vector.broadcast %broadcast_in_dim3A_73 : f32 to vector<64x128xf32>
      %swap3A_75 = arith.constant 0 : index
      %swap3A_76 = arith.constant 0 : index
      %swap3A_77 = vector.load %arg15[%swap3A_75, %swap3A_76] : memref<64x128xf32, #tpu.memory_space<vmem>>, vector<64x128xf32>
      tpu.vector_store %arg15[%swap3A_75, %swap3A_76], %broadcast_in_dim3A_74 {strides = array<i32>} : memref<64x128xf32, #tpu.memory_space<vmem>>, vector<64x128xf32>,
    } else {
    }
    %get3A = arith.constant 0 : index
    %get3A_2 = arith.constant 0 : index
    %get3A_3 = arith.constant 0 : index
    %get3A_4 = vector.load %arg1[%get3A, %get3A_2, %get3A_3] : memref<1x1x1000xi32, #tpu.memory_space<vmem>>, vector<1x1x1000xi32>
    %get3A_5 = vector.shape_cast %get3A_4 : vector<1x1x1000xi32> to vector<1x1000xi32>
    %iota3A = tpu.iota {dimensions = array<i32: 0>} : vector<64x1000xi32>
    %eq3A_6 = vector.broadcast %get3A_5 : vector<1x1000xi32> to vector<64x1000xi32>
    %eq3A_7 = arith.cmpi eq, %iota3A, %eq3A_6 : vector<64x1000xi32>
    %convert_element_type3A_8 = arith.extui %eq3A_7 : vector<64x1000xi1> to vector<64x1000xi32>
    %convert_element_type3A_9 = arith.sitofp %convert_element_type3A_8 : vector<64x1000xi32> to vector<64x1000xf32>
    %get3A_10 = arith.constant 0 : index
    %get3A_11 = arith.constant 0 : index
    %get3A_12 = vector.load %arg12[%get3A_10, %get3A_11] : memref<64x128xf32, #tpu.memory_space<vmem>>, vector<64x128xf32>
    %get3A_13 = arith.constant 0 : index
    %get3A_14 = arith.constant 0 : index
    %get3A_15 = vector.load %arg2[%get3A_13, %get3A_14] : memref<1000x128xf32, #tpu.memory_space<vmem>>, vector<1000x128xf32>
    %dot_general3A = arith.constant dense<0.000000e+00> : vector<64x128xf32>
    %dot_general3A_16 = tpu.matmul %convert_element_type3A_9, %get3A_15, %dot_general3A {dimension_numbers = #tpu.dot_dimension_numbers<[1], [0], [0], [1], [0, 0, 1, 1], [], []>, transpose_lhs_hint = false} : vector<64x1000xf32>, vector<1000x128xf32>, vector<64x128xf32> -> vector<64x128xf32>
    %add3A = arith.addf %get3A_12, %dot_general3A_16 : vector<64x128xf32>
    %swap3A = arith.constant 0 : index
    %swap3A_17 = arith.constant 0 : index
    %swap3A_18 = vector.load %arg12[%swap3A, %swap3A_17] : memref<64x128xf32, #tpu.memory_space<vmem>>, vector<64x128xf32>
    tpu.vector_store %arg12[%swap3A, %swap3A_17], %add3A {strides = array<i32>} : memref<64x128xf32, #tpu.memory_space<vmem>>, vector<64x128xf32>,
    %get3A_19 = arith.constant 0 : index
    %get3A_20 = arith.constant 0 : index
    %get3A_21 = vector.load %arg13[%get3A_19, %get3A_20] : memref<64x128xf32, #tpu.memory_space<vmem>>, vector<64x128xf32>
    %get3A_22 = arith.constant 0 : index
    %get3A_23 = arith.constant 0 : index
    %get3A_24 = vector.load %arg3[%get3A_22, %get3A_23] : memref<1000x128xf32, #tpu.memory_space<vmem>>, vector<1000x128xf32>
    %dot_general3A_25 = arith.constant dense<0.000000e+00> : vector<64x128xf32>
    %dot_general3A_26 = tpu.matmul %convert_element_type3A_9, %get3A_24, %dot_general3A_25 {dimension_numbers = #tpu.dot_dimension_numbers<[1], [0], [0], [1], [0, 0, 1, 1], [], []>, transpose_lhs_hint = false} : vector<64x1000xf32>, vector<1000x128xf32>, vector<64x128xf32> -> vector<64x128xf32>
    %add3A_27 = arith.addf %get3A_21, %dot_general3A_26 : vector<64x128xf32>
    %swap3A_28 = arith.constant 0 : index
    %swap3A_29 = arith.constant 0 : index
    %swap3A_30 = vector.load %arg13[%swap3A_28, %swap3A_29] : memref<64x128xf32, #tpu.memory_space<vmem>>, vector<64x128xf32>
    tpu.vector_store %arg13[%swap3A_28, %swap3A_29], %add3A_27 {strides = array<i32>} : memref<64x128xf32, #tpu.memory_space<vmem>>, vector<64x128xf32>,
    %get3A_31 = arith.constant 0 : index
    %get3A_32 = arith.constant 0 : index
    %get3A_33 = vector.load %arg14[%get3A_31, %get3A_32] : memref<64x128xf32, #tpu.memory_space<vmem>>, vector<64x128xf32>
    %get3A_34 = arith.constant 0 : index
    %get3A_35 = arith.constant 0 : index
    %get3A_36 = vector.load %arg4[%get3A_34, %get3A_35] : memref<1000x128xf32, #tpu.memory_space<vmem>>, vector<1000x128xf32>
    %dot_general3A_37 = arith.constant dense<0.000000e+00> : vector<64x128xf32>
    %dot_general3A_38 = tpu.matmul %convert_element_type3A_9, %get3A_36, %dot_general3A_37 {dimension_numbers = #tpu.dot_dimension_numbers<[1], [0], [0], [1], [0, 0, 1, 1], [], []>, transpose_lhs_hint = false} : vector<64x1000xf32>, vector<1000x128xf32>, vector<64x128xf32> -> vector<64x128xf32>
    %add3A_39 = arith.addf %get3A_33, %dot_general3A_38 : vector<64x128xf32>
    %swap3A_40 = arith.constant 0 : index
    %swap3A_41 = arith.constant 0 : index
    %swap3A_42 = vector.load %arg14[%swap3A_40, %swap3A_41] : memref<64x128xf32, #tpu.memory_space<vmem>>, vector<64x128xf32>
    tpu.vector_store %arg14[%swap3A_40, %swap3A_41], %add3A_39 {strides = array<i32>} : memref<64x128xf32, #tpu.memory_space<vmem>>, vector<64x128xf32>,
    %get3A_43 = arith.constant 0 : index
    %get3A_44 = arith.constant 0 : index
    %get3A_45 = vector.load %arg15[%get3A_43, %get3A_44] : memref<64x128xf32, #tpu.memory_space<vmem>>, vector<64x128xf32>
    %broadcast_in_dim3A = arith.constant 1.000000e+00 : f32
    %broadcast_in_dim3A_46 = vector.broadcast %broadcast_in_dim3A : f32 to vector<1000x128xf32>
    %dot_general3A_47 = arith.constant dense<0.000000e+00> : vector<64x128xf32>
    %dot_general3A_48 = tpu.matmul %convert_element_type3A_9, %broadcast_in_dim3A_46, %dot_general3A_47 {dimension_numbers = #tpu.dot_dimension_numbers<[1], [0], [0], [1], [0, 0, 1, 1], [], []>, transpose_lhs_hint = false} : vector<64x1000xf32>, vector<1000x128xf32>, vector<64x128xf32> -> vector<64x128xf32>
    %add3A_49 = arith.addf %get3A_45, %dot_general3A_48 : vector<64x128xf32>
    %swap3A_50 = arith.constant 0 : index
    %swap3A_51 = arith.constant 0 : index
    %swap3A_52 = vector.load %arg15[%swap3A_50, %swap3A_51] : memref<64x128xf32, #tpu.memory_space<vmem>>, vector<64x128xf32>
    tpu.vector_store %arg15[%swap3A_50, %swap3A_51], %add3A_49 {strides = array<i32>} : memref<64x128xf32, #tpu.memory_space<vmem>>, vector<64x128xf32>,
    %eq3A_53 = arith.constant 9 : i32
    %eq3A_54 = arith.cmpi eq, %arg0, %eq3A_53 : i32
    %convert_element_type3A_55 = arith.extui %eq3A_54 : i1 to i32
    %cond3A_56 = arith.constant 0 : i32
    %cond3A_57 = arith.cmpi ne, %convert_element_type3A_55, %cond3A_56 : i32
    scf.if %cond3A_57 {
      %get3A_58 = arith.constant 0 : index
      %get3A_59 = arith.constant 0 : index
      %get3A_60 = vector.load %arg15[%get3A_58, %get3A_59] : memref<64x128xf32, #tpu.memory_space<vmem>>, vector<64x1xf32>
      %max3A = arith.constant 1.000000e+00 : f32
      %max3A_61 = vector.broadcast %max3A : f32 to vector<64x1xf32>
      %max3A_62 = arith.maximumf %get3A_60, %max3A_61 : vector<64x1xf32>
      %div3A = arith.constant 1.000000e+00 : f32
      %div3A_63 = vector.broadcast %div3A : f32 to vector<64x1xf32>
      %div3A_64 = arith.divf %div3A_63, %max3A_62 : vector<64x1xf32>
      %get3A_65 = arith.constant 0 : index
      %get3A_66 = arith.constant 0 : index
      %get3A_67 = vector.load %arg12[%get3A_65, %get3A_66] : memref<64x128xf32, #tpu.memory_space<vmem>>, vector<64x128xf32>
      %mul3A = vector.broadcast %div3A_64 : vector<64x1xf32> to vector<64x128xf32>
      %mul3A_68 = arith.mulf %get3A_67, %mul3A : vector<64x128xf32>
      %get3A_69 = arith.constant 0 : index
      %get3A_70 = arith.constant 0 : index
      %get3A_71 = vector.load %arg13[%get3A_69, %get3A_70] : memref<64x128xf32, #tpu.memory_space<vmem>>, vector<64x128xf32>
      %mul3A_72 = vector.broadcast %div3A_64 : vector<64x1xf32> to vector<64x128xf32>
      %mul3A_73 = arith.mulf %get3A_71, %mul3A_72 : vector<64x128xf32>
      %get3A_74 = arith.constant 0 : index
      %get3A_75 = arith.constant 0 : index
      %get3A_76 = vector.load %arg14[%get3A_74, %get3A_75] : memref<64x128xf32, #tpu.memory_space<vmem>>, vector<64x128xf32>
      %mul3A_77 = vector.broadcast %div3A_64 : vector<64x1xf32> to vector<64x128xf32>
      %mul3A_78 = arith.mulf %get3A_76, %mul3A_77 : vector<64x128xf32>
      %get3A_79 = arith.constant 0 : index
      %get3A_80 = arith.constant 0 : index
      %get3A_81 = vector.load %arg5[%get3A_79, %get3A_80] : memref<128x128xf32, #tpu.memory_space<vmem>>, vector<128x128xf32>
      %dot_general3A_82 = arith.constant dense<0.000000e+00> : vector<64x128xf32>
      %dot_general3A_83 = tpu.matmul %mul3A_68, %get3A_81, %dot_general3A_82 {dimension_numbers = #tpu.dot_dimension_numbers<[1], [0], [0], [1], [0, 0, 1, 1], [], []>, transpose_lhs_hint = false} : vector<64x128xf32>, vector<128x128xf32>, vector<64x128xf32> -> vector<64x128xf32>
      %get3A_84 = arith.constant 0 : index
      %get3A_85 = arith.constant 0 : index
      %get3A_86 = vector.load %arg6[%get3A_84, %get3A_85] : memref<128x128xf32, #tpu.memory_space<vmem>>, vector<128x128xf32>
      %dot_general3A_87 = arith.constant dense<0.000000e+00> : vector<64x128xf32>
      %dot_general3A_88 = tpu.matmul %mul3A_73, %get3A_86, %dot_general3A_87 {dimension_numbers = #tpu.dot_dimension_numbers<[1], [0], [0], [1], [0, 0, 1, 1], [], []>, transpose_lhs_hint = false} : vector<64x128xf32>, vector<128x128xf32>, vector<64x128xf32> -> vector<64x128xf32>
      %add3A_89 = arith.addf %dot_general3A_83, %dot_general3A_88 : vector<64x128xf32>
      %get3A_90 = arith.constant 0 : index
      %get3A_91 = arith.constant 0 : index
      %get3A_92 = vector.load %arg7[%get3A_90, %get3A_91] : memref<128x128xf32, #tpu.memory_space<vmem>>, vector<128x128xf32>
      %dot_general3A_93 = arith.constant dense<0.000000e+00> : vector<64x128xf32>
      %dot_general3A_94 = tpu.matmul %mul3A_78, %get3A_92, %dot_general3A_93 {dimension_numbers = #tpu.dot_dimension_numbers<[1], [0], [0], [1], [0, 0, 1, 1], [], []>, transpose_lhs_hint = false} : vector<64x128xf32>, vector<128x128xf32>, vector<64x128xf32> -> vector<64x128xf32>
      %add3A_95 = arith.addf %add3A_89, %dot_general3A_94 : vector<64x128xf32>
      %get3A_96 = arith.constant 0 : index
      %get3A_97 = arith.constant 0 : index
      %get3A_98 = vector.load %arg8[%get3A_96, %get3A_97] : memref<1x128xf32, #tpu.memory_space<vmem>>, vector<1x128xf32>
      %add3A_99 = vector.broadcast %get3A_98 : vector<1x128xf32> to vector<64x128xf32>
      %add3A_100 = arith.addf %add3A_95, %add3A_99 : vector<64x128xf32>
      %max3A_101 = arith.constant 0.000000e+00 : f32
      %max3A_102 = vector.broadcast %max3A_101 : f32 to vector<64x128xf32>
      %max3A_103 = arith.maximumf %add3A_100, %max3A_102 : vector<64x128xf32>
      %get3A_104 = arith.constant 0 : index
      %get3A_105 = arith.constant 0 : index
      %get3A_106 = vector.load %arg9[%get3A_104, %get3A_105] : memref<128x128xf32, #tpu.memory_space<vmem>>, vector<128x128xf32>
      %dot_general3A_107 = arith.constant dense<0.000000e+00> : vector<64x128xf32>
      %dot_general3A_108 = tpu.matmul %max3A_103, %get3A_106, %dot_general3A_107 {dimension_numbers = #tpu.dot_dimension_numbers<[1], [0], [0], [1], [0, 0, 1, 1], [], []>, transpose_lhs_hint = false} : vector<64x128xf32>, vector<128x128xf32>, vector<64x128xf32> -> vector<64x128xf32>
      %get3A_109 = arith.constant 0 : index
      %get3A_110 = arith.constant 0 : index
      %get3A_111 = vector.load %arg10[%get3A_109, %get3A_110] : memref<1x128xf32, #tpu.memory_space<vmem>>, vector<1x128xf32>
      %add3A_112 = vector.broadcast %get3A_111 : vector<1x128xf32> to vector<64x128xf32>
      %add3A_113 = arith.addf %dot_general3A_108, %add3A_112 : vector<64x128xf32>
      %swap3A_114 = arith.constant 0 : index
      %swap3A_115 = arith.constant 0 : index
      %swap3A_116 = vector.load %arg11[%swap3A_114, %swap3A_115] : memref<64x128xf32, #tpu.memory_space<vmem>>, vector<64x128xf32>
      tpu.vector_store %arg11[%swap3A_114, %swap3A_115], %add3A_113 {strides = array<i32>} : memref<64x128xf32, #tpu.memory_space<vmem>>, vector<64x128xf32>,
    } else {
    }
    return
  }
  func.func @transform_0(%arg0: i32) -> (i32, i32, i32) {
    %c0_i32 = arith.constant 0 : i32
    %c0_i32_0 = arith.constant 0 : i32
    %c0_i32_1 = arith.constant 0 : i32
    return %arg0, %c0_i32, %c0_i32_0 : i32, i32, i32
  }
  func.func @transform_1(%arg0: i32) -> (i32, i32) {
    %c0_i32 = arith.constant 0 : i32
    %c0_i32_0 = arith.constant 0 : i32
    return %arg0, %c0_i32 : i32, i32
  }
  func.func @transform_2(%arg0: i32) -> (i32, i32) {
    %c0_i32 = arith.constant 0 : i32
    %c0_i32_0 = arith.constant 0 : i32
    return %arg0, %c0_i32 : i32, i32
  }
  func.func @transform_3(%arg0: i32) -> (i32, i32) {
    %c0_i32 = arith.constant 0 : i32
    %c0_i32_0 = arith.constant 0 : i32
    return %arg0, %c0_i32 : i32, i32
  }
  func.func @transform_4(%arg0: i32) -> (i32, i32) {
    %c0_i32 = arith.constant 0 : i32
    %c0_i32_0 = arith.constant 0 : i32
    %c0_i32_1 = arith.constant 0 : i32
    return %c0_i32, %c0_i32_0 : i32, i32
  }
  func.func @transform_5(%arg0: i32) -> (i32, i32) {
    %c0_i32 = arith.constant 0 : i32
    %c0_i32_0 = arith.constant 0 : i32
    %c0_i32_1 = arith.constant 0 : i32
    return %c0_i32, %c0_i32_0 : i32, i32
  }
  func.func @transform_6(%arg0: i32) -> (i32, i32) {
    %c0_i32 = arith.constant 0 : i32
    %c0_i32_0 = arith.constant 0 : i32
    %c0_i32_1 = arith.constant 0 : i32
    return %c0_i32, %c0_i32_0 : i32, i32
  }
  func.func @transform_7(%arg0: i32) -> (i32, i32) {
    %c0_i32 = arith.constant 0 : i32
    %c0_i32_0 = arith.constant 0 : i32
    %c0_i32_1 = arith.constant 0 : i32
    return %c0_i32, %c0_i32_0 : i32, i32
  }
  func.func @transform_8(%arg0: i32) -> (i32, i32) {
    %c0_i32 = arith.constant 0 : i32
    %c0_i32_0 = arith.constant 0 : i32
    %c0_i32_1 = arith.constant 0 : i32
    return %c0_i32, %c0_i32_0 : i32, i32
  }
  func.func @transform_9(%arg0: i32) -> (i32, i32) {
    %c0_i32 = arith.constant 0 : i32
    %c0_i32_0 = arith.constant 0 : i32
    %c0_i32_1 = arith.constant 0 : i32
    return %c0_i32, %c0_i32_0 : i32, i32
  }
  func.func @transform_10(%arg0: i32) -> (i32, i32) {
    %c0_i32 = arith.constant 0 : i32
    %c0_i32_0 = arith.constant 0 : i32
    %c0_i32_1 = arith.constant 0 : i32
    return %c0_i32, %c0_i32_0 : i32, i32
  }
}

</mosaic_0001>

<sc_bundles>
// kernel: kernel.10.cloned.1.call-start
scs
__scs_entry_jumppad:
0x0: {  	(pc) =	sbr.rel $0x88, $3  }
0x1: {  	(tag) =	ssettag $0x0;
	lr =	simm.s32 $0x1  }
0x2: {  	[smem:$0x3F78] =	sst lr;
	_ =	strace $0xD0000000  }
0x3: {  	_ = 	snop  }
0x4: {  	_ = 	snop  }
0x5: {  	_ = 	snop  }
0x6: {  	_ = 	snop  }
0x7: {  	_ = 	snop  }
__scs_overlays_trampoline_lowered:
0x8: {  	[smem:$0x3F87] =	sst s0  }
0x9: {  	[smem:$0x3F88] =	sst s1  }
0xa: {  	[smem:$0x3F89] =	sst s2  }
0xb: {  	[smem:$0x3F8A] =	sst s3  }
0xc: {  	[smem:$0x3F8B] =	sst s4  }
0xd: {  	[smem:$0x3F8C] =	sst s5  }
0xe: {  	[smem:$0x3F8D] =	sst s6  }
0xf: {  	[smem:$0x3F8E] =	sst s7  }
0x10: {  	[smem:$0x3F8F] =	sst s8  }
0x11: {  	[smem:$0x3F90] =	sst s9;
	s0 =	simm.s32 @!p0 $0x0  }
0x12: {  	s1 =	sld [smem:$0x3F76];
	s0 =	simm.s32 @p0 $0x1  }
0x13: {  	[smem:$0x3F91] =	sst s0;
	s0 =	simm.s32 @!p1 $0x0  }
0x14: {  	s2 =	sld [smem:$0x3F75];
	s0 =	simm.s32 @p1 $0x1  }
0x15: {  	[smem:$0x3F92] =	sst s0;
	s0 =	simm.s32 @!p2 $0x0  }
0x16: {  	s3 =	sld [smem:$0x3FDB];
	s0 =	simm.s32 @p2 $0x1  }
0x17: {  	s4 =	simm.s32 $0x1BF5;
	[smem:$0x3F94] =	sst s0  }
0x18: {  	s0 =	sld [smem:$0x3F77];
	_ =	swait.ge [sflag:s4], $0x0  }
0x19: {  	s7 =	sld [smem:$0x3F78]  }
0x1a: {  	s8 =	sadd.s32 $0xFFFFE003, lr  }
0x1b: {  	s9 =	sadd.s32 $0xFFFFFEF7, lr;
	s5 =	simm.s32 $0xFFFFFFFF;
	p2 =	slt.u32 s8, $0xFFFFF086  }
0x1c: {  	p1 =	slt.u32 s9, $0xF7A;
	s5 =	simm.s32 @!p2 $0x0  }
0x1d: {  	s5 =	simm.s32 @p1 $0x1;
	p0 =	seq.s32 s7, s2  }
0x1e: {  	s7 =	smul.u32 @!p0 $0xF7A, s2;
	p2 =	seq.s32 @!p0 s5, $0x0  }
0x1f: {  	s9 =	smul.u32 $0xF7A, s1;
	s8 =	simm.s32 @!p0 $0x1BF5;
	p2 =	por !p2, p0  }
0x20: {  	[sflag:s8] =	ssyncset.s32 @!p0 $0xFFFFF086;
	s6 =	sadd.s32 @!p0 s3, s7;
	s7 =	simm.s32 @!p0 $0x108  }
0x21: {  	s3 =	sadd.s32 s3, s9;
	s6 =	sadd.s32 @!p0 $0x88, s6;
	s7 =	simm.s32 @p2 $0x1082  }
0x22: {  	[simem:s7], [sflag:s8] =	dma.local @!p0 [hbm:s6], $0xF7A  }
0x23: {  	s9 =	sor.u32 $0xD0000000, s2;
	s6 =	simm.s32 $0x108;
	_ =	swait.ge @!p0 [sflag:s8], $0x0  }
0x24: {  	s3 =	sadd.s32 $0x88, s3;
	s6 =	simm.s32 @!p1 $0x1082;
	[sflag:s4] =	ssyncset.s32 $0xFFFFF086  }
0x25: {  	[simem:s6], [sflag:s4] =	dma.local [hbm:s3], $0xF7A  }
0x26: {  	[smem:$0x3F78] =	sst s1;
	(tag) =	ssettag s2;
	_ =	strace s9  }
0x27: {  	s1 =	sld [smem:$0x3F88]  }
0x28: {  	s2 =	sld [smem:$0x3F89]  }
0x29: {  	s4 =	sld [smem:$0x3F8B]  }
0x2a: {  	p0 =	seq.s32 s5, $0x0;
	s5 =	sld [smem:$0x3F8C]  }
0x2b: {  	s6 =	sld [smem:$0x3F8D]  }
0x2c: {  	s7 =	sld [smem:$0x3F8E]  }
0x2d: {  	s3 =	simm.s32 $0x108;
	s8 =	sld [smem:$0x3F8F]  }
0x2e: {  	s3 =	simm.s32 @!p0 $0x1082;
	s9 =	sld [smem:$0x3F90]  }
0x2f: {  	lr =	sadd.s32 s0, s3;
	s0 =	sld [smem:$0x3F87]  }
0x30: {  	s3 =	sld [smem:$0x3F8A]  }
0x31: {  	[smem:$0x3F93] =	sst s10  }
0x32: {  	s10 =	sld [smem:$0x3F91];
	_ =	sdelay $0x3  }
0x33: {  	p0 =	seq.s32 s10, $0x1;
	s10 =	sld [smem:$0x3F93];
	_ =	sdelay $0x3  }
0x34: {  	[smem:$0x3F93] =	sst s10  }
0x35: {  	s10 =	sld [smem:$0x3F92];
	_ =	sdelay $0x3  }
0x36: {  	p1 =	seq.s32 s10, $0x1;
	s10 =	sld [smem:$0x3F93];
	_ =	sdelay $0x3  }
0x37: {  	[smem:$0x3F93] =	sst s10  }
0x38: {  	s10 =	sld [smem:$0x3F94]  }
0x39: {  	_ = 	snop;
	(pc) =	sbr.ind lr, $3  }
0x3a: {  	_ = 	snop  }
0x3b: {  	_ = 	snop  }
0x3c: {  	p2 =	seq.s32 s10, $0x1;
	s10 =	sld [smem:$0x3F93]  }
0x3d: {  	_ =	shalt  }
0x3e: {  	_ =	shalt  }
0x3f: {  	_ =	shalt  }
0x40: {  	_ =	shalt  }
0x41: {  	_ =	shalt  }
0x42: {  	_ =	shalt  }
0x43: {  	_ =	shalt  }
0x44: {  	_ =	shalt  }
0x45: {  	_ =	shalt  }
0x46: {  	_ =	shalt  }
0x47: {  	_ =	shalt  }
0x48: {  	_ =	shalt  }
0x49: {  	_ =	shalt  }
0x4a: {  	_ =	shalt  }
0x4b: {  	_ =	shalt  }
0x4c: {  	_ =	shalt  }
0x4d: {  	_ =	shalt  }
0x4e: {  	_ =	shalt  }
0x4f: {  	_ =	shalt  }
0x50: {  	_ =	shalt  }
0x51: {  	_ =	shalt  }
0x52: {  	_ =	shalt  }
0x53: {  	_ =	shalt  }
0x54: {  	_ =	shalt  }
0x55: {  	_ =	shalt  }
0x56: {  	_ =	shalt  }
0x57: {  	_ =	shalt  }
0x58: {  	_ =	shalt  }
0x59: {  	_ =	shalt  }
0x5a: {  	_ =	shalt  }
0x5b: {  	_ =	shalt  }
0x5c: {  	_ =	shalt  }
0x5d: {  	_ =	shalt  }
0x5e: {  	_ =	shalt  }
0x5f: {  	_ =	shalt  }
0x60: {  	_ =	shalt  }
0x61: {  	_ =	shalt  }
0x62: {  	_ =	shalt  }
0x63: {  	_ =	shalt  }
0x64: {  	_ =	shalt  }
0x65: {  	_ =	shalt  }
0x66: {  	_ =	shalt  }
0x67: {  	_ =	shalt  }
0x68: {  	_ =	shalt  }
0x69: {  	_ =	shalt  }
0x6a: {  	_ =	shalt  }
0x6b: {  	_ =	shalt  }
0x6c: {  	_ =	shalt  }
0x6d: {  	_ =	shalt  }
0x6e: {  	_ =	shalt  }
0x6f: {  	_ =	shalt  }
0x70: {  	_ =	shalt  }
0x71: {  	_ =	shalt  }
0x72: {  	_ =	shalt  }
0x73: {  	_ =	shalt  }
0x74: {  	_ =	shalt  }
0x75: {  	_ =	shalt  }
0x76: {  	_ =	shalt  }
0x77: {  	_ =	shalt  }
0x78: {  	_ =	shalt  }
0x79: {  	_ =	shalt  }
0x7a: {  	_ =	shalt  }
0x7b: {  	_ =	shalt  }
0x7c: {  	_ =	shalt  }
0x7d: {  	_ =	shalt  }
0x7e: {  	_ =	shalt  }
0x7f: {  	_ =	shalt  }
0x80: {  	_ =	shalt  }
0x81: {  	_ =	shalt  }
0x82: {  	_ =	shalt  }
0x83: {  	_ =	shalt  }
0x84: {  	_ =	shalt  }
0x85: {  	_ =	shalt  }
0x86: {  	_ =	shalt  }
0x87: {  	_ =	shalt  }
.Lfunc_end0:
.L_simem_size_0:
called_computation_lowered:
.L_overlay_start_0:
0x88: {  	s2 =	sld [smem:$0x3FD9]  }
0x89: {  	s3 =	sld [smem:$0x3FFE];
	_ =	sdelay $0x1  }
0x8a: {  	s1 =	srdreg.scid  }
0x8b: {  	s0 =	sand.u32 $0x1, s1  }
0x8c: {  	s17 =	sshll.u32 s0, $0xA;
	s2 =	sadd.s32 s3, s2  }
0x8d: {  	s2 =	sadd.s32 s2, s17  }
0x8e: {  	[smem:$0x3F9F] =	sst s2  }
0x8f: {  	_ = 	snop  }
0x90: {  	s2 =	sld [smem:$0x3FC9];
	(tm) =	ssettm $0x1  }
0x91: {  	s18 =	sld [smem:$0x3FFB];
	_ =	sdelay $0x3  }
0x92: {  	_ =	strace s18  }
0x93: {  	s3 =	sld [smem:$0x3FFC];
	_ =	sdelay $0x3  }
0x94: {  	_ =	strace s3  }
0x95: {  	s3 =	sld [smem:$0x3FFD];
	_ =	sdelay $0x3  }
0x96: {  	_ =	strace s3  }
0x97: {  	_ =	strace $0x8FFFFFFF  }
0x98: {  	s19 =	sld [smem:$0x3FDB];
	_ =	sdelay $0x1  }
0x99: {  	s4 =	simm.s32 $_scs_section_size  }
0x9a: {  	s5 =	simm.s32 $_size__tile_overlayer_lowered;
	s6 =	simm.s32 $_tile_overlayer_lowered  }
0x9b: {  	s22 =	simm.s32 $0x1BFF;
	s21 =	sshll.u32 s6, $0x1;
	s3 =	sadd.s32 s4, s19  }
0x9c: {  	s7 =	simm.s32 $0x0;
	s20 =	sshll.u32 s5, $0x1;
	s5 =	sadd.s32 s21, s3  }
0x9d: {  	[timem:s7], [sflag:s22] =	dma.local [hbm:s5], s20  }
0x9e: {  	_ =	swait.ge [sflag:s22], s20  }
0x9f: {  	s4 =	ssub.s32 $0x0, s20;
	[sflag:s22] =	ssyncset.done $0x0  }
0xa0: {  	[sflag:s22] =	ssyncadd.s32 s4;
	_ =	sdelay $0x1  }
0xa1: {  	s23 =	simm.s32 $0x1B8B  }
0xa2: {  	_ =	swait.ge [sflag:s23], $0x1  }
0xa3: {  	[sflag:s23] =	ssyncset.done $0x0  }
0xa4: {  	s25 =	simm.s32 $0x1B8E;
	s24 =	sld [smem:$0x3FFE];
	[sflag:s23] =	ssyncadd.s32 $0xFFFFFFFF  }
0xa5: {  	s26 =	simm.s32 $execute0_lowered;
	[smem:$0x3FD2] =	sst s25  }
0xa6: {  	s5 =	sshll.u32 s26, $0x1;
	_ =	strace $0x80000046;
	[dreg:$0x1] =	wrdreg $0xFFFFFFFF  }
0xa7: {  	s28 =	simm.s32 $_size_execute0_lowered;
	s3 =	sadd.s32 s3, s5;
	[dreg:$0x0] =	wrdreg $0x0  }
0xa8: {  	s5 =	sshll.u32 s28, $0x1;
	[dreg:$0x2] =	wrdreg s3  }
0xa9: {  	[dreg:$0x3] =	wrdreg s5  }
0xaa: {  	[dreg:$0x4] =	wrdreg $0xC0  }
0xab: {  	_ =	task [dreg:s7], $0x5FFFF  }
0xac: {  	[dreg:$0x1] =	wrdreg $0xFFFFFFFF  }
0xad: {  	[dreg:$0x0] =	wrdreg $0x60  }
0xae: {  	[dreg:$0x2] =	wrdreg s2  }
0xaf: {  	[dreg:$0x3] =	wrdreg s24  }
0xb0: {  	[dreg:$0x4] =	wrdreg $0x81000  }
0xb1: {  	[dreg:$0x5] =	wrdreg $0x9  }
0xb2: {  	_ =	task.clear_ibuf [dreg:s7], $0x6FFFF;
	_ =	strace $0x90000046  }
0xb3: {  	s29 =	simm.s32 $0x9;
	_ =	strace $0x80000048  }
0xb4: {  	_ =	swait.ge [sflag:s29], $0x1  }
0xb5: {  	[sflag:s29] =	ssyncadd.s32 $0xFFFFFFFF  }
0xb6: {  	_ =	strace $0x90000048  }
0xb7: {  	_ =	sfence  }
0xb8: {  	s30 =	sld [smem:$0x0];
	_ =	sdelay $0x2  }
0xb9: {  	s31 =	sshll.u32 s1, $0xD;
	s1 =	sshrl.u32 s1, $0x2  }
0xba: {  	s3 =	sand.u32 $0x4000, s31;
	s1 =	sadd.s32 s1, s30  }
0xbb: {  	s0 =	sor.u32 s3, s0;
	s1 =	sshll.u32 s1, $0x11  }
0xbc: {  	s0 =	sor.u32 s1, s0  }
0xbd: {  	s0 =	sadd.s32 $0x8F2B, s0  }
0xbe: {  	[sflag:s0] =	ssyncadd.remote.s32 $0x1  }
0xbf: {  	_ =	sfence.sel $0xFFFF  }
0xc0: {  	[dreg:$0x0] =	wrdreg $0xFFFFFFFF;
	(pc) =	sbr.abs _section_cstart, $3  }
0xc1: {  	[dreg:$0x1] =	wrdreg $0xFFFFFFFF  }
0xc2: {  	_ =	task.clear_ibuf [dreg:s7], $0x2FFFF;
	_ =	strace $0x9FFFFFFF  }
0xc3: {  	(tm) =	ssettm $0x7FFFFFFF  }
tec
execute0_lowered:
.L_overlay_start_1:
0x0: {  	(tag) =	ssettag $0x1  }
0x1: {  	s1 =	rddreg [dreg:$0x0]  }
0x2: {  	s8 =	rddreg [dreg:$0x1]  }
0x3: {  	s2 =	rddreg [dreg:$0x2]  }
0x4: {  	s0 =	rddreg [dreg:$0x3]  }
0x5: {  	s4 =	simm.s32 $0x0;
	s5 =	srdreg.scid;
	s3 =	stileid.u32  }
0x6: {  	s23 =	simm.s32 $0x100;
	s24 =	simm.s32 $0x1;
	s25 =	simm.s32 $0x0  }
0x7: {  	[smem:$0x7FF] =	sst s4;
	s10 =	sand.u32 $0x1, s5;
	s11 =	smul.u32 $0x50000, s3  }
0x8: {  	s5 =	sadd.s32 $0x9D9A00, s8;
	s6 =	sadd.s32 $0x7A00, s8;
	s13 =	smul.u32 $0x14000, s3  }
0x9: {  	s7 =	sadd.s32 $0x11800, s8;
	s18 =	sadd.s32 $0x1B600, s8;
	_ =	strace $0x80000047  }
0xa: {  	s9 =	ssub.s32 $0x2, s10;
	s28 =	sshll.u32 s10, $0x4;
	s20 =	smul.u32 $0x140000, s10  }
0xb: {  	s12 =	sshrl.u32 s9, $0x1;
	s29 =	sshrl.u32 s11, $0x2;
	s14 =	sadd.s32 $0x4000, s13  }
0xc: {  	s15 =	sor.u32 s3, s28;
	s16 =	sadd.s32 $0x8000, s13;
	s17 =	sadd.s32 $0xC000, s13  }
0xd: {  	s21 =	sadd.s32 $0x10000, s13;
	s19 =	ssub.s32 s9, s12;
	s8 =	sadd.s32 s29, s2  }
0xe: {  	s9 =	sadd.s32 s14, s2;
	s10 =	sadd.s32 s16, s2;
	s11 =	sadd.s32 s17, s2  }
0xf: {  	s12 =	sadd.s32 s21, s2;
	s22 =	sadd.s32 s13, s20;
	s14 =	sadd.s32 s20, s14  }
0x10: {  	s13 =	smul.u32 $0x2780, s15;
	s16 =	sadd.s32 s20, s16;
	s17 =	sadd.s32 s20, s17  }
0x11: {  	s20 =	sadd.s32 s20, s21;
	s21 =	simm.s32 $0x2;
	s30 =	sshrl.u32 s22, $0x3  }
0x12: {  	s31 =	sshrl.u32 s14, $0x3;
	s16 =	sshrl.u32 s16, $0x3;
	s17 =	sshrl.u32 s17, $0x3  }
0x13: {  	s20 =	sshrl.u32 s20, $0x3;
	s19 =	smax.u32 s19, $0x1;
	s22 =	simm.s32 $0x80  }
0x14: {  	s14 =	sadd.s32 s18, s30;
	s15 =	sadd.s32 s18, s31;
	s16 =	sadd.s32 s18, s16  }
0x15: {  	v0 =	vimm.f32 $0.0e+00;
	s17 =	sadd.s32 s18, s17;
	s18 =	sadd.s32 s18, s20;
	s20 =	simm.s32 $0x4100  }
.LBB2_1:
0x16: {  	s26 =	simm.s32 $0x0;
	s28 =	simm.s32 $0x200  }
.LBB2_2:
0x17: {  	p0 =	sne.s32 s28, $0xFE00;
	[tilespmem:s26+$0x4170] =	vst v0  }
0x18: {  	[tilespmem:s26+$0x4100] =	vst v0  }
0x19: {  	[tilespmem:s26+$0x4110] =	vst v0  }
.Ltmp0:
0x1a: {  	[tilespmem:s26+$0x4120] =	vst v0;
	(pc) =	sbr.rel @p0 .LBB2_2-.Ltmp0, $4  }
0x1b: {  	[tilespmem:s26+$0x4130] =	vst v0  }
0x1c: {  	[tilespmem:s26+$0x4140] =	vst v0  }
0x1d: {  	[tilespmem:s26+$0x4150] =	vst v0  }
0x1e: {  	[tilespmem:s26+$0x4160] =	vst v0;
	s26 =	sshra.s32 s28, $0x2;
	s28 =	sadd.s32 $0x200, s28  }
0x1f: {  	[tilespmem:s26+$0x4170] =	vst v0  }
0x20: {  	[tilespmem:s26+$0x4100] =	vst v0  }
0x21: {  	[tilespmem:s26+$0x4110] =	vst v0  }
0x22: {  	[tilespmem:s26+$0x4120] =	vst v0  }
0x23: {  	[tilespmem:s26+$0x4130] =	vst v0  }
0x24: {  	[tilespmem:s26+$0x4140] =	vst v0  }
0x25: {  	[tilespmem:s26+$0x4150] =	vst v0  }
0x26: {  	[tilespmem:s26+$0x4160] =	vst v0  }
0x27: {  	[spmem:s8] =	stream.linear.scatter [tilespmem:s20], [sflag:$0x2], $0x4000, $0x38;
	[tilespmem:$0x1C100] =	vst v63  }
0x28: {  	_ =	swait.ge [sflag:s21], $0x4000  }
0x29: {  	[sflag:s21] =	ssyncset.done $0x0  }
0x2a: {  	[sflag:s21] =	ssyncadd.s32 $0xFFFFC000  }
0x2b: {  	[spmem:s9] =	stream.linear.scatter [tilespmem:s20], [sflag:$0x2], $0x4000, $0x38;
	[tilespmem:$0x1C100] =	vst v63  }
0x2c: {  	_ =	swait.ge [sflag:s21], $0x4000  }
0x2d: {  	[sflag:s21] =	ssyncset.done $0x0  }
0x2e: {  	[sflag:s21] =	ssyncadd.s32 $0xFFFFC000  }
0x2f: {  	[spmem:s10] =	stream.linear.scatter [tilespmem:s20], [sflag:$0x2], $0x4000, $0x38;
	[tilespmem:$0x1C100] =	vst v63  }
0x30: {  	_ =	swait.ge [sflag:s21], $0x4000  }
0x31: {  	[sflag:s21] =	ssyncset.done $0x0  }
0x32: {  	[sflag:s21] =	ssyncadd.s32 $0xFFFFC000  }
0x33: {  	[spmem:s11] =	stream.linear.scatter [tilespmem:s20], [sflag:$0x2], $0x4000, $0x38;
	[tilespmem:$0x1C100] =	vst v63  }
0x34: {  	_ =	swait.ge [sflag:s21], $0x4000  }
0x35: {  	[sflag:s21] =	ssyncset.done $0x0  }
0x36: {  	[sflag:s21] =	ssyncadd.s32 $0xFFFFC000  }
0x37: {  	[spmem:s12] =	stream.linear.scatter [tilespmem:s20], [sflag:$0x2], $0x4000, $0x38;
	[tilespmem:$0x1C100] =	vst v63  }
0x38: {  	_ =	swait.ge [sflag:s21], $0x4000  }
0x39: {  	[sflag:s21] =	ssyncset.done $0x0  }
0x3a: {  	[sflag:s21] =	ssyncadd.s32 $0xFFFFC000  }
0x3b: {  	s26 =	simm.s32 $0x0;
	s28 =	simm.s32 $0x0;
	[bflag:$0x0] =	sbarrier.arrive $0xFFFF  }
.LBB2_4:
0x3c: {  	s29 =	sshll.u32 s28, $0x7  }
0x3d: {  	s29 =	sadd.s32 s13, s29  }
0x3e: {  	s30 =	sshrl.u32 s29, $0x3  }
0x3f: {  	s31 =	sadd.s32 s6, s30  }
0x40: {  	[tilespmem:s26], [sflag:$0x2] =	stream.linear.gather [hbm4b:s31+s26], $0x80, $0x38;
	[tilespmem:$0x1C100] =	vst v63  }
0x41: {  	_ =	swait.ge [sflag:s21], $0x80  }
0x42: {  	[sflag:s21] =	ssyncset.done $0x0  }
0x43: {  	s30 =	sadd.s32 s7, s30;
	[sflag:s21] =	ssyncadd.s32 $0xFFFFFF80  }
0x44: {  	[tilespmem:s22], [sflag:$0x2] =	stream.linear.gather [hbm4b:s30+s26], $0x80, $0x38;
	[tilespmem:$0x1C100] =	vst v63  }
0x45: {  	_ =	swait.ge [sflag:s21], $0x80  }
0x46: {  	[sflag:s21] =	ssyncset.done $0x0  }
0x47: {  	s29 =	sshll.u32 s29, $0x4;
	[sflag:s21] =	ssyncadd.s32 $0xFFFFFF80  }
0x48: {  	[tilespmem:s23], [sflag:$0x1] =	stream.indirect.gather [hbm4b:s1+s22], $0x80, s26, s22, $0xb8;
	[tilespmem:$0x1C100] =	vst v63  }
0x49: {  	s29 =	sadd.s32 s5, s29  }
0x4a: {  	[tilespmem:s20], [sflag:$0x2] =	stream.linear.gather [hbm4b:s29+s26], $0x4000, $0x38;
	[tilespmem:$0x1C100] =	vst v63  }
0x4b: {  	_ =	swait.ge [sflag:s21], $0x4000  }
0x4c: {  	[sflag:s21] =	ssyncset.done $0x0  }
0x4d: {  	[sflag:s21] =	ssyncadd.s32 $0xFFFFC000  }
0x4e: {  	_ =	swait.ge [sflag:s24], $0x4000  }
0x4f: {  	[sflag:s24] =	ssyncset.done $0x0  }
0x50: {  	s29 =	simm.s32 $0x0;
	[sflag:s24] =	ssyncadd.s32 $0xFFFFC000  }
0x51: {  	v7 =	vld [tilespmem:s29+$0x4100]  }
0x52: {  	v12 =	vld [tilespmem:s29+$0x4110]  }
0x53: {  	v6 =	vld [tilespmem:s29+$0x4120]  }
0x54: {  	v5 =	vld [tilespmem:s29+$0x4130]  }
0x55: {  	v4 =	vld [tilespmem:s29+$0x4140]  }
0x56: {  	v3 =	vld [tilespmem:s29+$0x4150]  }
0x57: {  	v2 =	vld [tilespmem:s29+$0x4160]  }
0x58: {  	v1 =	vld [tilespmem:s29+$0x4170]  }
0x59: {  	v13 =	vld [tilespmem:s29+$0x100]  }
0x5a: {  	v14 =	vld [tilespmem:s29+$0x110]  }
0x5b: {  	v11 =	vld [tilespmem:s29+$0x120]  }
0x5c: {  	v10 =	vld [tilespmem:s29+$0x130]  }
0x5d: {  	v9 =	vld [tilespmem:s29+$0x140]  }
0x5e: {  	v8 =	vld [tilespmem:s29+$0x150];
	v13 =	vadd.f32 v7, v13  }
0x5f: {  	s30 =	simm.s32 $0x200;
	v12 =	vadd.f32 v12, v14;
	v7 =	vld [tilespmem:s29+$0x160]  }
.LBB2_5:
0x60: {  	s31 =	sshra.s32 s30, $0x2;
	p0 =	sne.s32 s30, $0xFE00;
	v13 =	vmax.f32 v13, $0.0e+00;
	v6 =	vadd.f32 v6, v11;
	v11 =	vld [tilespmem:s29+$0x170]  }
0x61: {  	v14 =	vld [tilespmem:s31+$0x4100];
	[tilespmem:s29+$0x100] =	vst v13;
	v12 =	vmax.f32 v12, $0.0e+00;
	v5 =	vadd.f32 v5, v10  }
0x62: {  	v15 =	vld [tilespmem:s31+$0x4110];
	[tilespmem:s29+$0x110] =	vst v12;
	v10 =	vmax.f32 v6, $0.0e+00;
	v4 =	vadd.f32 v4, v9  }
0x63: {  	v6 =	vld [tilespmem:s31+$0x4120];
	[tilespmem:s29+$0x120] =	vst v10;
	v9 =	vmax.f32 v5, $0.0e+00;
	v3 =	vadd.f32 v3, v8  }
0x64: {  	v5 =	vld [tilespmem:s31+$0x4130];
	[tilespmem:s29+$0x130] =	vst v9;
	v8 =	vmax.f32 v4, $0.0e+00;
	v2 =	vadd.f32 v2, v7  }
0x65: {  	v4 =	vld [tilespmem:s31+$0x4140];
	[tilespmem:s29+$0x140] =	vst v8;
	v7 =	vmax.f32 v3, $0.0e+00;
	v1 =	vadd.f32 v1, v11  }
0x66: {  	v3 =	vld [tilespmem:s31+$0x4150];
	[tilespmem:s29+$0x150] =	vst v7;
	v7 =	vmax.f32 v2, $0.0e+00  }
0x67: {  	v2 =	vld [tilespmem:s31+$0x4160];
	[tilespmem:s29+$0x160] =	vst v7;
	v7 =	vmax.f32 v1, $0.0e+00  }
0x68: {  	v1 =	vld [tilespmem:s31+$0x4170];
	[tilespmem:s29+$0x170] =	vst v7;
	s29 =	smov.u32 s31  }
0x69: {  	v7 =	vld [tilespmem:s29+$0x100]  }
0x6a: {  	v12 =	vld [tilespmem:s29+$0x110]  }
.Ltmp1:
0x6b: {  	v11 =	vld [tilespmem:s29+$0x120];
	(pc) =	sbr.rel @p0 .LBB2_5-.Ltmp1, $4  }
0x6c: {  	v10 =	vld [tilespmem:s29+$0x130]  }
0x6d: {  	v9 =	vld [tilespmem:s29+$0x140]  }
0x6e: {  	v13 =	vadd.f32 v14, v7;
	v8 =	vld [tilespmem:s29+$0x150]  }
0x6f: {  	s30 =	sadd.s32 $0x200, s30;
	v12 =	vadd.f32 v15, v12;
	v7 =	vld [tilespmem:s29+$0x160]  }
0x70: {  	v13 =	vmax.f32 v13, $0.0e+00;
	v6 =	vadd.f32 v6, v11;
	v63 =	vld [tilespmem:s29+$0x170]  }
0x71: {  	[tilespmem:s29+$0x100] =	vst v13;
	v12 =	vmax.f32 v12, $0.0e+00;
	v5 =	vadd.f32 v5, v10  }
0x72: {  	[tilespmem:s29+$0x110] =	vst v12;
	v6 =	vmax.f32 v6, $0.0e+00;
	v4 =	vadd.f32 v4, v9  }
0x73: {  	[tilespmem:s29+$0x120] =	vst v6;
	v5 =	vmax.f32 v5, $0.0e+00;
	v3 =	vadd.f32 v3, v8  }
0x74: {  	[tilespmem:s29+$0x130] =	vst v5;
	v4 =	vmax.f32 v4, $0.0e+00;
	v2 =	vadd.f32 v2, v7  }
0x75: {  	[tilespmem:s29+$0x140] =	vst v4;
	v3 =	vmax.f32 v3, $0.0e+00;
	v1 =	vadd.f32 v1, v63  }
0x76: {  	s28 =	sadd.s32 $0x1, s28;
	[tilespmem:s29+$0x150] =	vst v3;
	v2 =	vmax.f32 v2, $0.0e+00  }
0x77: {  	p0 =	sne.s32 s28, $0x4F;
	[tilespmem:s29+$0x160] =	vst v2;
	v1 =	vmax.f32 v1, $0.0e+00  }
.Ltmp2:
0x78: {  	[tilespmem:s29+$0x170] =	vst v1;
	(pc) =	sbr.rel @p0 .LBB2_4-.Ltmp2, $4  }
0x79: {  	[spmem:s2] =	stream.indirect.scatter.add.f32 [tilespmem:s23], [sflag:$0x2], $0x80, s22, s22, $0xb8;
	[tilespmem:$0x1C100] =	vst v63  }
0x7a: {  	_ =	swait.ge [sflag:s21], $0x4000  }
0x7b: {  	[sflag:s21] =	ssyncset.done $0x0  }
0x7c: {  	[sflag:s21] =	ssyncadd.s32 $0xFFFFC000  }
0x7d: {  	[bflag:$0x0] =	sbarrier.arrive $0xFFFF  }
0x7e: {  	[tilespmem:s20], [sflag:$0x2] =	stream.linear.gather [spmem:s8], $0x4000, $0x38;
	[tilespmem:$0x1C100] =	vst v63  }
0x7f: {  	_ =	swait.ge [sflag:s21], $0x4000  }
0x80: {  	[sflag:s21] =	ssyncset.done $0x0  }
0x81: {  	[sflag:s21] =	ssyncadd.s32 $0xFFFFC000  }
0x82: {  	[hbm4b:s14+s4] =	stream.linear.scatter [tilespmem:s20], [sflag:$0x2], $0x4000, $0x38;
	[tilespmem:$0x1C100] =	vst v63  }
0x83: {  	_ =	swait.ge [sflag:s21], $0x4000  }
0x84: {  	[sflag:s21] =	ssyncset.done $0x0  }
0x85: {  	[sflag:s21] =	ssyncadd.s32 $0xFFFFC000  }
0x86: {  	[tilespmem:s20], [sflag:$0x2] =	stream.linear.gather [spmem:s9], $0x4000, $0x38;
	[tilespmem:$0x1C100] =	vst v63  }
0x87: {  	_ =	swait.ge [sflag:s21], $0x4000  }
0x88: {  	[sflag:s21] =	ssyncset.done $0x0  }
0x89: {  	[sflag:s21] =	ssyncadd.s32 $0xFFFFC000  }
0x8a: {  	[hbm4b:s15+s4] =	stream.linear.scatter [tilespmem:s20], [sflag:$0x2], $0x4000, $0x38;
	[tilespmem:$0x1C100] =	vst v63  }
0x8b: {  	_ =	swait.ge [sflag:s21], $0x4000  }
0x8c: {  	[sflag:s21] =	ssyncset.done $0x0  }
0x8d: {  	[sflag:s21] =	ssyncadd.s32 $0xFFFFC000  }
0x8e: {  	[tilespmem:s20], [sflag:$0x2] =	stream.linear.gather [spmem:s10], $0x4000, $0x38;
	[tilespmem:$0x1C100] =	vst v63  }
0x8f: {  	_ =	swait.ge [sflag:s21], $0x4000  }
0x90: {  	[sflag:s21] =	ssyncset.done $0x0  }
0x91: {  	[sflag:s21] =	ssyncadd.s32 $0xFFFFC000  }
0x92: {  	[hbm4b:s16+s4] =	stream.linear.scatter [tilespmem:s20], [sflag:$0x2], $0x4000, $0x38;
	[tilespmem:$0x1C100] =	vst v63  }
0x93: {  	_ =	swait.ge [sflag:s21], $0x4000  }
0x94: {  	[sflag:s21] =	ssyncset.done $0x0  }
0x95: {  	[sflag:s21] =	ssyncadd.s32 $0xFFFFC000  }
0x96: {  	[tilespmem:s20], [sflag:$0x2] =	stream.linear.gather [spmem:s11], $0x4000, $0x38;
	[tilespmem:$0x1C100] =	vst v63  }
0x97: {  	_ =	swait.ge [sflag:s21], $0x4000  }
0x98: {  	[sflag:s21] =	ssyncset.done $0x0  }
0x99: {  	[sflag:s21] =	ssyncadd.s32 $0xFFFFC000  }
0x9a: {  	[hbm4b:s17+s4] =	stream.linear.scatter [tilespmem:s20], [sflag:$0x2], $0x4000, $0x38;
	[tilespmem:$0x1C100] =	vst v63  }
0x9b: {  	_ =	swait.ge [sflag:s21], $0x4000  }
0x9c: {  	[sflag:s21] =	ssyncset.done $0x0  }
0x9d: {  	[sflag:s21] =	ssyncadd.s32 $0xFFFFC000  }
0x9e: {  	[tilespmem:s20], [sflag:$0x2] =	stream.linear.gather [spmem:s12], $0x4000, $0x38;
	[tilespmem:$0x1C100] =	vst v63  }
0x9f: {  	s25 =	sadd.s32 $0x1, s25;
	_ =	swait.ge [sflag:s21], $0x4000  }
0xa0: {  	p0 =	sne.s32 s25, s19;
	[sflag:s21] =	ssyncset.done $0x0  }
.Ltmp3:
0xa1: {  	[sflag:s21] =	ssyncadd.s32 $0xFFFFC000;
	(pc) =	sbr.rel @p0 .LBB2_1-.Ltmp3, $4  }
0xa2: {  	[hbm4b:s18+s4] =	stream.linear.scatter [tilespmem:s20], [sflag:$0x2], $0x4000, $0x38;
	[tilespmem:$0x1C100] =	vst v63  }
0xa3: {  	_ =	swait.ge [sflag:s21], $0x4000  }
0xa4: {  	[sflag:s21] =	ssyncset.done $0x0  }
0xa5: {  	[sflag:s21] =	ssyncadd.s32 $0xFFFFC000  }
0xa6: {  	_ =	sfence.sel $0x180000  }
0xa7: {  	[bflag:$0x0] =	sbarrier.arrive $0xFFFF  }
0xa8: {  	p0 =	sne.s32 s3, $0x0;
	_ =	strace $0x90000047  }
0xa9: {  	s0 =	sadd.s32 @!p0 $0x100000, s0;
	[bflag:$0x2] =	sbarrier.arrive $0xFFFF  }
0xaa: {  	[sflag:s0] =	ssyncadd.tile.s32 @!p0 $0x1;
	_ =	shalt  }
.Lfunc_end2:
_tile_overlayer_lowered:
.L_overlay_start_2:
0xab: {  	(tag) =	ssettag $0x2  }
0xac: {  	s0 =	rddreg [dreg:$0x0];
	s2 =	stileid.u32  }
0xad: {  	s1 =	rddreg [dreg:$0x1];
	p0 =	sne.s32 s2, $0x0  }
0xae: {  	s3 =	rddreg [dreg:$0x2];
	[bflag:$0x3] =	sbarrier.arrive $0xFFFF;
	s2 =	simm.s32 @!p0 $0x1C02  }
0xaf: {  	[timem:s3], [sflag:s2] =	dma.local @!p0 [hbm:s0], s1  }
0xb0: {  	s0 =	simm.s32 @!p0 $0x2  }
0xb1: {  	_ =	swait.ge @!p0 [sflag:s0], s1  }
0xb2: {  	s1 =	ssub.s32 @!p0 $0x0, s1;
	[sflag:s0] =	ssyncset.done @!p0 $0x0  }
0xb3: {  	[sflag:s0] =	ssyncadd.s32 @!p0 s1  }
0xb4: {  	[bflag:$0x3] =	sbarrier.arrive $0xFFFF  }
0xb5: {  	_ =	shalt  }

// kernel: kernel.13.cloned.1.call-start
scs
__scs_entry_jumppad:
0x0: {  	(pc) =	sbr.rel $0x88, $3  }
0x1: {  	(tag) =	ssettag $0x0;
	lr =	simm.s32 $0x1  }
0x2: {  	[smem:$0x3F78] =	sst lr;
	_ =	strace $0xD0000000  }
0x3: {  	_ = 	snop  }
0x4: {  	_ = 	snop  }
0x5: {  	_ = 	snop  }
0x6: {  	_ = 	snop  }
0x7: {  	_ = 	snop  }
__scs_overlays_trampoline_lowered:
0x8: {  	[smem:$0x3F87] =	sst s0  }
0x9: {  	[smem:$0x3F88] =	sst s1  }
0xa: {  	[smem:$0x3F89] =	sst s2  }
0xb: {  	[smem:$0x3F8A] =	sst s3  }
0xc: {  	[smem:$0x3F8B] =	sst s4  }
0xd: {  	[smem:$0x3F8C] =	sst s5  }
0xe: {  	[smem:$0x3F8D] =	sst s6  }
0xf: {  	[smem:$0x3F8E] =	sst s7  }
0x10: {  	[smem:$0x3F8F] =	sst s8  }
0x11: {  	[smem:$0x3F90] =	sst s9;
	s0 =	simm.s32 @!p0 $0x0  }
0x12: {  	s1 =	sld [smem:$0x3F76];
	s0 =	simm.s32 @p0 $0x1  }
0x13: {  	[smem:$0x3F91] =	sst s0;
	s0 =	simm.s32 @!p1 $0x0  }
0x14: {  	s2 =	sld [smem:$0x3F75];
	s0 =	simm.s32 @p1 $0x1  }
0x15: {  	[smem:$0x3F92] =	sst s0;
	s0 =	simm.s32 @!p2 $0x0  }
0x16: {  	s3 =	sld [smem:$0x3FDB];
	s0 =	simm.s32 @p2 $0x1  }
0x17: {  	s4 =	simm.s32 $0x1BF5;
	[smem:$0x3F94] =	sst s0  }
0x18: {  	s0 =	sld [smem:$0x3F77];
	_ =	swait.ge [sflag:s4], $0x0  }
0x19: {  	s7 =	sld [smem:$0x3F78]  }
0x1a: {  	s8 =	sadd.s32 $0xFFFFE003, lr  }
0x1b: {  	s9 =	sadd.s32 $0xFFFFFEF7, lr;
	s5 =	simm.s32 $0xFFFFFFFF;
	p2 =	slt.u32 s8, $0xFFFFF086  }
0x1c: {  	p1 =	slt.u32 s9, $0xF7A;
	s5 =	simm.s32 @!p2 $0x0  }
0x1d: {  	s5 =	simm.s32 @p1 $0x1;
	p0 =	seq.s32 s7, s2  }
0x1e: {  	s7 =	smul.u32 @!p0 $0xF7A, s2;
	p2 =	seq.s32 @!p0 s5, $0x0  }
0x1f: {  	s9 =	smul.u32 $0xF7A, s1;
	s8 =	simm.s32 @!p0 $0x1BF5;
	p2 =	por !p2, p0  }
0x20: {  	[sflag:s8] =	ssyncset.s32 @!p0 $0xFFFFF086;
	s6 =	sadd.s32 @!p0 s3, s7;
	s7 =	simm.s32 @!p0 $0x108  }
0x21: {  	s3 =	sadd.s32 s3, s9;
	s6 =	sadd.s32 @!p0 $0x88, s6;
	s7 =	simm.s32 @p2 $0x1082  }
0x22: {  	[simem:s7], [sflag:s8] =	dma.local @!p0 [hbm:s6], $0xF7A  }
0x23: {  	s9 =	sor.u32 $0xD0000000, s2;
	s6 =	simm.s32 $0x108;
	_ =	swait.ge @!p0 [sflag:s8], $0x0  }
0x24: {  	s3 =	sadd.s32 $0x88, s3;
	s6 =	simm.s32 @!p1 $0x1082;
	[sflag:s4] =	ssyncset.s32 $0xFFFFF086  }
0x25: {  	[simem:s6], [sflag:s4] =	dma.local [hbm:s3], $0xF7A  }
0x26: {  	[smem:$0x3F78] =	sst s1;
	(tag) =	ssettag s2;
	_ =	strace s9  }
0x27: {  	s1 =	sld [smem:$0x3F88]  }
0x28: {  	s2 =	sld [smem:$0x3F89]  }
0x29: {  	s4 =	sld [smem:$0x3F8B]  }
0x2a: {  	p0 =	seq.s32 s5, $0x0;
	s5 =	sld [smem:$0x3F8C]  }
0x2b: {  	s6 =	sld [smem:$0x3F8D]  }
0x2c: {  	s7 =	sld [smem:$0x3F8E]  }
0x2d: {  	s3 =	simm.s32 $0x108;
	s8 =	sld [smem:$0x3F8F]  }
0x2e: {  	s3 =	simm.s32 @!p0 $0x1082;
	s9 =	sld [smem:$0x3F90]  }
0x2f: {  	lr =	sadd.s32 s0, s3;
	s0 =	sld [smem:$0x3F87]  }
0x30: {  	s3 =	sld [smem:$0x3F8A]  }
0x31: {  	[smem:$0x3F93] =	sst s10  }
0x32: {  	s10 =	sld [smem:$0x3F91];
	_ =	sdelay $0x3  }
0x33: {  	p0 =	seq.s32 s10, $0x1;
	s10 =	sld [smem:$0x3F93];
	_ =	sdelay $0x3  }
0x34: {  	[smem:$0x3F93] =	sst s10  }
0x35: {  	s10 =	sld [smem:$0x3F92];
	_ =	sdelay $0x3  }
0x36: {  	p1 =	seq.s32 s10, $0x1;
	s10 =	sld [smem:$0x3F93];
	_ =	sdelay $0x3  }
0x37: {  	[smem:$0x3F93] =	sst s10  }
0x38: {  	s10 =	sld [smem:$0x3F94]  }
0x39: {  	_ = 	snop;
	(pc) =	sbr.ind lr, $3  }
0x3a: {  	_ = 	snop  }
0x3b: {  	_ = 	snop  }
0x3c: {  	p2 =	seq.s32 s10, $0x1;
	s10 =	sld [smem:$0x3F93]  }
0x3d: {  	_ =	shalt  }
0x3e: {  	_ =	shalt  }
0x3f: {  	_ =	shalt  }
0x40: {  	_ =	shalt  }
0x41: {  	_ =	shalt  }
0x42: {  	_ =	shalt  }
0x43: {  	_ =	shalt  }
0x44: {  	_ =	shalt  }
0x45: {  	_ =	shalt  }
0x46: {  	_ =	shalt  }
0x47: {  	_ =	shalt  }
0x48: {  	_ =	shalt  }
0x49: {  	_ =	shalt  }
0x4a: {  	_ =	shalt  }
0x4b: {  	_ =	shalt  }
0x4c: {  	_ =	shalt  }
0x4d: {  	_ =	shalt  }
0x4e: {  	_ =	shalt  }
0x4f: {  	_ =	shalt  }
0x50: {  	_ =	shalt  }
0x51: {  	_ =	shalt  }
0x52: {  	_ =	shalt  }
0x53: {  	_ =	shalt  }
0x54: {  	_ =	shalt  }
0x55: {  	_ =	shalt  }
0x56: {  	_ =	shalt  }
0x57: {  	_ =	shalt  }
0x58: {  	_ =	shalt  }
0x59: {  	_ =	shalt  }
0x5a: {  	_ =	shalt  }
0x5b: {  	_ =	shalt  }
0x5c: {  	_ =	shalt  }
0x5d: {  	_ =	shalt  }
0x5e: {  	_ =	shalt  }
0x5f: {  	_ =	shalt  }
0x60: {  	_ =	shalt  }
0x61: {  	_ =	shalt  }
0x62: {  	_ =	shalt  }
0x63: {  	_ =	shalt  }
0x64: {  	_ =	shalt  }
0x65: {  	_ =	shalt  }
0x66: {  	_ =	shalt  }
0x67: {  	_ =	shalt  }
0x68: {  	_ =	shalt  }
0x69: {  	_ =	shalt  }
0x6a: {  	_ =	shalt  }
0x6b: {  	_ =	shalt  }
0x6c: {  	_ =	shalt  }
0x6d: {  	_ =	shalt  }
0x6e: {  	_ =	shalt  }
0x6f: {  	_ =	shalt  }
0x70: {  	_ =	shalt  }
0x71: {  	_ =	shalt  }
0x72: {  	_ =	shalt  }
0x73: {  	_ =	shalt  }
0x74: {  	_ =	shalt  }
0x75: {  	_ =	shalt  }
0x76: {  	_ =	shalt  }
0x77: {  	_ =	shalt  }
0x78: {  	_ =	shalt  }
0x79: {  	_ =	shalt  }
0x7a: {  	_ =	shalt  }
0x7b: {  	_ =	shalt  }
0x7c: {  	_ =	shalt  }
0x7d: {  	_ =	shalt  }
0x7e: {  	_ =	shalt  }
0x7f: {  	_ =	shalt  }
0x80: {  	_ =	shalt  }
0x81: {  	_ =	shalt  }
0x82: {  	_ =	shalt  }
0x83: {  	_ =	shalt  }
0x84: {  	_ =	shalt  }
0x85: {  	_ =	shalt  }
0x86: {  	_ =	shalt  }
0x87: {  	_ =	shalt  }
.Lfunc_end0:
.L_simem_size_0:
called_computation.1_lowered:
.L_overlay_start_0:
0x88: {  	s2 =	sld [smem:$0x3FD9]  }
0x89: {  	s3 =	sld [smem:$0x3FFE];
	_ =	sdelay $0x1  }
0x8a: {  	s1 =	srdreg.scid  }
0x8b: {  	s0 =	sand.u32 $0x1, s1  }
0x8c: {  	s16 =	sshll.u32 s0, $0xA;
	s2 =	sadd.s32 s3, s2  }
0x8d: {  	s2 =	sadd.s32 s2, s16  }
0x8e: {  	[smem:$0x3F9F] =	sst s2  }
0x8f: {  	_ = 	snop  }
0x90: {  	(tm) =	ssettm $0x1  }
0x91: {  	s17 =	sld [smem:$0x3FFB];
	_ =	sdelay $0x3  }
0x92: {  	_ =	strace s17  }
0x93: {  	s2 =	sld [smem:$0x3FFC];
	_ =	sdelay $0x3  }
0x94: {  	_ =	strace s2  }
0x95: {  	s2 =	sld [smem:$0x3FFD];
	_ =	sdelay $0x3  }
0x96: {  	_ =	strace s2  }
0x97: {  	_ =	strace $0x8FFFFFFF  }
0x98: {  	s18 =	sld [smem:$0x3FDB];
	_ =	sdelay $0x1  }
0x99: {  	s19 =	simm.s32 $_scs_section_size  }
0x9a: {  	s4 =	simm.s32 $_size__tile_overlayer_lowered;
	s5 =	simm.s32 $_tile_overlayer_lowered  }
0x9b: {  	s22 =	simm.s32 $0x1BFF;
	s21 =	sshll.u32 s5, $0x1;
	s2 =	sadd.s32 s19, s18  }
0x9c: {  	s6 =	simm.s32 $0x0;
	s20 =	sshll.u32 s4, $0x1;
	s4 =	sadd.s32 s21, s2  }
0x9d: {  	[timem:s6], [sflag:s22] =	dma.local [hbm:s4], s20  }
0x9e: {  	_ =	swait.ge [sflag:s22], s20  }
0x9f: {  	s3 =	ssub.s32 $0x0, s20;
	[sflag:s22] =	ssyncset.done $0x0  }
0xa0: {  	[sflag:s22] =	ssyncadd.s32 s3;
	_ =	sdelay $0x1  }
0xa1: {  	s23 =	simm.s32 $0x1B8B  }
0xa2: {  	_ =	swait.ge [sflag:s23], $0x1  }
0xa3: {  	[sflag:s23] =	ssyncset.done $0x0  }
0xa4: {  	s25 =	simm.s32 $0x1B8E;
	s24 =	sld [smem:$0x3FFE];
	[sflag:s23] =	ssyncadd.s32 $0xFFFFFFFF  }
0xa5: {  	s26 =	simm.s32 $execute0_lowered;
	[smem:$0x3FD2] =	sst s25  }
0xa6: {  	s4 =	sshll.u32 s26, $0x1;
	_ =	strace $0x80000049;
	[dreg:$0x1] =	wrdreg $0xFFFFFFFF  }
0xa7: {  	s28 =	simm.s32 $_size_execute0_lowered;
	s2 =	sadd.s32 s2, s4;
	[dreg:$0x0] =	wrdreg $0x0  }
0xa8: {  	s4 =	sshll.u32 s28, $0x1;
	[dreg:$0x2] =	wrdreg s2  }
0xa9: {  	[dreg:$0x3] =	wrdreg s4  }
0xaa: {  	[dreg:$0x4] =	wrdreg $0xC0  }
0xab: {  	_ =	task [dreg:s6], $0x5FFFF  }
0xac: {  	[dreg:$0x1] =	wrdreg $0xFFFFFFFF  }
0xad: {  	[dreg:$0x0] =	wrdreg $0x60  }
0xae: {  	[dreg:$0x2] =	wrdreg s24  }
0xaf: {  	[dreg:$0x3] =	wrdreg $0x81000  }
0xb0: {  	[dreg:$0x4] =	wrdreg $0x9  }
0xb1: {  	_ =	task.clear_ibuf [dreg:s6], $0x5FFFF;
	_ =	strace $0x90000049  }
0xb2: {  	s29 =	simm.s32 $0x9;
	_ =	strace $0x8000004B  }
0xb3: {  	_ =	swait.ge [sflag:s29], $0x1  }
0xb4: {  	[sflag:s29] =	ssyncadd.s32 $0xFFFFFFFF  }
0xb5: {  	_ =	strace $0x9000004B  }
0xb6: {  	_ =	sfence  }
0xb7: {  	s30 =	sld [smem:$0x0];
	_ =	sdelay $0x2  }
0xb8: {  	s31 =	sshll.u32 s1, $0xD;
	s1 =	sshrl.u32 s1, $0x2  }
0xb9: {  	s3 =	sand.u32 $0x4000, s31;
	s1 =	sadd.s32 s1, s30  }
0xba: {  	s0 =	sor.u32 s3, s0;
	s1 =	sshll.u32 s1, $0x11  }
0xbb: {  	s0 =	sor.u32 s1, s0  }
0xbc: {  	s0 =	sadd.s32 $0x8F2B, s0  }
0xbd: {  	[sflag:s0] =	ssyncadd.remote.s32 $0x1  }
0xbe: {  	_ =	sfence.sel $0xFFFF  }
0xbf: {  	[dreg:$0x0] =	wrdreg $0xFFFFFFFF;
	(pc) =	sbr.abs _section_cstart, $3  }
0xc0: {  	[dreg:$0x1] =	wrdreg $0xFFFFFFFF  }
0xc1: {  	_ =	task.clear_ibuf [dreg:s6], $0x2FFFF;
	_ =	strace $0x9FFFFFFF  }
0xc2: {  	(tm) =	ssettm $0x7FFFFFFF  }
0xc3: {  	_ =	shalt  }
tec
execute0_lowered:
.L_overlay_start_1:
0x0: {  	(tag) =	ssettag $0x1  }
0x1: {  	s8 =	rddreg [dreg:$0x0]  }
0x2: {  	s1 =	rddreg [dreg:$0x1]  }
0x3: {  	s0 =	rddreg [dreg:$0x2];
	s2 =	simm.s32 $0x0  }
0x4: {  	s5 =	srdreg.scid;
	s3 =	stileid.u32;
	s23 =	simm.s32 $0x100  }
0x5: {  	s24 =	simm.s32 $0x1;
	s25 =	simm.s32 $0x0;
	[smem:$0x7FF] =	sst s2  }
0x6: {  	s4 =	sadd.s32 $0x1B600, s8;
	s10 =	sand.u32 $0x1, s5;
	s11 =	smul.u32 $0x50000, s3  }
0x7: {  	s5 =	sadd.s32 $0xEC9A00, s8;
	s6 =	sadd.s32 $0x7A00, s8;
	s13 =	smul.u32 $0x14000, s3  }
0x8: {  	s7 =	sadd.s32 $0x11800, s8;
	s18 =	sadd.s32 $0x42800, s8;
	_ =	strace $0x8000004A  }
0x9: {  	s9 =	ssub.s32 $0x2, s10;
	s28 =	sshll.u32 s10, $0x4;
	s20 =	smul.u32 $0x140000, s10  }
0xa: {  	s12 =	sshrl.u32 s9, $0x1;
	s29 =	sshrl.u32 s11, $0x2;
	s14 =	sadd.s32 $0x4000, s13  }
0xb: {  	s15 =	sor.u32 s3, s28;
	s16 =	sadd.s32 $0x8000, s13;
	s17 =	sadd.s32 $0xC000, s13  }
0xc: {  	s21 =	sadd.s32 $0x10000, s13;
	s19 =	ssub.s32 s9, s12;
	s8 =	sadd.s32 s29, s1  }
0xd: {  	s9 =	sadd.s32 s14, s1;
	s10 =	sadd.s32 s16, s1;
	s11 =	sadd.s32 s17, s1  }
0xe: {  	s12 =	sadd.s32 s21, s1;
	s22 =	sadd.s32 s13, s20;
	s14 =	sadd.s32 s20, s14  }
0xf: {  	s13 =	smul.u32 $0x2780, s15;
	s16 =	sadd.s32 s20, s16;
	s17 =	sadd.s32 s20, s17  }
0x10: {  	s20 =	sadd.s32 s20, s21;
	s21 =	simm.s32 $0x2;
	s30 =	sshrl.u32 s22, $0x3  }
0x11: {  	s31 =	sshrl.u32 s14, $0x3;
	s16 =	sshrl.u32 s16, $0x3;
	s17 =	sshrl.u32 s17, $0x3  }
0x12: {  	s20 =	sshrl.u32 s20, $0x3;
	s19 =	smax.u32 s19, $0x1;
	s22 =	simm.s32 $0x80  }
0x13: {  	s14 =	sadd.s32 s18, s30;
	s15 =	sadd.s32 s18, s31;
	s16 =	sadd.s32 s18, s16  }
0x14: {  	v0 =	vimm.f32 $0.0e+00;
	s17 =	sadd.s32 s18, s17;
	s18 =	sadd.s32 s18, s20;
	s20 =	simm.s32 $0x4100  }
.LBB2_1:
0x15: {  	s26 =	simm.s32 $0x0;
	s28 =	simm.s32 $0x200  }
.LBB2_2:
0x16: {  	p0 =	sne.s32 s28, $0xFE00;
	[tilespmem:s26+$0x4170] =	vst v0  }
0x17: {  	[tilespmem:s26+$0x4100] =	vst v0  }
0x18: {  	[tilespmem:s26+$0x4110] =	vst v0  }
.Ltmp0:
0x19: {  	[tilespmem:s26+$0x4120] =	vst v0;
	(pc) =	sbr.rel @p0 .LBB2_2-.Ltmp0, $4  }
0x1a: {  	[tilespmem:s26+$0x4130] =	vst v0  }
0x1b: {  	[tilespmem:s26+$0x4140] =	vst v0  }
0x1c: {  	[tilespmem:s26+$0x4150] =	vst v0  }
0x1d: {  	[tilespmem:s26+$0x4160] =	vst v0;
	s26 =	sshra.s32 s28, $0x2;
	s28 =	sadd.s32 $0x200, s28  }
0x1e: {  	[tilespmem:s26+$0x4170] =	vst v0  }
0x1f: {  	[tilespmem:s26+$0x4100] =	vst v0  }
0x20: {  	[tilespmem:s26+$0x4110] =	vst v0  }
0x21: {  	[tilespmem:s26+$0x4120] =	vst v0  }
0x22: {  	[tilespmem:s26+$0x4130] =	vst v0  }
0x23: {  	[tilespmem:s26+$0x4140] =	vst v0  }
0x24: {  	[tilespmem:s26+$0x4150] =	vst v0  }
0x25: {  	[tilespmem:s26+$0x4160] =	vst v0  }
0x26: {  	[spmem:s8] =	stream.linear.scatter [tilespmem:s20], [sflag:$0x2], $0x4000, $0x38;
	[tilespmem:$0x1C100] =	vst v63  }
0x27: {  	_ =	swait.ge [sflag:s21], $0x4000  }
0x28: {  	[sflag:s21] =	ssyncset.done $0x0  }
0x29: {  	[sflag:s21] =	ssyncadd.s32 $0xFFFFC000  }
0x2a: {  	[spmem:s9] =	stream.linear.scatter [tilespmem:s20], [sflag:$0x2], $0x4000, $0x38;
	[tilespmem:$0x1C100] =	vst v63  }
0x2b: {  	_ =	swait.ge [sflag:s21], $0x4000  }
0x2c: {  	[sflag:s21] =	ssyncset.done $0x0  }
0x2d: {  	[sflag:s21] =	ssyncadd.s32 $0xFFFFC000  }
0x2e: {  	[spmem:s10] =	stream.linear.scatter [tilespmem:s20], [sflag:$0x2], $0x4000, $0x38;
	[tilespmem:$0x1C100] =	vst v63  }
0x2f: {  	_ =	swait.ge [sflag:s21], $0x4000  }
0x30: {  	[sflag:s21] =	ssyncset.done $0x0  }
0x31: {  	[sflag:s21] =	ssyncadd.s32 $0xFFFFC000  }
0x32: {  	[spmem:s11] =	stream.linear.scatter [tilespmem:s20], [sflag:$0x2], $0x4000, $0x38;
	[tilespmem:$0x1C100] =	vst v63  }
0x33: {  	_ =	swait.ge [sflag:s21], $0x4000  }
0x34: {  	[sflag:s21] =	ssyncset.done $0x0  }
0x35: {  	[sflag:s21] =	ssyncadd.s32 $0xFFFFC000  }
0x36: {  	[spmem:s12] =	stream.linear.scatter [tilespmem:s20], [sflag:$0x2], $0x4000, $0x38;
	[tilespmem:$0x1C100] =	vst v63  }
0x37: {  	_ =	swait.ge [sflag:s21], $0x4000  }
0x38: {  	[sflag:s21] =	ssyncset.done $0x0  }
0x39: {  	[sflag:s21] =	ssyncadd.s32 $0xFFFFC000  }
0x3a: {  	s26 =	simm.s32 $0x0;
	s28 =	simm.s32 $0x0;
	[bflag:$0x0] =	sbarrier.arrive $0xFFFF  }
.LBB2_4:
0x3b: {  	s29 =	sshll.u32 s28, $0x7  }
0x3c: {  	s29 =	sadd.s32 s13, s29  }
0x3d: {  	s30 =	sshrl.u32 s29, $0x3  }
0x3e: {  	s31 =	sadd.s32 s6, s30  }
0x3f: {  	[tilespmem:s26], [sflag:$0x2] =	stream.linear.gather [hbm4b:s31+s26], $0x80, $0x38;
	[tilespmem:$0x1C100] =	vst v63  }
0x40: {  	_ =	swait.ge [sflag:s21], $0x80  }
0x41: {  	[sflag:s21] =	ssyncset.done $0x0  }
0x42: {  	s30 =	sadd.s32 s7, s30;
	[sflag:s21] =	ssyncadd.s32 $0xFFFFFF80  }
0x43: {  	[tilespmem:s22], [sflag:$0x2] =	stream.linear.gather [hbm4b:s30+s26], $0x80, $0x38;
	[tilespmem:$0x1C100] =	vst v63  }
0x44: {  	_ =	swait.ge [sflag:s21], $0x80  }
0x45: {  	[sflag:s21] =	ssyncset.done $0x0  }
0x46: {  	s29 =	sshll.u32 s29, $0x4;
	[sflag:s21] =	ssyncadd.s32 $0xFFFFFF80  }
0x47: {  	[tilespmem:s23], [sflag:$0x1] =	stream.indirect.gather [hbm4b:s4+s22], $0x80, s26, s22, $0xb8;
	[tilespmem:$0x1C100] =	vst v63  }
0x48: {  	s29 =	sadd.s32 s5, s29  }
0x49: {  	[tilespmem:s20], [sflag:$0x2] =	stream.linear.gather [hbm4b:s29+s26], $0x4000, $0x38;
	[tilespmem:$0x1C100] =	vst v63  }
0x4a: {  	_ =	swait.ge [sflag:s21], $0x4000  }
0x4b: {  	[sflag:s21] =	ssyncset.done $0x0  }
0x4c: {  	[sflag:s21] =	ssyncadd.s32 $0xFFFFC000  }
0x4d: {  	_ =	swait.ge [sflag:s24], $0x4000  }
0x4e: {  	[sflag:s24] =	ssyncset.done $0x0  }
0x4f: {  	s29 =	simm.s32 $0x0;
	[sflag:s24] =	ssyncadd.s32 $0xFFFFC000  }
0x50: {  	v7 =	vld [tilespmem:s29+$0x4100]  }
0x51: {  	v12 =	vld [tilespmem:s29+$0x4110]  }
0x52: {  	v6 =	vld [tilespmem:s29+$0x4120]  }
0x53: {  	v5 =	vld [tilespmem:s29+$0x4130]  }
0x54: {  	v4 =	vld [tilespmem:s29+$0x4140]  }
0x55: {  	v3 =	vld [tilespmem:s29+$0x4150]  }
0x56: {  	v2 =	vld [tilespmem:s29+$0x4160]  }
0x57: {  	v1 =	vld [tilespmem:s29+$0x4170]  }
0x58: {  	v13 =	vld [tilespmem:s29+$0x100]  }
0x59: {  	v14 =	vld [tilespmem:s29+$0x110]  }
0x5a: {  	v11 =	vld [tilespmem:s29+$0x120]  }
0x5b: {  	v10 =	vld [tilespmem:s29+$0x130]  }
0x5c: {  	v9 =	vld [tilespmem:s29+$0x140]  }
0x5d: {  	v8 =	vld [tilespmem:s29+$0x150];
	v13 =	vadd.f32 v7, v13  }
0x5e: {  	s30 =	simm.s32 $0x200;
	v12 =	vadd.f32 v12, v14;
	v7 =	vld [tilespmem:s29+$0x160]  }
.LBB2_5:
0x5f: {  	s31 =	sshra.s32 s30, $0x2;
	p0 =	sne.s32 s30, $0xFE00;
	v13 =	vmax.f32 v13, $0.0e+00;
	v6 =	vadd.f32 v6, v11;
	v11 =	vld [tilespmem:s29+$0x170]  }
0x60: {  	v14 =	vld [tilespmem:s31+$0x4100];
	[tilespmem:s29+$0x100] =	vst v13;
	v12 =	vmax.f32 v12, $0.0e+00;
	v5 =	vadd.f32 v5, v10  }
0x61: {  	v15 =	vld [tilespmem:s31+$0x4110];
	[tilespmem:s29+$0x110] =	vst v12;
	v10 =	vmax.f32 v6, $0.0e+00;
	v4 =	vadd.f32 v4, v9  }
0x62: {  	v6 =	vld [tilespmem:s31+$0x4120];
	[tilespmem:s29+$0x120] =	vst v10;
	v9 =	vmax.f32 v5, $0.0e+00;
	v3 =	vadd.f32 v3, v8  }
0x63: {  	v5 =	vld [tilespmem:s31+$0x4130];
	[tilespmem:s29+$0x130] =	vst v9;
	v8 =	vmax.f32 v4, $0.0e+00;
	v2 =	vadd.f32 v2, v7  }
0x64: {  	v4 =	vld [tilespmem:s31+$0x4140];
	[tilespmem:s29+$0x140] =	vst v8;
	v7 =	vmax.f32 v3, $0.0e+00;
	v1 =	vadd.f32 v1, v11  }
0x65: {  	v3 =	vld [tilespmem:s31+$0x4150];
	[tilespmem:s29+$0x150] =	vst v7;
	v7 =	vmax.f32 v2, $0.0e+00  }
0x66: {  	v2 =	vld [tilespmem:s31+$0x4160];
	[tilespmem:s29+$0x160] =	vst v7;
	v7 =	vmax.f32 v1, $0.0e+00  }
0x67: {  	v1 =	vld [tilespmem:s31+$0x4170];
	[tilespmem:s29+$0x170] =	vst v7;
	s29 =	smov.u32 s31  }
0x68: {  	v7 =	vld [tilespmem:s29+$0x100]  }
0x69: {  	v12 =	vld [tilespmem:s29+$0x110]  }
.Ltmp1:
0x6a: {  	v11 =	vld [tilespmem:s29+$0x120];
	(pc) =	sbr.rel @p0 .LBB2_5-.Ltmp1, $4  }
0x6b: {  	v10 =	vld [tilespmem:s29+$0x130]  }
0x6c: {  	v9 =	vld [tilespmem:s29+$0x140]  }
0x6d: {  	v13 =	vadd.f32 v14, v7;
	v8 =	vld [tilespmem:s29+$0x150]  }
0x6e: {  	s30 =	sadd.s32 $0x200, s30;
	v12 =	vadd.f32 v15, v12;
	v7 =	vld [tilespmem:s29+$0x160]  }
0x6f: {  	v13 =	vmax.f32 v13, $0.0e+00;
	v6 =	vadd.f32 v6, v11;
	v63 =	vld [tilespmem:s29+$0x170]  }
0x70: {  	[tilespmem:s29+$0x100] =	vst v13;
	v12 =	vmax.f32 v12, $0.0e+00;
	v5 =	vadd.f32 v5, v10  }
0x71: {  	[tilespmem:s29+$0x110] =	vst v12;
	v6 =	vmax.f32 v6, $0.0e+00;
	v4 =	vadd.f32 v4, v9  }
0x72: {  	[tilespmem:s29+$0x120] =	vst v6;
	v5 =	vmax.f32 v5, $0.0e+00;
	v3 =	vadd.f32 v3, v8  }
0x73: {  	[tilespmem:s29+$0x130] =	vst v5;
	v4 =	vmax.f32 v4, $0.0e+00;
	v2 =	vadd.f32 v2, v7  }
0x74: {  	[tilespmem:s29+$0x140] =	vst v4;
	v3 =	vmax.f32 v3, $0.0e+00;
	v1 =	vadd.f32 v1, v63  }
0x75: {  	s28 =	sadd.s32 $0x1, s28;
	[tilespmem:s29+$0x150] =	vst v3;
	v2 =	vmax.f32 v2, $0.0e+00  }
0x76: {  	p0 =	sne.s32 s28, $0x4F;
	[tilespmem:s29+$0x160] =	vst v2;
	v1 =	vmax.f32 v1, $0.0e+00  }
.Ltmp2:
0x77: {  	[tilespmem:s29+$0x170] =	vst v1;
	(pc) =	sbr.rel @p0 .LBB2_4-.Ltmp2, $4  }
0x78: {  	[spmem:s1] =	stream.indirect.scatter.add.f32 [tilespmem:s23], [sflag:$0x2], $0x80, s22, s22, $0xb8;
	[tilespmem:$0x1C100] =	vst v63  }
0x79: {  	_ =	swait.ge [sflag:s21], $0x4000  }
0x7a: {  	[sflag:s21] =	ssyncset.done $0x0  }
0x7b: {  	[sflag:s21] =	ssyncadd.s32 $0xFFFFC000  }
0x7c: {  	[bflag:$0x0] =	sbarrier.arrive $0xFFFF  }
0x7d: {  	[tilespmem:s20], [sflag:$0x2] =	stream.linear.gather [spmem:s8], $0x4000, $0x38;
	[tilespmem:$0x1C100] =	vst v63  }
0x7e: {  	_ =	swait.ge [sflag:s21], $0x4000  }
0x7f: {  	[sflag:s21] =	ssyncset.done $0x0  }
0x80: {  	[sflag:s21] =	ssyncadd.s32 $0xFFFFC000  }
0x81: {  	[hbm4b:s14+s2] =	stream.linear.scatter [tilespmem:s20], [sflag:$0x2], $0x4000, $0x38;
	[tilespmem:$0x1C100] =	vst v63  }
0x82: {  	_ =	swait.ge [sflag:s21], $0x4000  }
0x83: {  	[sflag:s21] =	ssyncset.done $0x0  }
0x84: {  	[sflag:s21] =	ssyncadd.s32 $0xFFFFC000  }
0x85: {  	[tilespmem:s20], [sflag:$0x2] =	stream.linear.gather [spmem:s9], $0x4000, $0x38;
	[tilespmem:$0x1C100] =	vst v63  }
0x86: {  	_ =	swait.ge [sflag:s21], $0x4000  }
0x87: {  	[sflag:s21] =	ssyncset.done $0x0  }
0x88: {  	[sflag:s21] =	ssyncadd.s32 $0xFFFFC000  }
0x89: {  	[hbm4b:s15+s2] =	stream.linear.scatter [tilespmem:s20], [sflag:$0x2], $0x4000, $0x38;
	[tilespmem:$0x1C100] =	vst v63  }
0x8a: {  	_ =	swait.ge [sflag:s21], $0x4000  }
0x8b: {  	[sflag:s21] =	ssyncset.done $0x0  }
0x8c: {  	[sflag:s21] =	ssyncadd.s32 $0xFFFFC000  }
0x8d: {  	[tilespmem:s20], [sflag:$0x2] =	stream.linear.gather [spmem:s10], $0x4000, $0x38;
	[tilespmem:$0x1C100] =	vst v63  }
0x8e: {  	_ =	swait.ge [sflag:s21], $0x4000  }
0x8f: {  	[sflag:s21] =	ssyncset.done $0x0  }
0x90: {  	[sflag:s21] =	ssyncadd.s32 $0xFFFFC000  }
0x91: {  	[hbm4b:s16+s2] =	stream.linear.scatter [tilespmem:s20], [sflag:$0x2], $0x4000, $0x38;
	[tilespmem:$0x1C100] =	vst v63  }
0x92: {  	_ =	swait.ge [sflag:s21], $0x4000  }
0x93: {  	[sflag:s21] =	ssyncset.done $0x0  }
0x94: {  	[sflag:s21] =	ssyncadd.s32 $0xFFFFC000  }
0x95: {  	[tilespmem:s20], [sflag:$0x2] =	stream.linear.gather [spmem:s11], $0x4000, $0x38;
	[tilespmem:$0x1C100] =	vst v63  }
0x96: {  	_ =	swait.ge [sflag:s21], $0x4000  }
0x97: {  	[sflag:s21] =	ssyncset.done $0x0  }
0x98: {  	[sflag:s21] =	ssyncadd.s32 $0xFFFFC000  }
0x99: {  	[hbm4b:s17+s2] =	stream.linear.scatter [tilespmem:s20], [sflag:$0x2], $0x4000, $0x38;
	[tilespmem:$0x1C100] =	vst v63  }
0x9a: {  	_ =	swait.ge [sflag:s21], $0x4000  }
0x9b: {  	[sflag:s21] =	ssyncset.done $0x0  }
0x9c: {  	[sflag:s21] =	ssyncadd.s32 $0xFFFFC000  }
0x9d: {  	[tilespmem:s20], [sflag:$0x2] =	stream.linear.gather [spmem:s12], $0x4000, $0x38;
	[tilespmem:$0x1C100] =	vst v63  }
0x9e: {  	s25 =	sadd.s32 $0x1, s25;
	_ =	swait.ge [sflag:s21], $0x4000  }
0x9f: {  	p0 =	sne.s32 s25, s19;
	[sflag:s21] =	ssyncset.done $0x0  }
.Ltmp3:
0xa0: {  	[sflag:s21] =	ssyncadd.s32 $0xFFFFC000;
	(pc) =	sbr.rel @p0 .LBB2_1-.Ltmp3, $4  }
0xa1: {  	[hbm4b:s18+s2] =	stream.linear.scatter [tilespmem:s20], [sflag:$0x2], $0x4000, $0x38;
	[tilespmem:$0x1C100] =	vst v63  }
0xa2: {  	_ =	swait.ge [sflag:s21], $0x4000  }
0xa3: {  	[sflag:s21] =	ssyncset.done $0x0  }
0xa4: {  	[sflag:s21] =	ssyncadd.s32 $0xFFFFC000  }
0xa5: {  	_ =	sfence.sel $0x180000  }
0xa6: {  	[bflag:$0x0] =	sbarrier.arrive $0xFFFF  }
0xa7: {  	p0 =	sne.s32 s3, $0x0;
	_ =	strace $0x9000004A  }
0xa8: {  	s0 =	sadd.s32 @!p0 $0x100000, s0;
	[bflag:$0x2] =	sbarrier.arrive $0xFFFF  }
0xa9: {  	[sflag:s0] =	ssyncadd.tile.s32 @!p0 $0x1;
	_ =	shalt  }
.Lfunc_end2:
_tile_overlayer_lowered:
.L_overlay_start_2:
0xaa: {  	(tag) =	ssettag $0x2  }
0xab: {  	s0 =	rddreg [dreg:$0x0];
	s2 =	stileid.u32  }
0xac: {  	s1 =	rddreg [dreg:$0x1];
	p0 =	sne.s32 s2, $0x0  }
0xad: {  	s3 =	rddreg [dreg:$0x2];
	[bflag:$0x3] =	sbarrier.arrive $0xFFFF;
	s2 =	simm.s32 @!p0 $0x1C02  }
0xae: {  	[timem:s3], [sflag:s2] =	dma.local @!p0 [hbm:s0], s1  }
0xaf: {  	s0 =	simm.s32 @!p0 $0x2  }
0xb0: {  	_ =	swait.ge @!p0 [sflag:s0], s1  }
0xb1: {  	s1 =	ssub.s32 @!p0 $0x0, s1;
	[sflag:s0] =	ssyncset.done @!p0 $0x0  }
0xb2: {  	[sflag:s0] =	ssyncadd.s32 @!p0 s1  }
0xb3: {  	[bflag:$0x3] =	sbarrier.arrive $0xFFFF  }
0xb4: {  	_ =	shalt  }

// kernel: kernel.16.cloned.1.call-start
scs
__scs_entry_jumppad:
0x0: {  	(pc) =	sbr.rel $0x88, $3  }
0x1: {  	(tag) =	ssettag $0x0;
	lr =	simm.s32 $0x1  }
0x2: {  	[smem:$0x3F78] =	sst lr;
	_ =	strace $0xD0000000  }
0x3: {  	_ = 	snop  }
0x4: {  	_ = 	snop  }
0x5: {  	_ = 	snop  }
0x6: {  	_ = 	snop  }
0x7: {  	_ = 	snop  }
__scs_overlays_trampoline_lowered:
0x8: {  	[smem:$0x3F87] =	sst s0  }
0x9: {  	[smem:$0x3F88] =	sst s1  }
0xa: {  	[smem:$0x3F89] =	sst s2  }
0xb: {  	[smem:$0x3F8A] =	sst s3  }
0xc: {  	[smem:$0x3F8B] =	sst s4  }
0xd: {  	[smem:$0x3F8C] =	sst s5  }
0xe: {  	[smem:$0x3F8D] =	sst s6  }
0xf: {  	[smem:$0x3F8E] =	sst s7  }
0x10: {  	[smem:$0x3F8F] =	sst s8  }
0x11: {  	[smem:$0x3F90] =	sst s9;
	s0 =	simm.s32 @!p0 $0x0  }
0x12: {  	s1 =	sld [smem:$0x3F76];
	s0 =	simm.s32 @p0 $0x1  }
0x13: {  	[smem:$0x3F91] =	sst s0;
	s0 =	simm.s32 @!p1 $0x0  }
0x14: {  	s2 =	sld [smem:$0x3F75];
	s0 =	simm.s32 @p1 $0x1  }
0x15: {  	[smem:$0x3F92] =	sst s0;
	s0 =	simm.s32 @!p2 $0x0  }
0x16: {  	s3 =	sld [smem:$0x3FDB];
	s0 =	simm.s32 @p2 $0x1  }
0x17: {  	s4 =	simm.s32 $0x1BF5;
	[smem:$0x3F94] =	sst s0  }
0x18: {  	s0 =	sld [smem:$0x3F77];
	_ =	swait.ge [sflag:s4], $0x0  }
0x19: {  	s7 =	sld [smem:$0x3F78]  }
0x1a: {  	s8 =	sadd.s32 $0xFFFFE003, lr  }
0x1b: {  	s9 =	sadd.s32 $0xFFFFFEF7, lr;
	s5 =	simm.s32 $0xFFFFFFFF;
	p2 =	slt.u32 s8, $0xFFFFF086  }
0x1c: {  	p1 =	slt.u32 s9, $0xF7A;
	s5 =	simm.s32 @!p2 $0x0  }
0x1d: {  	s5 =	simm.s32 @p1 $0x1;
	p0 =	seq.s32 s7, s2  }
0x1e: {  	s7 =	smul.u32 @!p0 $0xF7A, s2;
	p2 =	seq.s32 @!p0 s5, $0x0  }
0x1f: {  	s9 =	smul.u32 $0xF7A, s1;
	s8 =	simm.s32 @!p0 $0x1BF5;
	p2 =	por !p2, p0  }
0x20: {  	[sflag:s8] =	ssyncset.s32 @!p0 $0xFFFFF086;
	s6 =	sadd.s32 @!p0 s3, s7;
	s7 =	simm.s32 @!p0 $0x108  }
0x21: {  	s3 =	sadd.s32 s3, s9;
	s6 =	sadd.s32 @!p0 $0x88, s6;
	s7 =	simm.s32 @p2 $0x1082  }
0x22: {  	[simem:s7], [sflag:s8] =	dma.local @!p0 [hbm:s6], $0xF7A  }
0x23: {  	s9 =	sor.u32 $0xD0000000, s2;
	s6 =	simm.s32 $0x108;
	_ =	swait.ge @!p0 [sflag:s8], $0x0  }
0x24: {  	s3 =	sadd.s32 $0x88, s3;
	s6 =	simm.s32 @!p1 $0x1082;
	[sflag:s4] =	ssyncset.s32 $0xFFFFF086  }
0x25: {  	[simem:s6], [sflag:s4] =	dma.local [hbm:s3], $0xF7A  }
0x26: {  	[smem:$0x3F78] =	sst s1;
	(tag) =	ssettag s2;
	_ =	strace s9  }
0x27: {  	s1 =	sld [smem:$0x3F88]  }
0x28: {  	s2 =	sld [smem:$0x3F89]  }
0x29: {  	s4 =	sld [smem:$0x3F8B]  }
0x2a: {  	p0 =	seq.s32 s5, $0x0;
	s5 =	sld [smem:$0x3F8C]  }
0x2b: {  	s6 =	sld [smem:$0x3F8D]  }
0x2c: {  	s7 =	sld [smem:$0x3F8E]  }
0x2d: {  	s3 =	simm.s32 $0x108;
	s8 =	sld [smem:$0x3F8F]  }
0x2e: {  	s3 =	simm.s32 @!p0 $0x1082;
	s9 =	sld [smem:$0x3F90]  }
0x2f: {  	lr =	sadd.s32 s0, s3;
	s0 =	sld [smem:$0x3F87]  }
0x30: {  	s3 =	sld [smem:$0x3F8A]  }
0x31: {  	[smem:$0x3F93] =	sst s10  }
0x32: {  	s10 =	sld [smem:$0x3F91];
	_ =	sdelay $0x3  }
0x33: {  	p0 =	seq.s32 s10, $0x1;
	s10 =	sld [smem:$0x3F93];
	_ =	sdelay $0x3  }
0x34: {  	[smem:$0x3F93] =	sst s10  }
0x35: {  	s10 =	sld [smem:$0x3F92];
	_ =	sdelay $0x3  }
0x36: {  	p1 =	seq.s32 s10, $0x1;
	s10 =	sld [smem:$0x3F93];
	_ =	sdelay $0x3  }
0x37: {  	[smem:$0x3F93] =	sst s10  }
0x38: {  	s10 =	sld [smem:$0x3F94]  }
0x39: {  	_ = 	snop;
	(pc) =	sbr.ind lr, $3  }
0x3a: {  	_ = 	snop  }
0x3b: {  	_ = 	snop  }
0x3c: {  	p2 =	seq.s32 s10, $0x1;
	s10 =	sld [smem:$0x3F93]  }
0x3d: {  	_ =	shalt  }
0x3e: {  	_ =	shalt  }
0x3f: {  	_ =	shalt  }
0x40: {  	_ =	shalt  }
0x41: {  	_ =	shalt  }
0x42: {  	_ =	shalt  }
0x43: {  	_ =	shalt  }
0x44: {  	_ =	shalt  }
0x45: {  	_ =	shalt  }
0x46: {  	_ =	shalt  }
0x47: {  	_ =	shalt  }
0x48: {  	_ =	shalt  }
0x49: {  	_ =	shalt  }
0x4a: {  	_ =	shalt  }
0x4b: {  	_ =	shalt  }
0x4c: {  	_ =	shalt  }
0x4d: {  	_ =	shalt  }
0x4e: {  	_ =	shalt  }
0x4f: {  	_ =	shalt  }
0x50: {  	_ =	shalt  }
0x51: {  	_ =	shalt  }
0x52: {  	_ =	shalt  }
0x53: {  	_ =	shalt  }
0x54: {  	_ =	shalt  }
0x55: {  	_ =	shalt  }
0x56: {  	_ =	shalt  }
0x57: {  	_ =	shalt  }
0x58: {  	_ =	shalt  }
0x59: {  	_ =	shalt  }
0x5a: {  	_ =	shalt  }
0x5b: {  	_ =	shalt  }
0x5c: {  	_ =	shalt  }
0x5d: {  	_ =	shalt  }
0x5e: {  	_ =	shalt  }
0x5f: {  	_ =	shalt  }
0x60: {  	_ =	shalt  }
0x61: {  	_ =	shalt  }
0x62: {  	_ =	shalt  }
0x63: {  	_ =	shalt  }
0x64: {  	_ =	shalt  }
0x65: {  	_ =	shalt  }
0x66: {  	_ =	shalt  }
0x67: {  	_ =	shalt  }
0x68: {  	_ =	shalt  }
0x69: {  	_ =	shalt  }
0x6a: {  	_ =	shalt  }
0x6b: {  	_ =	shalt  }
0x6c: {  	_ =	shalt  }
0x6d: {  	_ =	shalt  }
0x6e: {  	_ =	shalt  }
0x6f: {  	_ =	shalt  }
0x70: {  	_ =	shalt  }
0x71: {  	_ =	shalt  }
0x72: {  	_ =	shalt  }
0x73: {  	_ =	shalt  }
0x74: {  	_ =	shalt  }
0x75: {  	_ =	shalt  }
0x76: {  	_ =	shalt  }
0x77: {  	_ =	shalt  }
0x78: {  	_ =	shalt  }
0x79: {  	_ =	shalt  }
0x7a: {  	_ =	shalt  }
0x7b: {  	_ =	shalt  }
0x7c: {  	_ =	shalt  }
0x7d: {  	_ =	shalt  }
0x7e: {  	_ =	shalt  }
0x7f: {  	_ =	shalt  }
0x80: {  	_ =	shalt  }
0x81: {  	_ =	shalt  }
0x82: {  	_ =	shalt  }
0x83: {  	_ =	shalt  }
0x84: {  	_ =	shalt  }
0x85: {  	_ =	shalt  }
0x86: {  	_ =	shalt  }
0x87: {  	_ =	shalt  }
.Lfunc_end0:
.L_simem_size_0:
called_computation.2_lowered:
.L_overlay_start_0:
0x88: {  	s2 =	sld [smem:$0x3FD9]  }
0x89: {  	s3 =	sld [smem:$0x3FFE];
	_ =	sdelay $0x1  }
0x8a: {  	s1 =	srdreg.scid  }
0x8b: {  	s0 =	sand.u32 $0x1, s1  }
0x8c: {  	s16 =	sshll.u32 s0, $0xA;
	s2 =	sadd.s32 s3, s2  }
0x8d: {  	s2 =	sadd.s32 s2, s16  }
0x8e: {  	[smem:$0x3F9F] =	sst s2  }
0x8f: {  	_ = 	snop  }
0x90: {  	(tm) =	ssettm $0x1  }
0x91: {  	s17 =	sld [smem:$0x3FFB];
	_ =	sdelay $0x3  }
0x92: {  	_ =	strace s17  }
0x93: {  	s2 =	sld [smem:$0x3FFC];
	_ =	sdelay $0x3  }
0x94: {  	_ =	strace s2  }
0x95: {  	s2 =	sld [smem:$0x3FFD];
	_ =	sdelay $0x3  }
0x96: {  	_ =	strace s2  }
0x97: {  	_ =	strace $0x8FFFFFFF  }
0x98: {  	s18 =	sld [smem:$0x3FDB];
	_ =	sdelay $0x1  }
0x99: {  	s19 =	simm.s32 $_scs_section_size  }
0x9a: {  	s4 =	simm.s32 $_size__tile_overlayer_lowered;
	s5 =	simm.s32 $_tile_overlayer_lowered  }
0x9b: {  	s22 =	simm.s32 $0x1BFF;
	s21 =	sshll.u32 s5, $0x1;
	s2 =	sadd.s32 s19, s18  }
0x9c: {  	s6 =	simm.s32 $0x0;
	s20 =	sshll.u32 s4, $0x1;
	s4 =	sadd.s32 s21, s2  }
0x9d: {  	[timem:s6], [sflag:s22] =	dma.local [hbm:s4], s20  }
0x9e: {  	_ =	swait.ge [sflag:s22], s20  }
0x9f: {  	s3 =	ssub.s32 $0x0, s20;
	[sflag:s22] =	ssyncset.done $0x0  }
0xa0: {  	[sflag:s22] =	ssyncadd.s32 s3;
	_ =	sdelay $0x1  }
0xa1: {  	s23 =	simm.s32 $0x1B8B  }
0xa2: {  	_ =	swait.ge [sflag:s23], $0x1  }
0xa3: {  	[sflag:s23] =	ssyncset.done $0x0  }
0xa4: {  	s25 =	simm.s32 $0x1B8E;
	s24 =	sld [smem:$0x3FFE];
	[sflag:s23] =	ssyncadd.s32 $0xFFFFFFFF  }
0xa5: {  	s26 =	simm.s32 $execute0_lowered;
	[smem:$0x3FD2] =	sst s25  }
0xa6: {  	s4 =	sshll.u32 s26, $0x1;
	_ =	strace $0x8000004C;
	[dreg:$0x1] =	wrdreg $0xFFFFFFFF  }
0xa7: {  	s28 =	simm.s32 $_size_execute0_lowered;
	s2 =	sadd.s32 s2, s4;
	[dreg:$0x0] =	wrdreg $0x0  }
0xa8: {  	s4 =	sshll.u32 s28, $0x1;
	[dreg:$0x2] =	wrdreg s2  }
0xa9: {  	[dreg:$0x3] =	wrdreg s4  }
0xaa: {  	[dreg:$0x4] =	wrdreg $0xC0  }
0xab: {  	_ =	task [dreg:s6], $0x5FFFF  }
0xac: {  	[dreg:$0x1] =	wrdreg $0xFFFFFFFF  }
0xad: {  	[dreg:$0x0] =	wrdreg $0x60  }
0xae: {  	[dreg:$0x2] =	wrdreg s24  }
0xaf: {  	[dreg:$0x3] =	wrdreg $0x81000  }
0xb0: {  	[dreg:$0x4] =	wrdreg $0x9  }
0xb1: {  	_ =	task.clear_ibuf [dreg:s6], $0x5FFFF;
	_ =	strace $0x9000004C  }
0xb2: {  	s29 =	simm.s32 $0x9;
	_ =	strace $0x8000004E  }
0xb3: {  	_ =	swait.ge [sflag:s29], $0x1  }
0xb4: {  	[sflag:s29] =	ssyncadd.s32 $0xFFFFFFFF  }
0xb5: {  	_ =	strace $0x9000004E  }
0xb6: {  	_ =	sfence  }
0xb7: {  	s30 =	sld [smem:$0x0];
	_ =	sdelay $0x2  }
0xb8: {  	s31 =	sshll.u32 s1, $0xD;
	s1 =	sshrl.u32 s1, $0x2  }
0xb9: {  	s3 =	sand.u32 $0x4000, s31;
	s1 =	sadd.s32 s1, s30  }
0xba: {  	s0 =	sor.u32 s3, s0;
	s1 =	sshll.u32 s1, $0x11  }
0xbb: {  	s0 =	sor.u32 s1, s0  }
0xbc: {  	s0 =	sadd.s32 $0x8F2B, s0  }
0xbd: {  	[sflag:s0] =	ssyncadd.remote.s32 $0x1  }
0xbe: {  	_ =	sfence.sel $0xFFFF  }
0xbf: {  	[dreg:$0x0] =	wrdreg $0xFFFFFFFF;
	(pc) =	sbr.abs _section_cstart, $3  }
0xc0: {  	[dreg:$0x1] =	wrdreg $0xFFFFFFFF  }
0xc1: {  	_ =	task.clear_ibuf [dreg:s6], $0x2FFFF;
	_ =	strace $0x9FFFFFFF  }
0xc2: {  	(tm) =	ssettm $0x7FFFFFFF  }
0xc3: {  	_ =	shalt  }
tec
execute0_lowered:
.L_overlay_start_1:
0x0: {  	(tag) =	ssettag $0x1  }
0x1: {  	s8 =	rddreg [dreg:$0x0]  }
0x2: {  	s1 =	rddreg [dreg:$0x1]  }
0x3: {  	s0 =	rddreg [dreg:$0x2];
	s2 =	simm.s32 $0x0  }
0x4: {  	s5 =	srdreg.scid;
	s3 =	stileid.u32;
	s23 =	simm.s32 $0x100  }
0x5: {  	s24 =	simm.s32 $0x1;
	s25 =	simm.s32 $0x0;
	[smem:$0x7FF] =	sst s2  }
0x6: {  	s4 =	sadd.s32 $0x42800, s8;
	s10 =	sand.u32 $0x1, s5;
	s11 =	smul.u32 $0x50000, s3  }
0x7: {  	s5 =	sadd.s32 $0x13B9A00, s8;
	s6 =	sadd.s32 $0x7A00, s8;
	s13 =	smul.u32 $0x14000, s3  }
0x8: {  	s7 =	sadd.s32 $0x11800, s8;
	s18 =	sadd.s32 $0x69A00, s8;
	_ =	strace $0x8000004D  }
0x9: {  	s9 =	ssub.s32 $0x2, s10;
	s28 =	sshll.u32 s10, $0x4;
	s20 =	smul.u32 $0x140000, s10  }
0xa: {  	s12 =	sshrl.u32 s9, $0x1;
	s29 =	sshrl.u32 s11, $0x2;
	s14 =	sadd.s32 $0x4000, s13  }
0xb: {  	s15 =	sor.u32 s3, s28;
	s16 =	sadd.s32 $0x8000, s13;
	s17 =	sadd.s32 $0xC000, s13  }
0xc: {  	s21 =	sadd.s32 $0x10000, s13;
	s19 =	ssub.s32 s9, s12;
	s8 =	sadd.s32 s29, s1  }
0xd: {  	s9 =	sadd.s32 s14, s1;
	s10 =	sadd.s32 s16, s1;
	s11 =	sadd.s32 s17, s1  }
0xe: {  	s12 =	sadd.s32 s21, s1;
	s22 =	sadd.s32 s13, s20;
	s14 =	sadd.s32 s20, s14  }
0xf: {  	s13 =	smul.u32 $0x2780, s15;
	s16 =	sadd.s32 s20, s16;
	s17 =	sadd.s32 s20, s17  }
0x10: {  	s20 =	sadd.s32 s20, s21;
	s21 =	simm.s32 $0x2;
	s30 =	sshrl.u32 s22, $0x3  }
0x11: {  	s31 =	sshrl.u32 s14, $0x3;
	s16 =	sshrl.u32 s16, $0x3;
	s17 =	sshrl.u32 s17, $0x3  }
0x12: {  	s20 =	sshrl.u32 s20, $0x3;
	s19 =	smax.u32 s19, $0x1;
	s22 =	simm.s32 $0x80  }
0x13: {  	s14 =	sadd.s32 s18, s30;
	s15 =	sadd.s32 s18, s31;
	s16 =	sadd.s32 s18, s16  }
0x14: {  	v0 =	vimm.f32 $0.0e+00;
	s17 =	sadd.s32 s18, s17;
	s18 =	sadd.s32 s18, s20;
	s20 =	simm.s32 $0x4100  }
.LBB2_1:
0x15: {  	s26 =	simm.s32 $0x0;
	s28 =	simm.s32 $0x200  }
.LBB2_2:
0x16: {  	p0 =	sne.s32 s28, $0xFE00;
	[tilespmem:s26+$0x4170] =	vst v0  }
0x17: {  	[tilespmem:s26+$0x4100] =	vst v0  }
0x18: {  	[tilespmem:s26+$0x4110] =	vst v0  }
.Ltmp0:
0x19: {  	[tilespmem:s26+$0x4120] =	vst v0;
	(pc) =	sbr.rel @p0 .LBB2_2-.Ltmp0, $4  }
0x1a: {  	[tilespmem:s26+$0x4130] =	vst v0  }
0x1b: {  	[tilespmem:s26+$0x4140] =	vst v0  }
0x1c: {  	[tilespmem:s26+$0x4150] =	vst v0  }
0x1d: {  	[tilespmem:s26+$0x4160] =	vst v0;
	s26 =	sshra.s32 s28, $0x2;
	s28 =	sadd.s32 $0x200, s28  }
0x1e: {  	[tilespmem:s26+$0x4170] =	vst v0  }
0x1f: {  	[tilespmem:s26+$0x4100] =	vst v0  }
0x20: {  	[tilespmem:s26+$0x4110] =	vst v0  }
0x21: {  	[tilespmem:s26+$0x4120] =	vst v0  }
0x22: {  	[tilespmem:s26+$0x4130] =	vst v0  }
0x23: {  	[tilespmem:s26+$0x4140] =	vst v0  }
0x24: {  	[tilespmem:s26+$0x4150] =	vst v0  }
0x25: {  	[tilespmem:s26+$0x4160] =	vst v0  }
0x26: {  	[spmem:s8] =	stream.linear.scatter [tilespmem:s20], [sflag:$0x2], $0x4000, $0x38;
	[tilespmem:$0x1C100] =	vst v63  }
0x27: {  	_ =	swait.ge [sflag:s21], $0x4000  }
0x28: {  	[sflag:s21] =	ssyncset.done $0x0  }
0x29: {  	[sflag:s21] =	ssyncadd.s32 $0xFFFFC000  }
0x2a: {  	[spmem:s9] =	stream.linear.scatter [tilespmem:s20], [sflag:$0x2], $0x4000, $0x38;
	[tilespmem:$0x1C100] =	vst v63  }
0x2b: {  	_ =	swait.ge [sflag:s21], $0x4000  }
0x2c: {  	[sflag:s21] =	ssyncset.done $0x0  }
0x2d: {  	[sflag:s21] =	ssyncadd.s32 $0xFFFFC000  }
0x2e: {  	[spmem:s10] =	stream.linear.scatter [tilespmem:s20], [sflag:$0x2], $0x4000, $0x38;
	[tilespmem:$0x1C100] =	vst v63  }
0x2f: {  	_ =	swait.ge [sflag:s21], $0x4000  }
0x30: {  	[sflag:s21] =	ssyncset.done $0x0  }
0x31: {  	[sflag:s21] =	ssyncadd.s32 $0xFFFFC000  }
0x32: {  	[spmem:s11] =	stream.linear.scatter [tilespmem:s20], [sflag:$0x2], $0x4000, $0x38;
	[tilespmem:$0x1C100] =	vst v63  }
0x33: {  	_ =	swait.ge [sflag:s21], $0x4000  }
0x34: {  	[sflag:s21] =	ssyncset.done $0x0  }
0x35: {  	[sflag:s21] =	ssyncadd.s32 $0xFFFFC000  }
0x36: {  	[spmem:s12] =	stream.linear.scatter [tilespmem:s20], [sflag:$0x2], $0x4000, $0x38;
	[tilespmem:$0x1C100] =	vst v63  }
0x37: {  	_ =	swait.ge [sflag:s21], $0x4000  }
0x38: {  	[sflag:s21] =	ssyncset.done $0x0  }
0x39: {  	[sflag:s21] =	ssyncadd.s32 $0xFFFFC000  }
0x3a: {  	s26 =	simm.s32 $0x0;
	s28 =	simm.s32 $0x0;
	[bflag:$0x0] =	sbarrier.arrive $0xFFFF  }
.LBB2_4:
0x3b: {  	s29 =	sshll.u32 s28, $0x7  }
0x3c: {  	s29 =	sadd.s32 s13, s29  }
0x3d: {  	s30 =	sshrl.u32 s29, $0x3  }
0x3e: {  	s31 =	sadd.s32 s6, s30  }
0x3f: {  	[tilespmem:s26], [sflag:$0x2] =	stream.linear.gather [hbm4b:s31+s26], $0x80, $0x38;
	[tilespmem:$0x1C100] =	vst v63  }
0x40: {  	_ =	swait.ge [sflag:s21], $0x80  }
0x41: {  	[sflag:s21] =	ssyncset.done $0x0  }
0x42: {  	s30 =	sadd.s32 s7, s30;
	[sflag:s21] =	ssyncadd.s32 $0xFFFFFF80  }
0x43: {  	[tilespmem:s22], [sflag:$0x2] =	stream.linear.gather [hbm4b:s30+s26], $0x80, $0x38;
	[tilespmem:$0x1C100] =	vst v63  }
0x44: {  	_ =	swait.ge [sflag:s21], $0x80  }
0x45: {  	[sflag:s21] =	ssyncset.done $0x0  }
0x46: {  	s29 =	sshll.u32 s29, $0x4;
	[sflag:s21] =	ssyncadd.s32 $0xFFFFFF80  }
0x47: {  	[tilespmem:s23], [sflag:$0x1] =	stream.indirect.gather [hbm4b:s4+s22], $0x80, s26, s22, $0xb8;
	[tilespmem:$0x1C100] =	vst v63  }
0x48: {  	s29 =	sadd.s32 s5, s29  }
0x49: {  	[tilespmem:s20], [sflag:$0x2] =	stream.linear.gather [hbm4b:s29+s26], $0x4000, $0x38;
	[tilespmem:$0x1C100] =	vst v63  }
0x4a: {  	_ =	swait.ge [sflag:s21], $0x4000  }
0x4b: {  	[sflag:s21] =	ssyncset.done $0x0  }
0x4c: {  	[sflag:s21] =	ssyncadd.s32 $0xFFFFC000  }
0x4d: {  	_ =	swait.ge [sflag:s24], $0x4000  }
0x4e: {  	[sflag:s24] =	ssyncset.done $0x0  }
0x4f: {  	s29 =	simm.s32 $0x0;
	[sflag:s24] =	ssyncadd.s32 $0xFFFFC000  }
0x50: {  	v7 =	vld [tilespmem:s29+$0x4100]  }
0x51: {  	v12 =	vld [tilespmem:s29+$0x4110]  }
0x52: {  	v6 =	vld [tilespmem:s29+$0x4120]  }
0x53: {  	v5 =	vld [tilespmem:s29+$0x4130]  }
0x54: {  	v4 =	vld [tilespmem:s29+$0x4140]  }
0x55: {  	v3 =	vld [tilespmem:s29+$0x4150]  }
0x56: {  	v2 =	vld [tilespmem:s29+$0x4160]  }
0x57: {  	v1 =	vld [tilespmem:s29+$0x4170]  }
0x58: {  	v13 =	vld [tilespmem:s29+$0x100]  }
0x59: {  	v14 =	vld [tilespmem:s29+$0x110]  }
0x5a: {  	v11 =	vld [tilespmem:s29+$0x120]  }
0x5b: {  	v10 =	vld [tilespmem:s29+$0x130]  }
0x5c: {  	v9 =	vld [tilespmem:s29+$0x140]  }
0x5d: {  	v8 =	vld [tilespmem:s29+$0x150];
	v13 =	vadd.f32 v7, v13  }
0x5e: {  	s30 =	simm.s32 $0x200;
	v12 =	vadd.f32 v12, v14;
	v7 =	vld [tilespmem:s29+$0x160]  }
.LBB2_5:
0x5f: {  	s31 =	sshra.s32 s30, $0x2;
	p0 =	sne.s32 s30, $0xFE00;
	v13 =	vmax.f32 v13, $0.0e+00;
	v6 =	vadd.f32 v6, v11;
	v11 =	vld [tilespmem:s29+$0x170]  }
0x60: {  	v14 =	vld [tilespmem:s31+$0x4100];
	[tilespmem:s29+$0x100] =	vst v13;
	v12 =	vmax.f32 v12, $0.0e+00;
	v5 =	vadd.f32 v5, v10  }
0x61: {  	v15 =	vld [tilespmem:s31+$0x4110];
	[tilespmem:s29+$0x110] =	vst v12;
	v10 =	vmax.f32 v6, $0.0e+00;
	v4 =	vadd.f32 v4, v9  }
0x62: {  	v6 =	vld [tilespmem:s31+$0x4120];
	[tilespmem:s29+$0x120] =	vst v10;
	v9 =	vmax.f32 v5, $0.0e+00;
	v3 =	vadd.f32 v3, v8  }
0x63: {  	v5 =	vld [tilespmem:s31+$0x4130];
	[tilespmem:s29+$0x130] =	vst v9;
	v8 =	vmax.f32 v4, $0.0e+00;
	v2 =	vadd.f32 v2, v7  }
0x64: {  	v4 =	vld [tilespmem:s31+$0x4140];
	[tilespmem:s29+$0x140] =	vst v8;
	v7 =	vmax.f32 v3, $0.0e+00;
	v1 =	vadd.f32 v1, v11  }
0x65: {  	v3 =	vld [tilespmem:s31+$0x4150];
	[tilespmem:s29+$0x150] =	vst v7;
	v7 =	vmax.f32 v2, $0.0e+00  }
0x66: {  	v2 =	vld [tilespmem:s31+$0x4160];
	[tilespmem:s29+$0x160] =	vst v7;
	v7 =	vmax.f32 v1, $0.0e+00  }
0x67: {  	v1 =	vld [tilespmem:s31+$0x4170];
	[tilespmem:s29+$0x170] =	vst v7;
	s29 =	smov.u32 s31  }
0x68: {  	v7 =	vld [tilespmem:s29+$0x100]  }
0x69: {  	v12 =	vld [tilespmem:s29+$0x110]  }
.Ltmp1:
0x6a: {  	v11 =	vld [tilespmem:s29+$0x120];
	(pc) =	sbr.rel @p0 .LBB2_5-.Ltmp1, $4  }
0x6b: {  	v10 =	vld [tilespmem:s29+$0x130]  }
0x6c: {  	v9 =	vld [tilespmem:s29+$0x140]  }
0x6d: {  	v13 =	vadd.f32 v14, v7;
	v8 =	vld [tilespmem:s29+$0x150]  }
0x6e: {  	s30 =	sadd.s32 $0x200, s30;
	v12 =	vadd.f32 v15, v12;
	v7 =	vld [tilespmem:s29+$0x160]  }
0x6f: {  	v13 =	vmax.f32 v13, $0.0e+00;
	v6 =	vadd.f32 v6, v11;
	v63 =	vld [tilespmem:s29+$0x170]  }
0x70: {  	[tilespmem:s29+$0x100] =	vst v13;
	v12 =	vmax.f32 v12, $0.0e+00;
	v5 =	vadd.f32 v5, v10  }
0x71: {  	[tilespmem:s29+$0x110] =	vst v12;
	v6 =	vmax.f32 v6, $0.0e+00;
	v4 =	vadd.f32 v4, v9  }
0x72: {  	[tilespmem:s29+$0x120] =	vst v6;
	v5 =	vmax.f32 v5, $0.0e+00;
	v3 =	vadd.f32 v3, v8  }
0x73: {  	[tilespmem:s29+$0x130] =	vst v5;
	v4 =	vmax.f32 v4, $0.0e+00;
	v2 =	vadd.f32 v2, v7  }
0x74: {  	[tilespmem:s29+$0x140] =	vst v4;
	v3 =	vmax.f32 v3, $0.0e+00;
	v1 =	vadd.f32 v1, v63  }
0x75: {  	s28 =	sadd.s32 $0x1, s28;
	[tilespmem:s29+$0x150] =	vst v3;
	v2 =	vmax.f32 v2, $0.0e+00  }
0x76: {  	p0 =	sne.s32 s28, $0x4F;
	[tilespmem:s29+$0x160] =	vst v2;
	v1 =	vmax.f32 v1, $0.0e+00  }
.Ltmp2:
0x77: {  	[tilespmem:s29+$0x170] =	vst v1;
	(pc) =	sbr.rel @p0 .LBB2_4-.Ltmp2, $4  }
0x78: {  	[spmem:s1] =	stream.indirect.scatter.add.f32 [tilespmem:s23], [sflag:$0x2], $0x80, s22, s22, $0xb8;
	[tilespmem:$0x1C100] =	vst v63  }
0x79: {  	_ =	swait.ge [sflag:s21], $0x4000  }
0x7a: {  	[sflag:s21] =	ssyncset.done $0x0  }
0x7b: {  	[sflag:s21] =	ssyncadd.s32 $0xFFFFC000  }
0x7c: {  	[bflag:$0x0] =	sbarrier.arrive $0xFFFF  }
0x7d: {  	[tilespmem:s20], [sflag:$0x2] =	stream.linear.gather [spmem:s8], $0x4000, $0x38;
	[tilespmem:$0x1C100] =	vst v63  }
0x7e: {  	_ =	swait.ge [sflag:s21], $0x4000  }
0x7f: {  	[sflag:s21] =	ssyncset.done $0x0  }
0x80: {  	[sflag:s21] =	ssyncadd.s32 $0xFFFFC000  }
0x81: {  	[hbm4b:s14+s2] =	stream.linear.scatter [tilespmem:s20], [sflag:$0x2], $0x4000, $0x38;
	[tilespmem:$0x1C100] =	vst v63  }
0x82: {  	_ =	swait.ge [sflag:s21], $0x4000  }
0x83: {  	[sflag:s21] =	ssyncset.done $0x0  }
0x84: {  	[sflag:s21] =	ssyncadd.s32 $0xFFFFC000  }
0x85: {  	[tilespmem:s20], [sflag:$0x2] =	stream.linear.gather [spmem:s9], $0x4000, $0x38;
	[tilespmem:$0x1C100] =	vst v63  }
0x86: {  	_ =	swait.ge [sflag:s21], $0x4000  }
0x87: {  	[sflag:s21] =	ssyncset.done $0x0  }
0x88: {  	[sflag:s21] =	ssyncadd.s32 $0xFFFFC000  }
0x89: {  	[hbm4b:s15+s2] =	stream.linear.scatter [tilespmem:s20], [sflag:$0x2], $0x4000, $0x38;
	[tilespmem:$0x1C100] =	vst v63  }
0x8a: {  	_ =	swait.ge [sflag:s21], $0x4000  }
0x8b: {  	[sflag:s21] =	ssyncset.done $0x0  }
0x8c: {  	[sflag:s21] =	ssyncadd.s32 $0xFFFFC000  }
0x8d: {  	[tilespmem:s20], [sflag:$0x2] =	stream.linear.gather [spmem:s10], $0x4000, $0x38;
	[tilespmem:$0x1C100] =	vst v63  }
0x8e: {  	_ =	swait.ge [sflag:s21], $0x4000  }
0x8f: {  	[sflag:s21] =	ssyncset.done $0x0  }
0x90: {  	[sflag:s21] =	ssyncadd.s32 $0xFFFFC000  }
0x91: {  	[hbm4b:s16+s2] =	stream.linear.scatter [tilespmem:s20], [sflag:$0x2], $0x4000, $0x38;
	[tilespmem:$0x1C100] =	vst v63  }
0x92: {  	_ =	swait.ge [sflag:s21], $0x4000  }
0x93: {  	[sflag:s21] =	ssyncset.done $0x0  }
0x94: {  	[sflag:s21] =	ssyncadd.s32 $0xFFFFC000  }
0x95: {  	[tilespmem:s20], [sflag:$0x2] =	stream.linear.gather [spmem:s11], $0x4000, $0x38;
	[tilespmem:$0x1C100] =	vst v63  }
0x96: {  	_ =	swait.ge [sflag:s21], $0x4000  }
0x97: {  	[sflag:s21] =	ssyncset.done $0x0  }
0x98: {  	[sflag:s21] =	ssyncadd.s32 $0xFFFFC000  }
0x99: {  	[hbm4b:s17+s2] =	stream.linear.scatter [tilespmem:s20], [sflag:$0x2], $0x4000, $0x38;
	[tilespmem:$0x1C100] =	vst v63  }
0x9a: {  	_ =	swait.ge [sflag:s21], $0x4000  }
0x9b: {  	[sflag:s21] =	ssyncset.done $0x0  }
0x9c: {  	[sflag:s21] =	ssyncadd.s32 $0xFFFFC000  }
0x9d: {  	[tilespmem:s20], [sflag:$0x2] =	stream.linear.gather [spmem:s12], $0x4000, $0x38;
	[tilespmem:$0x1C100] =	vst v63  }
0x9e: {  	s25 =	sadd.s32 $0x1, s25;
	_ =	swait.ge [sflag:s21], $0x4000  }
0x9f: {  	p0 =	sne.s32 s25, s19;
	[sflag:s21] =	ssyncset.done $0x0  }
.Ltmp3:
0xa0: {  	[sflag:s21] =	ssyncadd.s32 $0xFFFFC000;
	(pc) =	sbr.rel @p0 .LBB2_1-.Ltmp3, $4  }
0xa1: {  	[hbm4b:s18+s2] =	stream.linear.scatter [tilespmem:s20], [sflag:$0x2], $0x4000, $0x38;
	[tilespmem:$0x1C100] =	vst v63  }
0xa2: {  	_ =	swait.ge [sflag:s21], $0x4000  }
0xa3: {  	[sflag:s21] =	ssyncset.done $0x0  }
0xa4: {  	[sflag:s21] =	ssyncadd.s32 $0xFFFFC000  }
0xa5: {  	_ =	sfence.sel $0x180000  }
0xa6: {  	[bflag:$0x0] =	sbarrier.arrive $0xFFFF  }
0xa7: {  	p0 =	sne.s32 s3, $0x0;
	_ =	strace $0x9000004D  }
0xa8: {  	s0 =	sadd.s32 @!p0 $0x100000, s0;
	[bflag:$0x2] =	sbarrier.arrive $0xFFFF  }
0xa9: {  	[sflag:s0] =	ssyncadd.tile.s32 @!p0 $0x1;
	_ =	shalt  }
.Lfunc_end2:
_tile_overlayer_lowered:
.L_overlay_start_2:
0xaa: {  	(tag) =	ssettag $0x2  }
0xab: {  	s0 =	rddreg [dreg:$0x0];
	s2 =	stileid.u32  }
0xac: {  	s1 =	rddreg [dreg:$0x1];
	p0 =	sne.s32 s2, $0x0  }
0xad: {  	s3 =	rddreg [dreg:$0x2];
	[bflag:$0x3] =	sbarrier.arrive $0xFFFF;
	s2 =	simm.s32 @!p0 $0x1C02  }
0xae: {  	[timem:s3], [sflag:s2] =	dma.local @!p0 [hbm:s0], s1  }
0xaf: {  	s0 =	simm.s32 @!p0 $0x2  }
0xb0: {  	_ =	swait.ge @!p0 [sflag:s0], s1  }
0xb1: {  	s1 =	ssub.s32 @!p0 $0x0, s1;
	[sflag:s0] =	ssyncset.done @!p0 $0x0  }
0xb2: {  	[sflag:s0] =	ssyncadd.s32 @!p0 s1  }
0xb3: {  	[bflag:$0x3] =	sbarrier.arrive $0xFFFF  }
0xb4: {  	_ =	shalt  }

</sc_bundles>
